<compile_context>
chip_gen: v7x
topology: tpu7x:2x2x1
jax: 0.10.2.dev20260603
libtpu: 0.0.44.dev20260713+nightly
codegen_flags: <defaults>
</compile_context>

<pallas_src>
import functools

import jax
import jax.numpy as jnp
from jax import lax
from jax.experimental import pallas as pl
from jax.experimental.pallas import tpu as pltpu
from jax.experimental.pallas import tpu_sc as plsc

B = 1024
TLEN = 2048
GLEN = 200
D = 64
NTOK = 4
NT = B * TLEN
NG = B * GLEN

NC = 2
NS = 16
NW = NC * NS

T_PER_W = NT // NW
G_PER_W = NG // NW
BLK = 256
GPB = BLK // 128
NBUF = 4
T_ROUNDS = T_PER_W // (BLK * NBUF)
G_ROUNDS = G_PER_W // (BLK * NBUF)
G_LEFT = G_PER_W // BLK - G_ROUNDS * NBUF



def _table_body(nuc_ref, pos_ref, out_ref):
    for t in range(NTOK):
        out_ref[pl.ds(t * TLEN, TLEN), :] = pos_ref[...] + nuc_ref[pl.ds(t, 1), :]


_build_table = pl.pallas_call(
    _table_body,
    out_shape=jax.ShapeDtypeStruct((NTOK * TLEN, D), jnp.float32),
)


def _combine_body(tok_ref, pos_ref, out_ref):
    out_ref[...] = tok_ref[...] * TLEN + pos_ref[...]


_combine_target = pl.pallas_call(
    _combine_body,
    grid=(8,),
    in_specs=[
        pl.BlockSpec((B // 8, TLEN), lambda i: (i, 0)),
        pl.BlockSpec((B // 8, TLEN), lambda i: (i, 0)),
    ],
    out_specs=pl.BlockSpec((B // 8, TLEN), lambda i: (i, 0)),
    out_shape=jax.ShapeDtypeStruct((B, TLEN), jnp.int32),
)

_combine_guide = pl.pallas_call(
    _combine_body,
    out_shape=jax.ShapeDtypeStruct((B, GLEN), jnp.int32),
)



def _retile_g_body(in_ref, out_ref):
    y = in_ref[...].reshape(B // 8, GLEN, D)
    out_ref[...] = jnp.transpose(y, (1, 2, 0))


_retile_guide = pl.pallas_call(
    _retile_g_body,
    grid=(8,),
    in_specs=[pl.BlockSpec(((B // 8) * GLEN, D), lambda g: (g, 0))],
    out_specs=pl.BlockSpec((GLEN, D, B // 8), lambda g: (0, 0, g)),
    out_shape=jax.ShapeDtypeStruct((GLEN, D, B), jnp.float32),
    compiler_params=pltpu.CompilerParams(vmem_limit_bytes=100 * 1024 * 1024),
)



def _run_chunk(table_hbm, idx_hbm, out_hbm, idx_v, rows_v, sem_i, sem_g, sem_w,
               start, n_rounds, leftover):

    def stage(j, b):
        pltpu.async_copy(idx_hbm.at[pl.ds(start + j * BLK, BLK)],
                         idx_v.at[b], sem_i[b])

    def fire_gathers(b):
        for q in range(GPB):
            pltpu.async_copy(table_hbm.at[idx_v.at[b, pl.ds(q * 128, 128)]],
                             rows_v.at[b, pl.ds(q * 128, 128)], sem_g[b])

    def fire_write(j, b):
        pltpu.async_copy(rows_v.at[b], out_hbm.at[pl.ds(start + j * BLK, BLK)],
                         sem_w[b])

    def drain_i(b):
        pltpu.make_async_copy(idx_hbm.at[pl.ds(0, BLK)], idx_v.at[b],
                              sem_i[b]).wait()

    def drain_g(b):
        pltpu.make_async_copy(out_hbm.at[pl.ds(0, BLK)], rows_v.at[b],
                              sem_g[b]).wait()

    def drain_w(b):
        pltpu.make_async_copy(rows_v.at[b], out_hbm.at[pl.ds(0, BLK)],
                              sem_w[b]).wait()

    for b in range(NBUF):
        stage(b, b)
    for b in range(NBUF):
        drain_i(b)
        fire_gathers(b)

    def round_body(g, carry):
        for b in range(NBUF):
            drain_g(b)
            fire_write(NBUF * (g - 1) + b, b)
        for b in range(NBUF):
            stage(NBUF * g + b, b)
        for b in range(NBUF):
            drain_i(b)
            drain_w(b)
            fire_gathers(b)
        return carry

    if n_rounds > 1:
        lax.fori_loop(1, n_rounds, round_body, 0)

    for b in range(NBUF):
        drain_g(b)
        fire_write(NBUF * (n_rounds - 1) + b, b)
    for b in range(NBUF):
        drain_w(b)

    for k in range(leftover):
        j = NBUF * n_rounds + k
        stage(j, 0)
        drain_i(0)
        fire_gathers(0)
        drain_g(0)
        fire_write(j, 0)
        drain_w(0)


def _sc_body(table_hbm, tidx_hbm, gidx_hbm, out_t, out_g, idx_v, rows_v, *sems):
    sem_i, sem_g, sem_w = sems[0:NBUF], sems[NBUF:2 * NBUF], sems[2 * NBUF:]
    wid = lax.axis_index("s") * NC + lax.axis_index("c")
    _run_chunk(table_hbm, tidx_hbm, out_t, idx_v, rows_v, sem_i, sem_g, sem_w,
               wid * T_PER_W, T_ROUNDS, 0)
    _run_chunk(table_hbm, gidx_hbm, out_g, idx_v, rows_v, sem_i, sem_g, sem_w,
               wid * G_PER_W, G_ROUNDS, G_LEFT)


_sc_gather = functools.partial(
    pl.kernel,
    out_type=[
        jax.ShapeDtypeStruct((NT, D), jnp.float32),
        jax.ShapeDtypeStruct((NG, D), jnp.float32),
    ],
    mesh=plsc.VectorSubcoreMesh(core_axis_name="c", subcore_axis_name="s"),
    compiler_params=pltpu.CompilerParams(use_tc_tiling_on_sc=False),
    scratch_types=(
        [pltpu.VMEM((NBUF, BLK), jnp.int32),
         pltpu.VMEM((NBUF, BLK, D), jnp.float32)]
        + [pltpu.SemaphoreType.DMA] * (3 * NBUF)
    ),
)(_sc_body)



def kernel(target_tokens, target_positions, guide_tokens, guide_positions,
           nuc_table, pos_table):
    tt = target_tokens.astype(jnp.int32)
    tp = target_positions.astype(jnp.int32)
    gt = guide_tokens.astype(jnp.int32)
    gp = guide_positions.astype(jnp.int32)

    table = _build_table(nuc_table, pos_table)
    tidx = _combine_target(tt, tp).reshape(NT)
    gidx = _combine_guide(gt, gp).reshape(NG)

    out_t, out_g = _sc_gather(table, tidx, gidx)

    out_g3 = _retile_guide(out_g)
    res_g = jnp.transpose(out_g3, (2, 0, 1))
    return out_t.reshape(B, TLEN, D), res_g

# --- scband reference (transcript-rebuilt; emitter-appended) ---
"""Pipeline reference for scband-nucleotide-and-position-encoding-40759239639498 (READ-ONLY COPY).

The authoritative reference and input builder live on the scoring server;
editing this copy changes nothing except your own understanding.
"""

import jax, jax.numpy as jnp
import numpy as np

TARGET_LEN = 2048
EMBED_DIM = 64

def setup_inputs(seed: int = 0) -> dict:
    key = jax.random.key(seed)
    k1, k2, k3, k4, k5, k6 = jax.random.split(key, 6)
    target_tokens = jax.random.randint(k1, (1024, 2048), 0, 4, dtype=jnp.int64 if jax.config.jax_enable_x64 else jnp.int32)
    target_positions = jax.random.randint(k2, (1024, 2048), 0, TARGET_LEN, dtype=jnp.int64 if jax.config.jax_enable_x64 else jnp.int32)
    guide_tokens = jax.random.randint(k3, (1024, 200), 0, 4, dtype=jnp.int64 if jax.config.jax_enable_x64 else jnp.int32)
    guide_positions = jax.random.randint(k4, (1024, 200), 0, TARGET_LEN, dtype=jnp.int64 if jax.config.jax_enable_x64 else jnp.int32)
    nuc_table = jax.random.normal(k5, (4, EMBED_DIM), dtype=jnp.float32) * 0.05
    pos_table = jax.random.normal(k6, (TARGET_LEN, EMBED_DIM), dtype=jnp.float32) * 0.05
    return {
        "target_tokens": target_tokens,
        "target_positions": target_positions,
        "guide_tokens": guide_tokens,
        "guide_positions": guide_positions,
        "nuc_table": nuc_table,
        "pos_table": pos_table,
    }

def reference(target_tokens, target_positions, guide_tokens, guide_positions, nuc_table, pos_table):
    # target_embedding = nucleotide_embed(target_tokens) + position_embed(target_positions)
    target_embedding = jnp.take(nuc_table, target_tokens, axis=0) + jnp.take(pos_table, target_positions, axis=0)
    # guide_embedding = position_embed(guide_positions) + nucleotide_embed(guide_tokens)
    guide_embedding = jnp.take(pos_table, guide_positions, axis=0) + jnp.take(nuc_table, guide_tokens, axis=0)
    return (target_embedding, guide_embedding)

if __name__ == "__main__":
    import jax
    _d = setup_inputs()
    print(jax.jit(kernel)(*tuple(_d.values())))

</pallas_src>

<mosaic_0001>
#map = affine_map<(d0, d1) -> (0, 0)>
#map1 = affine_map<(d0, d1) -> (0)>
module attributes {stable_mosaic.version = 14 : i64} {
  func.func @_sc_body(%arg0: i32, %arg1: i32, %arg2: memref<8192x64xf32, #tpu.memory_space<hbm>>, %arg3: memref<2097152xi32, #tpu.memory_space<hbm>>, %arg4: memref<204800xi32, #tpu.memory_space<hbm>>, %arg5: memref<2097152x64xf32, #tpu.memory_space<hbm>>, %arg6: memref<204800x64xf32, #tpu.memory_space<hbm>>, %arg7: memref<4x256xi32, #tpu.memory_space<vmem>>, %arg8: memref<4x256x64xf32, #tpu.memory_space<vmem>>, %arg9: memref<!tpu.dma_semaphore, #tpu.memory_space<semaphore_mem>>, %arg10: memref<!tpu.dma_semaphore, #tpu.memory_space<semaphore_mem>>, %arg11: memref<!tpu.dma_semaphore, #tpu.memory_space<semaphore_mem>>, %arg12: memref<!tpu.dma_semaphore, #tpu.memory_space<semaphore_mem>>, %arg13: memref<!tpu.dma_semaphore, #tpu.memory_space<semaphore_mem>>, %arg14: memref<!tpu.dma_semaphore, #tpu.memory_space<semaphore_mem>>, %arg15: memref<!tpu.dma_semaphore, #tpu.memory_space<semaphore_mem>>, %arg16: memref<!tpu.dma_semaphore, #tpu.memory_space<semaphore_mem>>, %arg17: memref<!tpu.dma_semaphore, #tpu.memory_space<semaphore_mem>>, %arg18: memref<!tpu.dma_semaphore, #tpu.memory_space<semaphore_mem>>, %arg19: memref<!tpu.dma_semaphore, #tpu.memory_space<semaphore_mem>>, %arg20: memref<!tpu.dma_semaphore, #tpu.memory_space<semaphore_mem>>) attributes {dimension_semantics = [#tpu.dimension_semantics<core_parallel>, #tpu.dimension_semantics<subcore_parallel>], iteration_bounds = array<i64: 2, 16>, scalar_prefetch = 0 : i64, scratch_operands = 14 : i64, tpu.core_type = #tpu.core_type<sc_vector_subcore>, window_params = [{transform_indices = #map}, {transform_indices = #map1}, {transform_indices = #map1}, {transform_indices = #map}, {transform_indices = #map}]} {
    %mul3A = arith.constant 2 : i32
    %mul3A_0 = arith.muli %arg1, %mul3A : i32
    %add3A = arith.addi %mul3A_0, %arg0 : i32
    %mul3A_1 = arith.constant 65536 : i32
    %mul3A_2 = arith.muli %add3A, %mul3A_1 : i32
    %add3A_3 = arith.constant 0 : i32
    %add3A_4 = arith.addi %mul3A_2, %add3A_3 : i32
    %dma_start3A = arith.constant 0 : i32
    %dma_start3A_5 = arith.constant 0 : i32
    %dma_start3A_6 = tpu.memref_slice %arg7[%dma_start3A, %dma_start3A_5] : memref<4x256xi32, #tpu.memory_space<vmem>> -> memref<1x256xi32, #tpu.memory_space<vmem>>
    %dma_start3A_7 = tpu.memref_squeeze %dma_start3A_6 : memref<1x256xi32, #tpu.memory_space<vmem>> -> memref<256xi32, #tpu.memory_space<vmem>>
    %dma_start3A_8 = tpu.memref_slice %arg3[%add3A_4] : memref<2097152xi32, #tpu.memory_space<hbm>> -> memref<256xi32, #tpu.memory_space<hbm>>
    %dma_start3A_9 = arith.constant 0 : i32
    %dma_start3A_10 = tpu.memref_slice %arg7[%dma_start3A, %dma_start3A_9] : memref<4x256xi32, #tpu.memory_space<vmem>> -> memref<1x256xi32, #tpu.memory_space<vmem>>
    %dma_start3A_11 = tpu.memref_squeeze %dma_start3A_10 : memref<1x256xi32, #tpu.memory_space<vmem>> -> memref<256xi32, #tpu.memory_space<vmem>>
    %dma_start3A_12 = tpu.memref_slice %arg3[%add3A_4] : memref<2097152xi32, #tpu.memory_space<hbm>> -> memref<256xi32, #tpu.memory_space<hbm>>
    tpu.enqueue_dma source(%dma_start3A_12 : memref<256xi32, #tpu.memory_space<hbm>>) target(%dma_start3A_11 : memref<256xi32, #tpu.memory_space<vmem>>) target_semaphore(%arg9 : memref<!tpu.dma_semaphore, #tpu.memory_space<semaphore_mem>>)
    %add3A_13 = arith.constant 256 : i32
    %add3A_14 = arith.addi %mul3A_2, %add3A_13 : i32
    %dma_start3A_15 = arith.constant 1 : i32
    %dma_start3A_16 = arith.constant 0 : i32
    %dma_start3A_17 = tpu.memref_slice %arg7[%dma_start3A_15, %dma_start3A_16] : memref<4x256xi32, #tpu.memory_space<vmem>> -> memref<1x256xi32, #tpu.memory_space<vmem>>
    %dma_start3A_18 = tpu.memref_squeeze %dma_start3A_17 : memref<1x256xi32, #tpu.memory_space<vmem>> -> memref<256xi32, #tpu.memory_space<vmem>>
    %dma_start3A_19 = tpu.memref_slice %arg3[%add3A_14] : memref<2097152xi32, #tpu.memory_space<hbm>> -> memref<256xi32, #tpu.memory_space<hbm>>
    %dma_start3A_20 = arith.constant 0 : i32
    %dma_start3A_21 = tpu.memref_slice %arg7[%dma_start3A_15, %dma_start3A_20] : memref<4x256xi32, #tpu.memory_space<vmem>> -> memref<1x256xi32, #tpu.memory_space<vmem>>
    %dma_start3A_22 = tpu.memref_squeeze %dma_start3A_21 : memref<1x256xi32, #tpu.memory_space<vmem>> -> memref<256xi32, #tpu.memory_space<vmem>>
    %dma_start3A_23 = tpu.memref_slice %arg3[%add3A_14] : memref<2097152xi32, #tpu.memory_space<hbm>> -> memref<256xi32, #tpu.memory_space<hbm>>
    tpu.enqueue_dma source(%dma_start3A_23 : memref<256xi32, #tpu.memory_space<hbm>>) target(%dma_start3A_22 : memref<256xi32, #tpu.memory_space<vmem>>) target_semaphore(%arg10 : memref<!tpu.dma_semaphore, #tpu.memory_space<semaphore_mem>>)
    %add3A_24 = arith.constant 512 : i32
    %add3A_25 = arith.addi %mul3A_2, %add3A_24 : i32
    %dma_start3A_26 = arith.constant 2 : i32
    %dma_start3A_27 = arith.constant 0 : i32
    %dma_start3A_28 = tpu.memref_slice %arg7[%dma_start3A_26, %dma_start3A_27] : memref<4x256xi32, #tpu.memory_space<vmem>> -> memref<1x256xi32, #tpu.memory_space<vmem>>
    %dma_start3A_29 = tpu.memref_squeeze %dma_start3A_28 : memref<1x256xi32, #tpu.memory_space<vmem>> -> memref<256xi32, #tpu.memory_space<vmem>>
    %dma_start3A_30 = tpu.memref_slice %arg3[%add3A_25] : memref<2097152xi32, #tpu.memory_space<hbm>> -> memref<256xi32, #tpu.memory_space<hbm>>
    %dma_start3A_31 = arith.constant 0 : i32
    %dma_start3A_32 = tpu.memref_slice %arg7[%dma_start3A_26, %dma_start3A_31] : memref<4x256xi32, #tpu.memory_space<vmem>> -> memref<1x256xi32, #tpu.memory_space<vmem>>
    %dma_start3A_33 = tpu.memref_squeeze %dma_start3A_32 : memref<1x256xi32, #tpu.memory_space<vmem>> -> memref<256xi32, #tpu.memory_space<vmem>>
    %dma_start3A_34 = tpu.memref_slice %arg3[%add3A_25] : memref<2097152xi32, #tpu.memory_space<hbm>> -> memref<256xi32, #tpu.memory_space<hbm>>
    tpu.enqueue_dma source(%dma_start3A_34 : memref<256xi32, #tpu.memory_space<hbm>>) target(%dma_start3A_33 : memref<256xi32, #tpu.memory_space<vmem>>) target_semaphore(%arg11 : memref<!tpu.dma_semaphore, #tpu.memory_space<semaphore_mem>>)
    %add3A_35 = arith.constant 768 : i32
    %add3A_36 = arith.addi %mul3A_2, %add3A_35 : i32
    %dma_start3A_37 = arith.constant 3 : i32
    %dma_start3A_38 = arith.constant 0 : i32
    %dma_start3A_39 = tpu.memref_slice %arg7[%dma_start3A_37, %dma_start3A_38] : memref<4x256xi32, #tpu.memory_space<vmem>> -> memref<1x256xi32, #tpu.memory_space<vmem>>
    %dma_start3A_40 = tpu.memref_squeeze %dma_start3A_39 : memref<1x256xi32, #tpu.memory_space<vmem>> -> memref<256xi32, #tpu.memory_space<vmem>>
    %dma_start3A_41 = tpu.memref_slice %arg3[%add3A_36] : memref<2097152xi32, #tpu.memory_space<hbm>> -> memref<256xi32, #tpu.memory_space<hbm>>
    %dma_start3A_42 = arith.constant 0 : i32
    %dma_start3A_43 = tpu.memref_slice %arg7[%dma_start3A_37, %dma_start3A_42] : memref<4x256xi32, #tpu.memory_space<vmem>> -> memref<1x256xi32, #tpu.memory_space<vmem>>
    %dma_start3A_44 = tpu.memref_squeeze %dma_start3A_43 : memref<1x256xi32, #tpu.memory_space<vmem>> -> memref<256xi32, #tpu.memory_space<vmem>>
    %dma_start3A_45 = tpu.memref_slice %arg3[%add3A_36] : memref<2097152xi32, #tpu.memory_space<hbm>> -> memref<256xi32, #tpu.memory_space<hbm>>
    tpu.enqueue_dma source(%dma_start3A_45 : memref<256xi32, #tpu.memory_space<hbm>>) target(%dma_start3A_44 : memref<256xi32, #tpu.memory_space<vmem>>) target_semaphore(%arg12 : memref<!tpu.dma_semaphore, #tpu.memory_space<semaphore_mem>>)
    %dma_wait3A = arith.constant 0 : i32
    %dma_wait3A_46 = arith.constant 0 : i32
    %dma_wait3A_47 = tpu.memref_slice %arg7[%dma_wait3A, %dma_wait3A_46] : memref<4x256xi32, #tpu.memory_space<vmem>> -> memref<1x256xi32, #tpu.memory_space<vmem>>
    %dma_wait3A_48 = tpu.memref_squeeze %dma_wait3A_47 : memref<1x256xi32, #tpu.memory_space<vmem>> -> memref<256xi32, #tpu.memory_space<vmem>>
    %dma_wait3A_49 = arith.constant 0 : i32
    %dma_wait3A_50 = tpu.memref_slice %arg3[%dma_wait3A_49] : memref<2097152xi32, #tpu.memory_space<hbm>> -> memref<256xi32, #tpu.memory_space<hbm>>
    %dma_wait3A_51 = arith.constant 0 : i32
    %dma_wait3A_52 = tpu.memref_slice %arg7[%dma_wait3A, %dma_wait3A_51] : memref<4x256xi32, #tpu.memory_space<vmem>> -> memref<1x256xi32, #tpu.memory_space<vmem>>
    %dma_wait3A_53 = tpu.memref_squeeze %dma_wait3A_52 : memref<1x256xi32, #tpu.memory_space<vmem>> -> memref<256xi32, #tpu.memory_space<vmem>>
    %dma_wait3A_54 = arith.constant 0 : i32
    %dma_wait3A_55 = tpu.memref_slice %arg3[%dma_wait3A_54] : memref<2097152xi32, #tpu.memory_space<hbm>> -> memref<256xi32, #tpu.memory_space<hbm>>
    tpu.wait_dma2 semaphore(%arg9 : memref<!tpu.dma_semaphore, #tpu.memory_space<semaphore_mem>>) src(%dma_wait3A_55 : memref<256xi32, #tpu.memory_space<hbm>>) dst(%dma_wait3A_53 : memref<256xi32, #tpu.memory_space<vmem>>)
    %dma_start3A_56 = arith.constant 0 : i32
    %dma_start3A_57 = arith.constant 0 : i32
    %dma_start3A_58 = arith.constant 0 : i32
    %dma_start3A_59 = arith.constant 0 : i32
    %dma_start3A_60 = tpu.memref_slice %arg8[%dma_start3A_57, %dma_start3A_58, %dma_start3A_59] : memref<4x256x64xf32, #tpu.memory_space<vmem>> -> memref<1x128x64xf32, #tpu.memory_space<vmem>>
    %dma_start3A_61 = tpu.memref_squeeze %dma_start3A_60 : memref<1x128x64xf32, #tpu.memory_space<vmem>> -> memref<128x64xf32, #tpu.memory_space<vmem>>
    %dma_start3A_62 = arith.constant 0 : i32
    %dma_start3A_63 = tpu.memref_slice %arg7[%dma_start3A_56, %dma_start3A_62] : memref<4x256xi32, #tpu.memory_space<vmem>> -> memref<1x128xi32, #tpu.memory_space<vmem>>
    %dma_start3A_64 = tpu.memref_squeeze %dma_start3A_63 : memref<1x128xi32, #tpu.memory_space<vmem>> -> memref<128xi32, #tpu.memory_space<vmem>>
    %dma_start3A_65 = arith.constant 0 : i32
    %dma_start3A_66 = arith.constant 0 : i32
    %dma_start3A_67 = tpu.memref_slice %arg2[%dma_start3A_65, %dma_start3A_66] : memref<8192x64xf32, #tpu.memory_space<hbm>> -> memref<8192x64xf32, #tpu.memory_space<hbm>>
    tpu.enqueue_indirect_dma source(%dma_start3A_67 : memref<8192x64xf32, #tpu.memory_space<hbm>>) target(%dma_start3A_61 : memref<128x64xf32, #tpu.memory_space<vmem>>) offsets(%dma_start3A_64 : memref<128xi32, #tpu.memory_space<vmem>>) semaphore(%arg13 : memref<!tpu.dma_semaphore, #tpu.memory_space<semaphore_mem>>)
    %dma_start3A_68 = arith.constant 0 : i32
    %dma_start3A_69 = arith.constant 0 : i32
    %dma_start3A_70 = arith.constant 128 : i32
    %dma_start3A_71 = arith.constant 0 : i32
    %dma_start3A_72 = tpu.memref_slice %arg8[%dma_start3A_69, %dma_start3A_70, %dma_start3A_71] : memref<4x256x64xf32, #tpu.memory_space<vmem>> -> memref<1x128x64xf32, #tpu.memory_space<vmem>>
    %dma_start3A_73 = tpu.memref_squeeze %dma_start3A_72 : memref<1x128x64xf32, #tpu.memory_space<vmem>> -> memref<128x64xf32, #tpu.memory_space<vmem>>
    %dma_start3A_74 = arith.constant 128 : i32
    %dma_start3A_75 = tpu.memref_slice %arg7[%dma_start3A_68, %dma_start3A_74] : memref<4x256xi32, #tpu.memory_space<vmem>> -> memref<1x128xi32, #tpu.memory_space<vmem>>
    %dma_start3A_76 = tpu.memref_squeeze %dma_start3A_75 : memref<1x128xi32, #tpu.memory_space<vmem>> -> memref<128xi32, #tpu.memory_space<vmem>>
    %dma_start3A_77 = arith.constant 0 : i32
    %dma_start3A_78 = arith.constant 0 : i32
    %dma_start3A_79 = tpu.memref_slice %arg2[%dma_start3A_77, %dma_start3A_78] : memref<8192x64xf32, #tpu.memory_space<hbm>> -> memref<8192x64xf32, #tpu.memory_space<hbm>>
    tpu.enqueue_indirect_dma source(%dma_start3A_79 : memref<8192x64xf32, #tpu.memory_space<hbm>>) target(%dma_start3A_73 : memref<128x64xf32, #tpu.memory_space<vmem>>) offsets(%dma_start3A_76 : memref<128xi32, #tpu.memory_space<vmem>>) semaphore(%arg13 : memref<!tpu.dma_semaphore, #tpu.memory_space<semaphore_mem>>)
    %dma_wait3A_80 = arith.constant 1 : i32
    %dma_wait3A_81 = arith.constant 0 : i32
    %dma_wait3A_82 = tpu.memref_slice %arg7[%dma_wait3A_80, %dma_wait3A_81] : memref<4x256xi32, #tpu.memory_space<vmem>> -> memref<1x256xi32, #tpu.memory_space<vmem>>
    %dma_wait3A_83 = tpu.memref_squeeze %dma_wait3A_82 : memref<1x256xi32, #tpu.memory_space<vmem>> -> memref<256xi32, #tpu.memory_space<vmem>>
    %dma_wait3A_84 = arith.constant 0 : i32
    %dma_wait3A_85 = tpu.memref_slice %arg3[%dma_wait3A_84] : memref<2097152xi32, #tpu.memory_space<hbm>> -> memref<256xi32, #tpu.memory_space<hbm>>
    %dma_wait3A_86 = arith.constant 0 : i32
    %dma_wait3A_87 = tpu.memref_slice %arg7[%dma_wait3A_80, %dma_wait3A_86] : memref<4x256xi32, #tpu.memory_space<vmem>> -> memref<1x256xi32, #tpu.memory_space<vmem>>
    %dma_wait3A_88 = tpu.memref_squeeze %dma_wait3A_87 : memref<1x256xi32, #tpu.memory_space<vmem>> -> memref<256xi32, #tpu.memory_space<vmem>>
    %dma_wait3A_89 = arith.constant 0 : i32
    %dma_wait3A_90 = tpu.memref_slice %arg3[%dma_wait3A_89] : memref<2097152xi32, #tpu.memory_space<hbm>> -> memref<256xi32, #tpu.memory_space<hbm>>
    tpu.wait_dma2 semaphore(%arg10 : memref<!tpu.dma_semaphore, #tpu.memory_space<semaphore_mem>>) src(%dma_wait3A_90 : memref<256xi32, #tpu.memory_space<hbm>>) dst(%dma_wait3A_88 : memref<256xi32, #tpu.memory_space<vmem>>)
    %dma_start3A_91 = arith.constant 1 : i32
    %dma_start3A_92 = arith.constant 1 : i32
    %dma_start3A_93 = arith.constant 0 : i32
    %dma_start3A_94 = arith.constant 0 : i32
    %dma_start3A_95 = tpu.memref_slice %arg8[%dma_start3A_92, %dma_start3A_93, %dma_start3A_94] : memref<4x256x64xf32, #tpu.memory_space<vmem>> -> memref<1x128x64xf32, #tpu.memory_space<vmem>>
    %dma_start3A_96 = tpu.memref_squeeze %dma_start3A_95 : memref<1x128x64xf32, #tpu.memory_space<vmem>> -> memref<128x64xf32, #tpu.memory_space<vmem>>
    %dma_start3A_97 = arith.constant 0 : i32
    %dma_start3A_98 = tpu.memref_slice %arg7[%dma_start3A_91, %dma_start3A_97] : memref<4x256xi32, #tpu.memory_space<vmem>> -> memref<1x128xi32, #tpu.memory_space<vmem>>
    %dma_start3A_99 = tpu.memref_squeeze %dma_start3A_98 : memref<1x128xi32, #tpu.memory_space<vmem>> -> memref<128xi32, #tpu.memory_space<vmem>>
    %dma_start3A_100 = arith.constant 0 : i32
    %dma_start3A_101 = arith.constant 0 : i32
    %dma_start3A_102 = tpu.memref_slice %arg2[%dma_start3A_100, %dma_start3A_101] : memref<8192x64xf32, #tpu.memory_space<hbm>> -> memref<8192x64xf32, #tpu.memory_space<hbm>>
    tpu.enqueue_indirect_dma source(%dma_start3A_102 : memref<8192x64xf32, #tpu.memory_space<hbm>>) target(%dma_start3A_96 : memref<128x64xf32, #tpu.memory_space<vmem>>) offsets(%dma_start3A_99 : memref<128xi32, #tpu.memory_space<vmem>>) semaphore(%arg14 : memref<!tpu.dma_semaphore, #tpu.memory_space<semaphore_mem>>)
    %dma_start3A_103 = arith.constant 1 : i32
    %dma_start3A_104 = arith.constant 1 : i32
    %dma_start3A_105 = arith.constant 128 : i32
    %dma_start3A_106 = arith.constant 0 : i32
    %dma_start3A_107 = tpu.memref_slice %arg8[%dma_start3A_104, %dma_start3A_105, %dma_start3A_106] : memref<4x256x64xf32, #tpu.memory_space<vmem>> -> memref<1x128x64xf32, #tpu.memory_space<vmem>>
    %dma_start3A_108 = tpu.memref_squeeze %dma_start3A_107 : memref<1x128x64xf32, #tpu.memory_space<vmem>> -> memref<128x64xf32, #tpu.memory_space<vmem>>
    %dma_start3A_109 = arith.constant 128 : i32
    %dma_start3A_110 = tpu.memref_slice %arg7[%dma_start3A_103, %dma_start3A_109] : memref<4x256xi32, #tpu.memory_space<vmem>> -> memref<1x128xi32, #tpu.memory_space<vmem>>
    %dma_start3A_111 = tpu.memref_squeeze %dma_start3A_110 : memref<1x128xi32, #tpu.memory_space<vmem>> -> memref<128xi32, #tpu.memory_space<vmem>>
    %dma_start3A_112 = arith.constant 0 : i32
    %dma_start3A_113 = arith.constant 0 : i32
    %dma_start3A_114 = tpu.memref_slice %arg2[%dma_start3A_112, %dma_start3A_113] : memref<8192x64xf32, #tpu.memory_space<hbm>> -> memref<8192x64xf32, #tpu.memory_space<hbm>>
    tpu.enqueue_indirect_dma source(%dma_start3A_114 : memref<8192x64xf32, #tpu.memory_space<hbm>>) target(%dma_start3A_108 : memref<128x64xf32, #tpu.memory_space<vmem>>) offsets(%dma_start3A_111 : memref<128xi32, #tpu.memory_space<vmem>>) semaphore(%arg14 : memref<!tpu.dma_semaphore, #tpu.memory_space<semaphore_mem>>)
    %dma_wait3A_115 = arith.constant 2 : i32
    %dma_wait3A_116 = arith.constant 0 : i32
    %dma_wait3A_117 = tpu.memref_slice %arg7[%dma_wait3A_115, %dma_wait3A_116] : memref<4x256xi32, #tpu.memory_space<vmem>> -> memref<1x256xi32, #tpu.memory_space<vmem>>
    %dma_wait3A_118 = tpu.memref_squeeze %dma_wait3A_117 : memref<1x256xi32, #tpu.memory_space<vmem>> -> memref<256xi32, #tpu.memory_space<vmem>>
    %dma_wait3A_119 = arith.constant 0 : i32
    %dma_wait3A_120 = tpu.memref_slice %arg3[%dma_wait3A_119] : memref<2097152xi32, #tpu.memory_space<hbm>> -> memref<256xi32, #tpu.memory_space<hbm>>
    %dma_wait3A_121 = arith.constant 0 : i32
    %dma_wait3A_122 = tpu.memref_slice %arg7[%dma_wait3A_115, %dma_wait3A_121] : memref<4x256xi32, #tpu.memory_space<vmem>> -> memref<1x256xi32, #tpu.memory_space<vmem>>
    %dma_wait3A_123 = tpu.memref_squeeze %dma_wait3A_122 : memref<1x256xi32, #tpu.memory_space<vmem>> -> memref<256xi32, #tpu.memory_space<vmem>>
    %dma_wait3A_124 = arith.constant 0 : i32
    %dma_wait3A_125 = tpu.memref_slice %arg3[%dma_wait3A_124] : memref<2097152xi32, #tpu.memory_space<hbm>> -> memref<256xi32, #tpu.memory_space<hbm>>
    tpu.wait_dma2 semaphore(%arg11 : memref<!tpu.dma_semaphore, #tpu.memory_space<semaphore_mem>>) src(%dma_wait3A_125 : memref<256xi32, #tpu.memory_space<hbm>>) dst(%dma_wait3A_123 : memref<256xi32, #tpu.memory_space<vmem>>)
    %dma_start3A_126 = arith.constant 2 : i32
    %dma_start3A_127 = arith.constant 2 : i32
    %dma_start3A_128 = arith.constant 0 : i32
    %dma_start3A_129 = arith.constant 0 : i32
    %dma_start3A_130 = tpu.memref_slice %arg8[%dma_start3A_127, %dma_start3A_128, %dma_start3A_129] : memref<4x256x64xf32, #tpu.memory_space<vmem>> -> memref<1x128x64xf32, #tpu.memory_space<vmem>>
    %dma_start3A_131 = tpu.memref_squeeze %dma_start3A_130 : memref<1x128x64xf32, #tpu.memory_space<vmem>> -> memref<128x64xf32, #tpu.memory_space<vmem>>
    %dma_start3A_132 = arith.constant 0 : i32
    %dma_start3A_133 = tpu.memref_slice %arg7[%dma_start3A_126, %dma_start3A_132] : memref<4x256xi32, #tpu.memory_space<vmem>> -> memref<1x128xi32, #tpu.memory_space<vmem>>
    %dma_start3A_134 = tpu.memref_squeeze %dma_start3A_133 : memref<1x128xi32, #tpu.memory_space<vmem>> -> memref<128xi32, #tpu.memory_space<vmem>>
    %dma_start3A_135 = arith.constant 0 : i32
    %dma_start3A_136 = arith.constant 0 : i32
    %dma_start3A_137 = tpu.memref_slice %arg2[%dma_start3A_135, %dma_start3A_136] : memref<8192x64xf32, #tpu.memory_space<hbm>> -> memref<8192x64xf32, #tpu.memory_space<hbm>>
    tpu.enqueue_indirect_dma source(%dma_start3A_137 : memref<8192x64xf32, #tpu.memory_space<hbm>>) target(%dma_start3A_131 : memref<128x64xf32, #tpu.memory_space<vmem>>) offsets(%dma_start3A_134 : memref<128xi32, #tpu.memory_space<vmem>>) semaphore(%arg15 : memref<!tpu.dma_semaphore, #tpu.memory_space<semaphore_mem>>)
    %dma_start3A_138 = arith.constant 2 : i32
    %dma_start3A_139 = arith.constant 2 : i32
    %dma_start3A_140 = arith.constant 128 : i32
    %dma_start3A_141 = arith.constant 0 : i32
    %dma_start3A_142 = tpu.memref_slice %arg8[%dma_start3A_139, %dma_start3A_140, %dma_start3A_141] : memref<4x256x64xf32, #tpu.memory_space<vmem>> -> memref<1x128x64xf32, #tpu.memory_space<vmem>>
    %dma_start3A_143 = tpu.memref_squeeze %dma_start3A_142 : memref<1x128x64xf32, #tpu.memory_space<vmem>> -> memref<128x64xf32, #tpu.memory_space<vmem>>
    %dma_start3A_144 = arith.constant 128 : i32
    %dma_start3A_145 = tpu.memref_slice %arg7[%dma_start3A_138, %dma_start3A_144] : memref<4x256xi32, #tpu.memory_space<vmem>> -> memref<1x128xi32, #tpu.memory_space<vmem>>
    %dma_start3A_146 = tpu.memref_squeeze %dma_start3A_145 : memref<1x128xi32, #tpu.memory_space<vmem>> -> memref<128xi32, #tpu.memory_space<vmem>>
    %dma_start3A_147 = arith.constant 0 : i32
    %dma_start3A_148 = arith.constant 0 : i32
    %dma_start3A_149 = tpu.memref_slice %arg2[%dma_start3A_147, %dma_start3A_148] : memref<8192x64xf32, #tpu.memory_space<hbm>> -> memref<8192x64xf32, #tpu.memory_space<hbm>>
    tpu.enqueue_indirect_dma source(%dma_start3A_149 : memref<8192x64xf32, #tpu.memory_space<hbm>>) target(%dma_start3A_143 : memref<128x64xf32, #tpu.memory_space<vmem>>) offsets(%dma_start3A_146 : memref<128xi32, #tpu.memory_space<vmem>>) semaphore(%arg15 : memref<!tpu.dma_semaphore, #tpu.memory_space<semaphore_mem>>)
    %dma_wait3A_150 = arith.constant 3 : i32
    %dma_wait3A_151 = arith.constant 0 : i32
    %dma_wait3A_152 = tpu.memref_slice %arg7[%dma_wait3A_150, %dma_wait3A_151] : memref<4x256xi32, #tpu.memory_space<vmem>> -> memref<1x256xi32, #tpu.memory_space<vmem>>
    %dma_wait3A_153 = tpu.memref_squeeze %dma_wait3A_152 : memref<1x256xi32, #tpu.memory_space<vmem>> -> memref<256xi32, #tpu.memory_space<vmem>>
    %dma_wait3A_154 = arith.constant 0 : i32
    %dma_wait3A_155 = tpu.memref_slice %arg3[%dma_wait3A_154] : memref<2097152xi32, #tpu.memory_space<hbm>> -> memref<256xi32, #tpu.memory_space<hbm>>
    %dma_wait3A_156 = arith.constant 0 : i32
    %dma_wait3A_157 = tpu.memref_slice %arg7[%dma_wait3A_150, %dma_wait3A_156] : memref<4x256xi32, #tpu.memory_space<vmem>> -> memref<1x256xi32, #tpu.memory_space<vmem>>
    %dma_wait3A_158 = tpu.memref_squeeze %dma_wait3A_157 : memref<1x256xi32, #tpu.memory_space<vmem>> -> memref<256xi32, #tpu.memory_space<vmem>>
    %dma_wait3A_159 = arith.constant 0 : i32
    %dma_wait3A_160 = tpu.memref_slice %arg3[%dma_wait3A_159] : memref<2097152xi32, #tpu.memory_space<hbm>> -> memref<256xi32, #tpu.memory_space<hbm>>
    tpu.wait_dma2 semaphore(%arg12 : memref<!tpu.dma_semaphore, #tpu.memory_space<semaphore_mem>>) src(%dma_wait3A_160 : memref<256xi32, #tpu.memory_space<hbm>>) dst(%dma_wait3A_158 : memref<256xi32, #tpu.memory_space<vmem>>)
    %dma_start3A_161 = arith.constant 3 : i32
    %dma_start3A_162 = arith.constant 3 : i32
    %dma_start3A_163 = arith.constant 0 : i32
    %dma_start3A_164 = arith.constant 0 : i32
    %dma_start3A_165 = tpu.memref_slice %arg8[%dma_start3A_162, %dma_start3A_163, %dma_start3A_164] : memref<4x256x64xf32, #tpu.memory_space<vmem>> -> memref<1x128x64xf32, #tpu.memory_space<vmem>>
    %dma_start3A_166 = tpu.memref_squeeze %dma_start3A_165 : memref<1x128x64xf32, #tpu.memory_space<vmem>> -> memref<128x64xf32, #tpu.memory_space<vmem>>
    %dma_start3A_167 = arith.constant 0 : i32
    %dma_start3A_168 = tpu.memref_slice %arg7[%dma_start3A_161, %dma_start3A_167] : memref<4x256xi32, #tpu.memory_space<vmem>> -> memref<1x128xi32, #tpu.memory_space<vmem>>
    %dma_start3A_169 = tpu.memref_squeeze %dma_start3A_168 : memref<1x128xi32, #tpu.memory_space<vmem>> -> memref<128xi32, #tpu.memory_space<vmem>>
    %dma_start3A_170 = arith.constant 0 : i32
    %dma_start3A_171 = arith.constant 0 : i32
    %dma_start3A_172 = tpu.memref_slice %arg2[%dma_start3A_170, %dma_start3A_171] : memref<8192x64xf32, #tpu.memory_space<hbm>> -> memref<8192x64xf32, #tpu.memory_space<hbm>>
    tpu.enqueue_indirect_dma source(%dma_start3A_172 : memref<8192x64xf32, #tpu.memory_space<hbm>>) target(%dma_start3A_166 : memref<128x64xf32, #tpu.memory_space<vmem>>) offsets(%dma_start3A_169 : memref<128xi32, #tpu.memory_space<vmem>>) semaphore(%arg16 : memref<!tpu.dma_semaphore, #tpu.memory_space<semaphore_mem>>)
    %dma_start3A_173 = arith.constant 3 : i32
    %dma_start3A_174 = arith.constant 3 : i32
    %dma_start3A_175 = arith.constant 128 : i32
    %dma_start3A_176 = arith.constant 0 : i32
    %dma_start3A_177 = tpu.memref_slice %arg8[%dma_start3A_174, %dma_start3A_175, %dma_start3A_176] : memref<4x256x64xf32, #tpu.memory_space<vmem>> -> memref<1x128x64xf32, #tpu.memory_space<vmem>>
    %dma_start3A_178 = tpu.memref_squeeze %dma_start3A_177 : memref<1x128x64xf32, #tpu.memory_space<vmem>> -> memref<128x64xf32, #tpu.memory_space<vmem>>
    %dma_start3A_179 = arith.constant 128 : i32
    %dma_start3A_180 = tpu.memref_slice %arg7[%dma_start3A_173, %dma_start3A_179] : memref<4x256xi32, #tpu.memory_space<vmem>> -> memref<1x128xi32, #tpu.memory_space<vmem>>
    %dma_start3A_181 = tpu.memref_squeeze %dma_start3A_180 : memref<1x128xi32, #tpu.memory_space<vmem>> -> memref<128xi32, #tpu.memory_space<vmem>>
    %dma_start3A_182 = arith.constant 0 : i32
    %dma_start3A_183 = arith.constant 0 : i32
    %dma_start3A_184 = tpu.memref_slice %arg2[%dma_start3A_182, %dma_start3A_183] : memref<8192x64xf32, #tpu.memory_space<hbm>> -> memref<8192x64xf32, #tpu.memory_space<hbm>>
    tpu.enqueue_indirect_dma source(%dma_start3A_184 : memref<8192x64xf32, #tpu.memory_space<hbm>>) target(%dma_start3A_178 : memref<128x64xf32, #tpu.memory_space<vmem>>) offsets(%dma_start3A_181 : memref<128xi32, #tpu.memory_space<vmem>>) semaphore(%arg16 : memref<!tpu.dma_semaphore, #tpu.memory_space<semaphore_mem>>)
    %scan3A = arith.constant 0 : i32
    %scan3A_185 = arith.constant 1 : i32
    %scan3A_186 = arith.constant 63 : i32
    %scan3A_187 = arith.addi %scan3A_185, %scan3A_186 : i32
    %scan3A_188 = arith.constant 1 : i32
    scf.for %scan3A_833 = %scan3A_185 to %scan3A_187 step %scan3A_188  : i32 {
      %dma_wait3A_834 = arith.constant 0 : i32
      %dma_wait3A_835 = arith.constant 0 : i32
      %dma_wait3A_836 = arith.constant 0 : i32
      %dma_wait3A_837 = tpu.memref_slice %arg8[%dma_wait3A_834, %dma_wait3A_835, %dma_wait3A_836] : memref<4x256x64xf32, #tpu.memory_space<vmem>> -> memref<1x256x64xf32, #tpu.memory_space<vmem>>
      %dma_wait3A_838 = tpu.memref_squeeze %dma_wait3A_837 : memref<1x256x64xf32, #tpu.memory_space<vmem>> -> memref<256x64xf32, #tpu.memory_space<vmem>>
      %dma_wait3A_839 = arith.constant 0 : i32
      %dma_wait3A_840 = arith.constant 0 : i32
      %dma_wait3A_841 = tpu.memref_slice %arg5[%dma_wait3A_839, %dma_wait3A_840] : memref<2097152x64xf32, #tpu.memory_space<hbm>> -> memref<256x64xf32, #tpu.memory_space<hbm>>
      %dma_wait3A_842 = arith.constant 0 : i32
      %dma_wait3A_843 = arith.constant 0 : i32
      %dma_wait3A_844 = tpu.memref_slice %arg8[%dma_wait3A_834, %dma_wait3A_842, %dma_wait3A_843] : memref<4x256x64xf32, #tpu.memory_space<vmem>> -> memref<1x256x64xf32, #tpu.memory_space<vmem>>
      %dma_wait3A_845 = tpu.memref_squeeze %dma_wait3A_844 : memref<1x256x64xf32, #tpu.memory_space<vmem>> -> memref<256x64xf32, #tpu.memory_space<vmem>>
      %dma_wait3A_846 = arith.constant 0 : i32
      %dma_wait3A_847 = arith.constant 0 : i32
      %dma_wait3A_848 = tpu.memref_slice %arg5[%dma_wait3A_846, %dma_wait3A_847] : memref<2097152x64xf32, #tpu.memory_space<hbm>> -> memref<256x64xf32, #tpu.memory_space<hbm>>
      tpu.wait_dma2 semaphore(%arg13 : memref<!tpu.dma_semaphore, #tpu.memory_space<semaphore_mem>>) src(%dma_wait3A_848 : memref<256x64xf32, #tpu.memory_space<hbm>>) dst(%dma_wait3A_845 : memref<256x64xf32, #tpu.memory_space<vmem>>)
      %sub3A = arith.constant 1 : i32
      %sub3A_849 = arith.subi %scan3A_833, %sub3A : i32
      %mul3A_850 = arith.constant 4 : i32
      %mul3A_851 = arith.muli %mul3A_850, %sub3A_849 : i32
      %add3A_852 = arith.constant 0 : i32
      %add3A_853 = arith.addi %mul3A_851, %add3A_852 : i32
      %mul3A_854 = arith.constant 256 : i32
      %mul3A_855 = arith.muli %add3A_853, %mul3A_854 : i32
      %add3A_856 = arith.addi %mul3A_2, %mul3A_855 : i32
      %dma_start3A_857 = arith.constant 0 : i32
      %dma_start3A_858 = arith.constant 0 : i32
      %dma_start3A_859 = arith.constant 0 : i32
      %dma_start3A_860 = tpu.memref_slice %arg8[%dma_start3A_857, %dma_start3A_858, %dma_start3A_859] : memref<4x256x64xf32, #tpu.memory_space<vmem>> -> memref<1x256x64xf32, #tpu.memory_space<vmem>>
      %dma_start3A_861 = tpu.memref_squeeze %dma_start3A_860 : memref<1x256x64xf32, #tpu.memory_space<vmem>> -> memref<256x64xf32, #tpu.memory_space<vmem>>
      %dma_start3A_862 = arith.constant 0 : i32
      %dma_start3A_863 = tpu.memref_slice %arg5[%add3A_856, %dma_start3A_862] : memref<2097152x64xf32, #tpu.memory_space<hbm>> -> memref<256x64xf32, #tpu.memory_space<hbm>>
      %dma_start3A_864 = arith.constant 0 : i32
      %dma_start3A_865 = tpu.memref_slice %arg5[%add3A_856, %dma_start3A_864] : memref<2097152x64xf32, #tpu.memory_space<hbm>> -> memref<256x64xf32, #tpu.memory_space<hbm>>
      %dma_start3A_866 = arith.constant 0 : i32
      %dma_start3A_867 = arith.constant 0 : i32
      %dma_start3A_868 = tpu.memref_slice %arg8[%dma_start3A_857, %dma_start3A_866, %dma_start3A_867] : memref<4x256x64xf32, #tpu.memory_space<vmem>> -> memref<1x256x64xf32, #tpu.memory_space<vmem>>
      %dma_start3A_869 = tpu.memref_squeeze %dma_start3A_868 : memref<1x256x64xf32, #tpu.memory_space<vmem>> -> memref<256x64xf32, #tpu.memory_space<vmem>>
      tpu.enqueue_dma source(%dma_start3A_869 : memref<256x64xf32, #tpu.memory_space<vmem>>) target(%dma_start3A_865 : memref<256x64xf32, #tpu.memory_space<hbm>>) target_semaphore(%arg17 : memref<!tpu.dma_semaphore, #tpu.memory_space<semaphore_mem>>)
      %dma_wait3A_870 = arith.constant 1 : i32
      %dma_wait3A_871 = arith.constant 0 : i32
      %dma_wait3A_872 = arith.constant 0 : i32
      %dma_wait3A_873 = tpu.memref_slice %arg8[%dma_wait3A_870, %dma_wait3A_871, %dma_wait3A_872] : memref<4x256x64xf32, #tpu.memory_space<vmem>> -> memref<1x256x64xf32, #tpu.memory_space<vmem>>
      %dma_wait3A_874 = tpu.memref_squeeze %dma_wait3A_873 : memref<1x256x64xf32, #tpu.memory_space<vmem>> -> memref<256x64xf32, #tpu.memory_space<vmem>>
      %dma_wait3A_875 = arith.constant 0 : i32
      %dma_wait3A_876 = arith.constant 0 : i32
      %dma_wait3A_877 = tpu.memref_slice %arg5[%dma_wait3A_875, %dma_wait3A_876] : memref<2097152x64xf32, #tpu.memory_space<hbm>> -> memref<256x64xf32, #tpu.memory_space<hbm>>
      %dma_wait3A_878 = arith.constant 0 : i32
      %dma_wait3A_879 = arith.constant 0 : i32
      %dma_wait3A_880 = tpu.memref_slice %arg8[%dma_wait3A_870, %dma_wait3A_878, %dma_wait3A_879] : memref<4x256x64xf32, #tpu.memory_space<vmem>> -> memref<1x256x64xf32, #tpu.memory_space<vmem>>
      %dma_wait3A_881 = tpu.memref_squeeze %dma_wait3A_880 : memref<1x256x64xf32, #tpu.memory_space<vmem>> -> memref<256x64xf32, #tpu.memory_space<vmem>>
      %dma_wait3A_882 = arith.constant 0 : i32
      %dma_wait3A_883 = arith.constant 0 : i32
      %dma_wait3A_884 = tpu.memref_slice %arg5[%dma_wait3A_882, %dma_wait3A_883] : memref<2097152x64xf32, #tpu.memory_space<hbm>> -> memref<256x64xf32, #tpu.memory_space<hbm>>
      tpu.wait_dma2 semaphore(%arg14 : memref<!tpu.dma_semaphore, #tpu.memory_space<semaphore_mem>>) src(%dma_wait3A_884 : memref<256x64xf32, #tpu.memory_space<hbm>>) dst(%dma_wait3A_881 : memref<256x64xf32, #tpu.memory_space<vmem>>)
      %sub3A_885 = arith.constant 1 : i32
      %sub3A_886 = arith.subi %scan3A_833, %sub3A_885 : i32
      %mul3A_887 = arith.constant 4 : i32
      %mul3A_888 = arith.muli %mul3A_887, %sub3A_886 : i32
      %add3A_889 = arith.constant 1 : i32
      %add3A_890 = arith.addi %mul3A_888, %add3A_889 : i32
      %mul3A_891 = arith.constant 256 : i32
      %mul3A_892 = arith.muli %add3A_890, %mul3A_891 : i32
      %add3A_893 = arith.addi %mul3A_2, %mul3A_892 : i32
      %dma_start3A_894 = arith.constant 1 : i32
      %dma_start3A_895 = arith.constant 0 : i32
      %dma_start3A_896 = arith.constant 0 : i32
      %dma_start3A_897 = tpu.memref_slice %arg8[%dma_start3A_894, %dma_start3A_895, %dma_start3A_896] : memref<4x256x64xf32, #tpu.memory_space<vmem>> -> memref<1x256x64xf32, #tpu.memory_space<vmem>>
      %dma_start3A_898 = tpu.memref_squeeze %dma_start3A_897 : memref<1x256x64xf32, #tpu.memory_space<vmem>> -> memref<256x64xf32, #tpu.memory_space<vmem>>
      %dma_start3A_899 = arith.constant 0 : i32
      %dma_start3A_900 = tpu.memref_slice %arg5[%add3A_893, %dma_start3A_899] : memref<2097152x64xf32, #tpu.memory_space<hbm>> -> memref<256x64xf32, #tpu.memory_space<hbm>>
      %dma_start3A_901 = arith.constant 0 : i32
      %dma_start3A_902 = tpu.memref_slice %arg5[%add3A_893, %dma_start3A_901] : memref<2097152x64xf32, #tpu.memory_space<hbm>> -> memref<256x64xf32, #tpu.memory_space<hbm>>
      %dma_start3A_903 = arith.constant 0 : i32
      %dma_start3A_904 = arith.constant 0 : i32
      %dma_start3A_905 = tpu.memref_slice %arg8[%dma_start3A_894, %dma_start3A_903, %dma_start3A_904] : memref<4x256x64xf32, #tpu.memory_space<vmem>> -> memref<1x256x64xf32, #tpu.memory_space<vmem>>
      %dma_start3A_906 = tpu.memref_squeeze %dma_start3A_905 : memref<1x256x64xf32, #tpu.memory_space<vmem>> -> memref<256x64xf32, #tpu.memory_space<vmem>>
      tpu.enqueue_dma source(%dma_start3A_906 : memref<256x64xf32, #tpu.memory_space<vmem>>) target(%dma_start3A_902 : memref<256x64xf32, #tpu.memory_space<hbm>>) target_semaphore(%arg18 : memref<!tpu.dma_semaphore, #tpu.memory_space<semaphore_mem>>)
      %dma_wait3A_907 = arith.constant 2 : i32
      %dma_wait3A_908 = arith.constant 0 : i32
      %dma_wait3A_909 = arith.constant 0 : i32
      %dma_wait3A_910 = tpu.memref_slice %arg8[%dma_wait3A_907, %dma_wait3A_908, %dma_wait3A_909] : memref<4x256x64xf32, #tpu.memory_space<vmem>> -> memref<1x256x64xf32, #tpu.memory_space<vmem>>
      %dma_wait3A_911 = tpu.memref_squeeze %dma_wait3A_910 : memref<1x256x64xf32, #tpu.memory_space<vmem>> -> memref<256x64xf32, #tpu.memory_space<vmem>>
      %dma_wait3A_912 = arith.constant 0 : i32
      %dma_wait3A_913 = arith.constant 0 : i32
      %dma_wait3A_914 = tpu.memref_slice %arg5[%dma_wait3A_912, %dma_wait3A_913] : memref<2097152x64xf32, #tpu.memory_space<hbm>> -> memref<256x64xf32, #tpu.memory_space<hbm>>
      %dma_wait3A_915 = arith.constant 0 : i32
      %dma_wait3A_916 = arith.constant 0 : i32
      %dma_wait3A_917 = tpu.memref_slice %arg8[%dma_wait3A_907, %dma_wait3A_915, %dma_wait3A_916] : memref<4x256x64xf32, #tpu.memory_space<vmem>> -> memref<1x256x64xf32, #tpu.memory_space<vmem>>
      %dma_wait3A_918 = tpu.memref_squeeze %dma_wait3A_917 : memref<1x256x64xf32, #tpu.memory_space<vmem>> -> memref<256x64xf32, #tpu.memory_space<vmem>>
      %dma_wait3A_919 = arith.constant 0 : i32
      %dma_wait3A_920 = arith.constant 0 : i32
      %dma_wait3A_921 = tpu.memref_slice %arg5[%dma_wait3A_919, %dma_wait3A_920] : memref<2097152x64xf32, #tpu.memory_space<hbm>> -> memref<256x64xf32, #tpu.memory_space<hbm>>
      tpu.wait_dma2 semaphore(%arg15 : memref<!tpu.dma_semaphore, #tpu.memory_space<semaphore_mem>>) src(%dma_wait3A_921 : memref<256x64xf32, #tpu.memory_space<hbm>>) dst(%dma_wait3A_918 : memref<256x64xf32, #tpu.memory_space<vmem>>)
      %sub3A_922 = arith.constant 1 : i32
      %sub3A_923 = arith.subi %scan3A_833, %sub3A_922 : i32
      %mul3A_924 = arith.constant 4 : i32
      %mul3A_925 = arith.muli %mul3A_924, %sub3A_923 : i32
      %add3A_926 = arith.constant 2 : i32
      %add3A_927 = arith.addi %mul3A_925, %add3A_926 : i32
      %mul3A_928 = arith.constant 256 : i32
      %mul3A_929 = arith.muli %add3A_927, %mul3A_928 : i32
      %add3A_930 = arith.addi %mul3A_2, %mul3A_929 : i32
      %dma_start3A_931 = arith.constant 2 : i32
      %dma_start3A_932 = arith.constant 0 : i32
      %dma_start3A_933 = arith.constant 0 : i32
      %dma_start3A_934 = tpu.memref_slice %arg8[%dma_start3A_931, %dma_start3A_932, %dma_start3A_933] : memref<4x256x64xf32, #tpu.memory_space<vmem>> -> memref<1x256x64xf32, #tpu.memory_space<vmem>>
      %dma_start3A_935 = tpu.memref_squeeze %dma_start3A_934 : memref<1x256x64xf32, #tpu.memory_space<vmem>> -> memref<256x64xf32, #tpu.memory_space<vmem>>
      %dma_start3A_936 = arith.constant 0 : i32
      %dma_start3A_937 = tpu.memref_slice %arg5[%add3A_930, %dma_start3A_936] : memref<2097152x64xf32, #tpu.memory_space<hbm>> -> memref<256x64xf32, #tpu.memory_space<hbm>>
      %dma_start3A_938 = arith.constant 0 : i32
      %dma_start3A_939 = tpu.memref_slice %arg5[%add3A_930, %dma_start3A_938] : memref<2097152x64xf32, #tpu.memory_space<hbm>> -> memref<256x64xf32, #tpu.memory_space<hbm>>
      %dma_start3A_940 = arith.constant 0 : i32
      %dma_start3A_941 = arith.constant 0 : i32
      %dma_start3A_942 = tpu.memref_slice %arg8[%dma_start3A_931, %dma_start3A_940, %dma_start3A_941] : memref<4x256x64xf32, #tpu.memory_space<vmem>> -> memref<1x256x64xf32, #tpu.memory_space<vmem>>
      %dma_start3A_943 = tpu.memref_squeeze %dma_start3A_942 : memref<1x256x64xf32, #tpu.memory_space<vmem>> -> memref<256x64xf32, #tpu.memory_space<vmem>>
      tpu.enqueue_dma source(%dma_start3A_943 : memref<256x64xf32, #tpu.memory_space<vmem>>) target(%dma_start3A_939 : memref<256x64xf32, #tpu.memory_space<hbm>>) target_semaphore(%arg19 : memref<!tpu.dma_semaphore, #tpu.memory_space<semaphore_mem>>)
      %dma_wait3A_944 = arith.constant 3 : i32
      %dma_wait3A_945 = arith.constant 0 : i32
      %dma_wait3A_946 = arith.constant 0 : i32
      %dma_wait3A_947 = tpu.memref_slice %arg8[%dma_wait3A_944, %dma_wait3A_945, %dma_wait3A_946] : memref<4x256x64xf32, #tpu.memory_space<vmem>> -> memref<1x256x64xf32, #tpu.memory_space<vmem>>
      %dma_wait3A_948 = tpu.memref_squeeze %dma_wait3A_947 : memref<1x256x64xf32, #tpu.memory_space<vmem>> -> memref<256x64xf32, #tpu.memory_space<vmem>>
      %dma_wait3A_949 = arith.constant 0 : i32
      %dma_wait3A_950 = arith.constant 0 : i32
      %dma_wait3A_951 = tpu.memref_slice %arg5[%dma_wait3A_949, %dma_wait3A_950] : memref<2097152x64xf32, #tpu.memory_space<hbm>> -> memref<256x64xf32, #tpu.memory_space<hbm>>
      %dma_wait3A_952 = arith.constant 0 : i32
      %dma_wait3A_953 = arith.constant 0 : i32
      %dma_wait3A_954 = tpu.memref_slice %arg8[%dma_wait3A_944, %dma_wait3A_952, %dma_wait3A_953] : memref<4x256x64xf32, #tpu.memory_space<vmem>> -> memref<1x256x64xf32, #tpu.memory_space<vmem>>
      %dma_wait3A_955 = tpu.memref_squeeze %dma_wait3A_954 : memref<1x256x64xf32, #tpu.memory_space<vmem>> -> memref<256x64xf32, #tpu.memory_space<vmem>>
      %dma_wait3A_956 = arith.constant 0 : i32
      %dma_wait3A_957 = arith.constant 0 : i32
      %dma_wait3A_958 = tpu.memref_slice %arg5[%dma_wait3A_956, %dma_wait3A_957] : memref<2097152x64xf32, #tpu.memory_space<hbm>> -> memref<256x64xf32, #tpu.memory_space<hbm>>
      tpu.wait_dma2 semaphore(%arg16 : memref<!tpu.dma_semaphore, #tpu.memory_space<semaphore_mem>>) src(%dma_wait3A_958 : memref<256x64xf32, #tpu.memory_space<hbm>>) dst(%dma_wait3A_955 : memref<256x64xf32, #tpu.memory_space<vmem>>)
      %sub3A_959 = arith.constant 1 : i32
      %sub3A_960 = arith.subi %scan3A_833, %sub3A_959 : i32
      %mul3A_961 = arith.constant 4 : i32
      %mul3A_962 = arith.muli %mul3A_961, %sub3A_960 : i32
      %add3A_963 = arith.constant 3 : i32
      %add3A_964 = arith.addi %mul3A_962, %add3A_963 : i32
      %mul3A_965 = arith.constant 256 : i32
      %mul3A_966 = arith.muli %add3A_964, %mul3A_965 : i32
      %add3A_967 = arith.addi %mul3A_2, %mul3A_966 : i32
      %dma_start3A_968 = arith.constant 3 : i32
      %dma_start3A_969 = arith.constant 0 : i32
      %dma_start3A_970 = arith.constant 0 : i32
      %dma_start3A_971 = tpu.memref_slice %arg8[%dma_start3A_968, %dma_start3A_969, %dma_start3A_970] : memref<4x256x64xf32, #tpu.memory_space<vmem>> -> memref<1x256x64xf32, #tpu.memory_space<vmem>>
      %dma_start3A_972 = tpu.memref_squeeze %dma_start3A_971 : memref<1x256x64xf32, #tpu.memory_space<vmem>> -> memref<256x64xf32, #tpu.memory_space<vmem>>
      %dma_start3A_973 = arith.constant 0 : i32
      %dma_start3A_974 = tpu.memref_slice %arg5[%add3A_967, %dma_start3A_973] : memref<2097152x64xf32, #tpu.memory_space<hbm>> -> memref<256x64xf32, #tpu.memory_space<hbm>>
      %dma_start3A_975 = arith.constant 0 : i32
      %dma_start3A_976 = tpu.memref_slice %arg5[%add3A_967, %dma_start3A_975] : memref<2097152x64xf32, #tpu.memory_space<hbm>> -> memref<256x64xf32, #tpu.memory_space<hbm>>
      %dma_start3A_977 = arith.constant 0 : i32
      %dma_start3A_978 = arith.constant 0 : i32
      %dma_start3A_979 = tpu.memref_slice %arg8[%dma_start3A_968, %dma_start3A_977, %dma_start3A_978] : memref<4x256x64xf32, #tpu.memory_space<vmem>> -> memref<1x256x64xf32, #tpu.memory_space<vmem>>
      %dma_start3A_980 = tpu.memref_squeeze %dma_start3A_979 : memref<1x256x64xf32, #tpu.memory_space<vmem>> -> memref<256x64xf32, #tpu.memory_space<vmem>>
      tpu.enqueue_dma source(%dma_start3A_980 : memref<256x64xf32, #tpu.memory_space<vmem>>) target(%dma_start3A_976 : memref<256x64xf32, #tpu.memory_space<hbm>>) target_semaphore(%arg20 : memref<!tpu.dma_semaphore, #tpu.memory_space<semaphore_mem>>)
      %mul3A_981 = arith.constant 4 : i32
      %mul3A_982 = arith.muli %mul3A_981, %scan3A_833 : i32
      %add3A_983 = arith.constant 0 : i32
      %add3A_984 = arith.addi %mul3A_982, %add3A_983 : i32
      %mul3A_985 = arith.constant 256 : i32
      %mul3A_986 = arith.muli %add3A_984, %mul3A_985 : i32
      %add3A_987 = arith.addi %mul3A_2, %mul3A_986 : i32
      %dma_start3A_988 = arith.constant 0 : i32
      %dma_start3A_989 = arith.constant 0 : i32
      %dma_start3A_990 = tpu.memref_slice %arg7[%dma_start3A_988, %dma_start3A_989] : memref<4x256xi32, #tpu.memory_space<vmem>> -> memref<1x256xi32, #tpu.memory_space<vmem>>
      %dma_start3A_991 = tpu.memref_squeeze %dma_start3A_990 : memref<1x256xi32, #tpu.memory_space<vmem>> -> memref<256xi32, #tpu.memory_space<vmem>>
      %dma_start3A_992 = tpu.memref_slice %arg3[%add3A_987] : memref<2097152xi32, #tpu.memory_space<hbm>> -> memref<256xi32, #tpu.memory_space<hbm>>
      %dma_start3A_993 = arith.constant 0 : i32
      %dma_start3A_994 = tpu.memref_slice %arg7[%dma_start3A_988, %dma_start3A_993] : memref<4x256xi32, #tpu.memory_space<vmem>> -> memref<1x256xi32, #tpu.memory_space<vmem>>
      %dma_start3A_995 = tpu.memref_squeeze %dma_start3A_994 : memref<1x256xi32, #tpu.memory_space<vmem>> -> memref<256xi32, #tpu.memory_space<vmem>>
      %dma_start3A_996 = tpu.memref_slice %arg3[%add3A_987] : memref<2097152xi32, #tpu.memory_space<hbm>> -> memref<256xi32, #tpu.memory_space<hbm>>
      tpu.enqueue_dma source(%dma_start3A_996 : memref<256xi32, #tpu.memory_space<hbm>>) target(%dma_start3A_995 : memref<256xi32, #tpu.memory_space<vmem>>) target_semaphore(%arg9 : memref<!tpu.dma_semaphore, #tpu.memory_space<semaphore_mem>>)
      %mul3A_997 = arith.constant 4 : i32
      %mul3A_998 = arith.muli %mul3A_997, %scan3A_833 : i32
      %add3A_999 = arith.constant 1 : i32
      %add3A_1000 = arith.addi %mul3A_998, %add3A_999 : i32
      %mul3A_1001 = arith.constant 256 : i32
      %mul3A_1002 = arith.muli %add3A_1000, %mul3A_1001 : i32
      %add3A_1003 = arith.addi %mul3A_2, %mul3A_1002 : i32
      %dma_start3A_1004 = arith.constant 1 : i32
      %dma_start3A_1005 = arith.constant 0 : i32
      %dma_start3A_1006 = tpu.memref_slice %arg7[%dma_start3A_1004, %dma_start3A_1005] : memref<4x256xi32, #tpu.memory_space<vmem>> -> memref<1x256xi32, #tpu.memory_space<vmem>>
      %dma_start3A_1007 = tpu.memref_squeeze %dma_start3A_1006 : memref<1x256xi32, #tpu.memory_space<vmem>> -> memref<256xi32, #tpu.memory_space<vmem>>
      %dma_start3A_1008 = tpu.memref_slice %arg3[%add3A_1003] : memref<2097152xi32, #tpu.memory_space<hbm>> -> memref<256xi32, #tpu.memory_space<hbm>>
      %dma_start3A_1009 = arith.constant 0 : i32
      %dma_start3A_1010 = tpu.memref_slice %arg7[%dma_start3A_1004, %dma_start3A_1009] : memref<4x256xi32, #tpu.memory_space<vmem>> -> memref<1x256xi32, #tpu.memory_space<vmem>>
      %dma_start3A_1011 = tpu.memref_squeeze %dma_start3A_1010 : memref<1x256xi32, #tpu.memory_space<vmem>> -> memref<256xi32, #tpu.memory_space<vmem>>
      %dma_start3A_1012 = tpu.memref_slice %arg3[%add3A_1003] : memref<2097152xi32, #tpu.memory_space<hbm>> -> memref<256xi32, #tpu.memory_space<hbm>>
      tpu.enqueue_dma source(%dma_start3A_1012 : memref<256xi32, #tpu.memory_space<hbm>>) target(%dma_start3A_1011 : memref<256xi32, #tpu.memory_space<vmem>>) target_semaphore(%arg10 : memref<!tpu.dma_semaphore, #tpu.memory_space<semaphore_mem>>)
      %mul3A_1013 = arith.constant 4 : i32
      %mul3A_1014 = arith.muli %mul3A_1013, %scan3A_833 : i32
      %add3A_1015 = arith.constant 2 : i32
      %add3A_1016 = arith.addi %mul3A_1014, %add3A_1015 : i32
      %mul3A_1017 = arith.constant 256 : i32
      %mul3A_1018 = arith.muli %add3A_1016, %mul3A_1017 : i32
      %add3A_1019 = arith.addi %mul3A_2, %mul3A_1018 : i32
      %dma_start3A_1020 = arith.constant 2 : i32
      %dma_start3A_1021 = arith.constant 0 : i32
      %dma_start3A_1022 = tpu.memref_slice %arg7[%dma_start3A_1020, %dma_start3A_1021] : memref<4x256xi32, #tpu.memory_space<vmem>> -> memref<1x256xi32, #tpu.memory_space<vmem>>
      %dma_start3A_1023 = tpu.memref_squeeze %dma_start3A_1022 : memref<1x256xi32, #tpu.memory_space<vmem>> -> memref<256xi32, #tpu.memory_space<vmem>>
      %dma_start3A_1024 = tpu.memref_slice %arg3[%add3A_1019] : memref<2097152xi32, #tpu.memory_space<hbm>> -> memref<256xi32, #tpu.memory_space<hbm>>
      %dma_start3A_1025 = arith.constant 0 : i32
      %dma_start3A_1026 = tpu.memref_slice %arg7[%dma_start3A_1020, %dma_start3A_1025] : memref<4x256xi32, #tpu.memory_space<vmem>> -> memref<1x256xi32, #tpu.memory_space<vmem>>
      %dma_start3A_1027 = tpu.memref_squeeze %dma_start3A_1026 : memref<1x256xi32, #tpu.memory_space<vmem>> -> memref<256xi32, #tpu.memory_space<vmem>>
      %dma_start3A_1028 = tpu.memref_slice %arg3[%add3A_1019] : memref<2097152xi32, #tpu.memory_space<hbm>> -> memref<256xi32, #tpu.memory_space<hbm>>
      tpu.enqueue_dma source(%dma_start3A_1028 : memref<256xi32, #tpu.memory_space<hbm>>) target(%dma_start3A_1027 : memref<256xi32, #tpu.memory_space<vmem>>) target_semaphore(%arg11 : memref<!tpu.dma_semaphore, #tpu.memory_space<semaphore_mem>>)
      %mul3A_1029 = arith.constant 4 : i32
      %mul3A_1030 = arith.muli %mul3A_1029, %scan3A_833 : i32
      %add3A_1031 = arith.constant 3 : i32
      %add3A_1032 = arith.addi %mul3A_1030, %add3A_1031 : i32
      %mul3A_1033 = arith.constant 256 : i32
      %mul3A_1034 = arith.muli %add3A_1032, %mul3A_1033 : i32
      %add3A_1035 = arith.addi %mul3A_2, %mul3A_1034 : i32
      %dma_start3A_1036 = arith.constant 3 : i32
      %dma_start3A_1037 = arith.constant 0 : i32
      %dma_start3A_1038 = tpu.memref_slice %arg7[%dma_start3A_1036, %dma_start3A_1037] : memref<4x256xi32, #tpu.memory_space<vmem>> -> memref<1x256xi32, #tpu.memory_space<vmem>>
      %dma_start3A_1039 = tpu.memref_squeeze %dma_start3A_1038 : memref<1x256xi32, #tpu.memory_space<vmem>> -> memref<256xi32, #tpu.memory_space<vmem>>
      %dma_start3A_1040 = tpu.memref_slice %arg3[%add3A_1035] : memref<2097152xi32, #tpu.memory_space<hbm>> -> memref<256xi32, #tpu.memory_space<hbm>>
      %dma_start3A_1041 = arith.constant 0 : i32
      %dma_start3A_1042 = tpu.memref_slice %arg7[%dma_start3A_1036, %dma_start3A_1041] : memref<4x256xi32, #tpu.memory_space<vmem>> -> memref<1x256xi32, #tpu.memory_space<vmem>>
      %dma_start3A_1043 = tpu.memref_squeeze %dma_start3A_1042 : memref<1x256xi32, #tpu.memory_space<vmem>> -> memref<256xi32, #tpu.memory_space<vmem>>
      %dma_start3A_1044 = tpu.memref_slice %arg3[%add3A_1035] : memref<2097152xi32, #tpu.memory_space<hbm>> -> memref<256xi32, #tpu.memory_space<hbm>>
      tpu.enqueue_dma source(%dma_start3A_1044 : memref<256xi32, #tpu.memory_space<hbm>>) target(%dma_start3A_1043 : memref<256xi32, #tpu.memory_space<vmem>>) target_semaphore(%arg12 : memref<!tpu.dma_semaphore, #tpu.memory_space<semaphore_mem>>)
      %dma_wait3A_1045 = arith.constant 0 : i32
      %dma_wait3A_1046 = arith.constant 0 : i32
      %dma_wait3A_1047 = tpu.memref_slice %arg7[%dma_wait3A_1045, %dma_wait3A_1046] : memref<4x256xi32, #tpu.memory_space<vmem>> -> memref<1x256xi32, #tpu.memory_space<vmem>>
      %dma_wait3A_1048 = tpu.memref_squeeze %dma_wait3A_1047 : memref<1x256xi32, #tpu.memory_space<vmem>> -> memref<256xi32, #tpu.memory_space<vmem>>
      %dma_wait3A_1049 = arith.constant 0 : i32
      %dma_wait3A_1050 = tpu.memref_slice %arg3[%dma_wait3A_1049] : memref<2097152xi32, #tpu.memory_space<hbm>> -> memref<256xi32, #tpu.memory_space<hbm>>
      %dma_wait3A_1051 = arith.constant 0 : i32
      %dma_wait3A_1052 = tpu.memref_slice %arg7[%dma_wait3A_1045, %dma_wait3A_1051] : memref<4x256xi32, #tpu.memory_space<vmem>> -> memref<1x256xi32, #tpu.memory_space<vmem>>
      %dma_wait3A_1053 = tpu.memref_squeeze %dma_wait3A_1052 : memref<1x256xi32, #tpu.memory_space<vmem>> -> memref<256xi32, #tpu.memory_space<vmem>>
      %dma_wait3A_1054 = arith.constant 0 : i32
      %dma_wait3A_1055 = tpu.memref_slice %arg3[%dma_wait3A_1054] : memref<2097152xi32, #tpu.memory_space<hbm>> -> memref<256xi32, #tpu.memory_space<hbm>>
      tpu.wait_dma2 semaphore(%arg9 : memref<!tpu.dma_semaphore, #tpu.memory_space<semaphore_mem>>) src(%dma_wait3A_1055 : memref<256xi32, #tpu.memory_space<hbm>>) dst(%dma_wait3A_1053 : memref<256xi32, #tpu.memory_space<vmem>>)
      %dma_wait3A_1056 = arith.constant 0 : i32
      %dma_wait3A_1057 = arith.constant 0 : i32
      %dma_wait3A_1058 = arith.constant 0 : i32
      %dma_wait3A_1059 = tpu.memref_slice %arg8[%dma_wait3A_1056, %dma_wait3A_1057, %dma_wait3A_1058] : memref<4x256x64xf32, #tpu.memory_space<vmem>> -> memref<1x256x64xf32, #tpu.memory_space<vmem>>
      %dma_wait3A_1060 = tpu.memref_squeeze %dma_wait3A_1059 : memref<1x256x64xf32, #tpu.memory_space<vmem>> -> memref<256x64xf32, #tpu.memory_space<vmem>>
      %dma_wait3A_1061 = arith.constant 0 : i32
      %dma_wait3A_1062 = arith.constant 0 : i32
      %dma_wait3A_1063 = tpu.memref_slice %arg5[%dma_wait3A_1061, %dma_wait3A_1062] : memref<2097152x64xf32, #tpu.memory_space<hbm>> -> memref<256x64xf32, #tpu.memory_space<hbm>>
      %dma_wait3A_1064 = arith.constant 0 : i32
      %dma_wait3A_1065 = arith.constant 0 : i32
      %dma_wait3A_1066 = tpu.memref_slice %arg5[%dma_wait3A_1064, %dma_wait3A_1065] : memref<2097152x64xf32, #tpu.memory_space<hbm>> -> memref<256x64xf32, #tpu.memory_space<hbm>>
      %dma_wait3A_1067 = arith.constant 0 : i32
      %dma_wait3A_1068 = arith.constant 0 : i32
      %dma_wait3A_1069 = tpu.memref_slice %arg8[%dma_wait3A_1056, %dma_wait3A_1067, %dma_wait3A_1068] : memref<4x256x64xf32, #tpu.memory_space<vmem>> -> memref<1x256x64xf32, #tpu.memory_space<vmem>>
      %dma_wait3A_1070 = tpu.memref_squeeze %dma_wait3A_1069 : memref<1x256x64xf32, #tpu.memory_space<vmem>> -> memref<256x64xf32, #tpu.memory_space<vmem>>
      tpu.wait_dma2 semaphore(%arg17 : memref<!tpu.dma_semaphore, #tpu.memory_space<semaphore_mem>>) src(%dma_wait3A_1070 : memref<256x64xf32, #tpu.memory_space<vmem>>) dst(%dma_wait3A_1066 : memref<256x64xf32, #tpu.memory_space<hbm>>)
      %dma_start3A_1071 = arith.constant 0 : i32
      %dma_start3A_1072 = arith.constant 0 : i32
      %dma_start3A_1073 = arith.constant 0 : i32
      %dma_start3A_1074 = arith.constant 0 : i32
      %dma_start3A_1075 = tpu.memref_slice %arg8[%dma_start3A_1072, %dma_start3A_1073, %dma_start3A_1074] : memref<4x256x64xf32, #tpu.memory_space<vmem>> -> memref<1x128x64xf32, #tpu.memory_space<vmem>>
      %dma_start3A_1076 = tpu.memref_squeeze %dma_start3A_1075 : memref<1x128x64xf32, #tpu.memory_space<vmem>> -> memref<128x64xf32, #tpu.memory_space<vmem>>
      %dma_start3A_1077 = arith.constant 0 : i32
      %dma_start3A_1078 = tpu.memref_slice %arg7[%dma_start3A_1071, %dma_start3A_1077] : memref<4x256xi32, #tpu.memory_space<vmem>> -> memref<1x128xi32, #tpu.memory_space<vmem>>
      %dma_start3A_1079 = tpu.memref_squeeze %dma_start3A_1078 : memref<1x128xi32, #tpu.memory_space<vmem>> -> memref<128xi32, #tpu.memory_space<vmem>>
      %dma_start3A_1080 = arith.constant 0 : i32
      %dma_start3A_1081 = arith.constant 0 : i32
      %dma_start3A_1082 = tpu.memref_slice %arg2[%dma_start3A_1080, %dma_start3A_1081] : memref<8192x64xf32, #tpu.memory_space<hbm>> -> memref<8192x64xf32, #tpu.memory_space<hbm>>
      tpu.enqueue_indirect_dma source(%dma_start3A_1082 : memref<8192x64xf32, #tpu.memory_space<hbm>>) target(%dma_start3A_1076 : memref<128x64xf32, #tpu.memory_space<vmem>>) offsets(%dma_start3A_1079 : memref<128xi32, #tpu.memory_space<vmem>>) semaphore(%arg13 : memref<!tpu.dma_semaphore, #tpu.memory_space<semaphore_mem>>)
      %dma_start3A_1083 = arith.constant 0 : i32
      %dma_start3A_1084 = arith.constant 0 : i32
      %dma_start3A_1085 = arith.constant 128 : i32
      %dma_start3A_1086 = arith.constant 0 : i32
      %dma_start3A_1087 = tpu.memref_slice %arg8[%dma_start3A_1084, %dma_start3A_1085, %dma_start3A_1086] : memref<4x256x64xf32, #tpu.memory_space<vmem>> -> memref<1x128x64xf32, #tpu.memory_space<vmem>>
      %dma_start3A_1088 = tpu.memref_squeeze %dma_start3A_1087 : memref<1x128x64xf32, #tpu.memory_space<vmem>> -> memref<128x64xf32, #tpu.memory_space<vmem>>
      %dma_start3A_1089 = arith.constant 128 : i32
      %dma_start3A_1090 = tpu.memref_slice %arg7[%dma_start3A_1083, %dma_start3A_1089] : memref<4x256xi32, #tpu.memory_space<vmem>> -> memref<1x128xi32, #tpu.memory_space<vmem>>
      %dma_start3A_1091 = tpu.memref_squeeze %dma_start3A_1090 : memref<1x128xi32, #tpu.memory_space<vmem>> -> memref<128xi32, #tpu.memory_space<vmem>>
      %dma_start3A_1092 = arith.constant 0 : i32
      %dma_start3A_1093 = arith.constant 0 : i32
      %dma_start3A_1094 = tpu.memref_slice %arg2[%dma_start3A_1092, %dma_start3A_1093] : memref<8192x64xf32, #tpu.memory_space<hbm>> -> memref<8192x64xf32, #tpu.memory_space<hbm>>
      tpu.enqueue_indirect_dma source(%dma_start3A_1094 : memref<8192x64xf32, #tpu.memory_space<hbm>>) target(%dma_start3A_1088 : memref<128x64xf32, #tpu.memory_space<vmem>>) offsets(%dma_start3A_1091 : memref<128xi32, #tpu.memory_space<vmem>>) semaphore(%arg13 : memref<!tpu.dma_semaphore, #tpu.memory_space<semaphore_mem>>)
      %dma_wait3A_1095 = arith.constant 1 : i32
      %dma_wait3A_1096 = arith.constant 0 : i32
      %dma_wait3A_1097 = tpu.memref_slice %arg7[%dma_wait3A_1095, %dma_wait3A_1096] : memref<4x256xi32, #tpu.memory_space<vmem>> -> memref<1x256xi32, #tpu.memory_space<vmem>>
      %dma_wait3A_1098 = tpu.memref_squeeze %dma_wait3A_1097 : memref<1x256xi32, #tpu.memory_space<vmem>> -> memref<256xi32, #tpu.memory_space<vmem>>
      %dma_wait3A_1099 = arith.constant 0 : i32
      %dma_wait3A_1100 = tpu.memref_slice %arg3[%dma_wait3A_1099] : memref<2097152xi32, #tpu.memory_space<hbm>> -> memref<256xi32, #tpu.memory_space<hbm>>
      %dma_wait3A_1101 = arith.constant 0 : i32
      %dma_wait3A_1102 = tpu.memref_slice %arg7[%dma_wait3A_1095, %dma_wait3A_1101] : memref<4x256xi32, #tpu.memory_space<vmem>> -> memref<1x256xi32, #tpu.memory_space<vmem>>
      %dma_wait3A_1103 = tpu.memref_squeeze %dma_wait3A_1102 : memref<1x256xi32, #tpu.memory_space<vmem>> -> memref<256xi32, #tpu.memory_space<vmem>>
      %dma_wait3A_1104 = arith.constant 0 : i32
      %dma_wait3A_1105 = tpu.memref_slice %arg3[%dma_wait3A_1104] : memref<2097152xi32, #tpu.memory_space<hbm>> -> memref<256xi32, #tpu.memory_space<hbm>>
      tpu.wait_dma2 semaphore(%arg10 : memref<!tpu.dma_semaphore, #tpu.memory_space<semaphore_mem>>) src(%dma_wait3A_1105 : memref<256xi32, #tpu.memory_space<hbm>>) dst(%dma_wait3A_1103 : memref<256xi32, #tpu.memory_space<vmem>>)
      %dma_wait3A_1106 = arith.constant 1 : i32
      %dma_wait3A_1107 = arith.constant 0 : i32
      %dma_wait3A_1108 = arith.constant 0 : i32
      %dma_wait3A_1109 = tpu.memref_slice %arg8[%dma_wait3A_1106, %dma_wait3A_1107, %dma_wait3A_1108] : memref<4x256x64xf32, #tpu.memory_space<vmem>> -> memref<1x256x64xf32, #tpu.memory_space<vmem>>
      %dma_wait3A_1110 = tpu.memref_squeeze %dma_wait3A_1109 : memref<1x256x64xf32, #tpu.memory_space<vmem>> -> memref<256x64xf32, #tpu.memory_space<vmem>>
      %dma_wait3A_1111 = arith.constant 0 : i32
      %dma_wait3A_1112 = arith.constant 0 : i32
      %dma_wait3A_1113 = tpu.memref_slice %arg5[%dma_wait3A_1111, %dma_wait3A_1112] : memref<2097152x64xf32, #tpu.memory_space<hbm>> -> memref<256x64xf32, #tpu.memory_space<hbm>>
      %dma_wait3A_1114 = arith.constant 0 : i32
      %dma_wait3A_1115 = arith.constant 0 : i32
      %dma_wait3A_1116 = tpu.memref_slice %arg5[%dma_wait3A_1114, %dma_wait3A_1115] : memref<2097152x64xf32, #tpu.memory_space<hbm>> -> memref<256x64xf32, #tpu.memory_space<hbm>>
      %dma_wait3A_1117 = arith.constant 0 : i32
      %dma_wait3A_1118 = arith.constant 0 : i32
      %dma_wait3A_1119 = tpu.memref_slice %arg8[%dma_wait3A_1106, %dma_wait3A_1117, %dma_wait3A_1118] : memref<4x256x64xf32, #tpu.memory_space<vmem>> -> memref<1x256x64xf32, #tpu.memory_space<vmem>>
      %dma_wait3A_1120 = tpu.memref_squeeze %dma_wait3A_1119 : memref<1x256x64xf32, #tpu.memory_space<vmem>> -> memref<256x64xf32, #tpu.memory_space<vmem>>
      tpu.wait_dma2 semaphore(%arg18 : memref<!tpu.dma_semaphore, #tpu.memory_space<semaphore_mem>>) src(%dma_wait3A_1120 : memref<256x64xf32, #tpu.memory_space<vmem>>) dst(%dma_wait3A_1116 : memref<256x64xf32, #tpu.memory_space<hbm>>)
      %dma_start3A_1121 = arith.constant 1 : i32
      %dma_start3A_1122 = arith.constant 1 : i32
      %dma_start3A_1123 = arith.constant 0 : i32
      %dma_start3A_1124 = arith.constant 0 : i32
      %dma_start3A_1125 = tpu.memref_slice %arg8[%dma_start3A_1122, %dma_start3A_1123, %dma_start3A_1124] : memref<4x256x64xf32, #tpu.memory_space<vmem>> -> memref<1x128x64xf32, #tpu.memory_space<vmem>>
      %dma_start3A_1126 = tpu.memref_squeeze %dma_start3A_1125 : memref<1x128x64xf32, #tpu.memory_space<vmem>> -> memref<128x64xf32, #tpu.memory_space<vmem>>
      %dma_start3A_1127 = arith.constant 0 : i32
      %dma_start3A_1128 = tpu.memref_slice %arg7[%dma_start3A_1121, %dma_start3A_1127] : memref<4x256xi32, #tpu.memory_space<vmem>> -> memref<1x128xi32, #tpu.memory_space<vmem>>
      %dma_start3A_1129 = tpu.memref_squeeze %dma_start3A_1128 : memref<1x128xi32, #tpu.memory_space<vmem>> -> memref<128xi32, #tpu.memory_space<vmem>>
      %dma_start3A_1130 = arith.constant 0 : i32
      %dma_start3A_1131 = arith.constant 0 : i32
      %dma_start3A_1132 = tpu.memref_slice %arg2[%dma_start3A_1130, %dma_start3A_1131] : memref<8192x64xf32, #tpu.memory_space<hbm>> -> memref<8192x64xf32, #tpu.memory_space<hbm>>
      tpu.enqueue_indirect_dma source(%dma_start3A_1132 : memref<8192x64xf32, #tpu.memory_space<hbm>>) target(%dma_start3A_1126 : memref<128x64xf32, #tpu.memory_space<vmem>>) offsets(%dma_start3A_1129 : memref<128xi32, #tpu.memory_space<vmem>>) semaphore(%arg14 : memref<!tpu.dma_semaphore, #tpu.memory_space<semaphore_mem>>)
      %dma_start3A_1133 = arith.constant 1 : i32
      %dma_start3A_1134 = arith.constant 1 : i32
      %dma_start3A_1135 = arith.constant 128 : i32
      %dma_start3A_1136 = arith.constant 0 : i32
      %dma_start3A_1137 = tpu.memref_slice %arg8[%dma_start3A_1134, %dma_start3A_1135, %dma_start3A_1136] : memref<4x256x64xf32, #tpu.memory_space<vmem>> -> memref<1x128x64xf32, #tpu.memory_space<vmem>>
      %dma_start3A_1138 = tpu.memref_squeeze %dma_start3A_1137 : memref<1x128x64xf32, #tpu.memory_space<vmem>> -> memref<128x64xf32, #tpu.memory_space<vmem>>
      %dma_start3A_1139 = arith.constant 128 : i32
      %dma_start3A_1140 = tpu.memref_slice %arg7[%dma_start3A_1133, %dma_start3A_1139] : memref<4x256xi32, #tpu.memory_space<vmem>> -> memref<1x128xi32, #tpu.memory_space<vmem>>
      %dma_start3A_1141 = tpu.memref_squeeze %dma_start3A_1140 : memref<1x128xi32, #tpu.memory_space<vmem>> -> memref<128xi32, #tpu.memory_space<vmem>>
      %dma_start3A_1142 = arith.constant 0 : i32
      %dma_start3A_1143 = arith.constant 0 : i32
      %dma_start3A_1144 = tpu.memref_slice %arg2[%dma_start3A_1142, %dma_start3A_1143] : memref<8192x64xf32, #tpu.memory_space<hbm>> -> memref<8192x64xf32, #tpu.memory_space<hbm>>
      tpu.enqueue_indirect_dma source(%dma_start3A_1144 : memref<8192x64xf32, #tpu.memory_space<hbm>>) target(%dma_start3A_1138 : memref<128x64xf32, #tpu.memory_space<vmem>>) offsets(%dma_start3A_1141 : memref<128xi32, #tpu.memory_space<vmem>>) semaphore(%arg14 : memref<!tpu.dma_semaphore, #tpu.memory_space<semaphore_mem>>)
      %dma_wait3A_1145 = arith.constant 2 : i32
      %dma_wait3A_1146 = arith.constant 0 : i32
      %dma_wait3A_1147 = tpu.memref_slice %arg7[%dma_wait3A_1145, %dma_wait3A_1146] : memref<4x256xi32, #tpu.memory_space<vmem>> -> memref<1x256xi32, #tpu.memory_space<vmem>>
      %dma_wait3A_1148 = tpu.memref_squeeze %dma_wait3A_1147 : memref<1x256xi32, #tpu.memory_space<vmem>> -> memref<256xi32, #tpu.memory_space<vmem>>
      %dma_wait3A_1149 = arith.constant 0 : i32
      %dma_wait3A_1150 = tpu.memref_slice %arg3[%dma_wait3A_1149] : memref<2097152xi32, #tpu.memory_space<hbm>> -> memref<256xi32, #tpu.memory_space<hbm>>
      %dma_wait3A_1151 = arith.constant 0 : i32
      %dma_wait3A_1152 = tpu.memref_slice %arg7[%dma_wait3A_1145, %dma_wait3A_1151] : memref<4x256xi32, #tpu.memory_space<vmem>> -> memref<1x256xi32, #tpu.memory_space<vmem>>
      %dma_wait3A_1153 = tpu.memref_squeeze %dma_wait3A_1152 : memref<1x256xi32, #tpu.memory_space<vmem>> -> memref<256xi32, #tpu.memory_space<vmem>>
      %dma_wait3A_1154 = arith.constant 0 : i32
      %dma_wait3A_1155 = tpu.memref_slice %arg3[%dma_wait3A_1154] : memref<2097152xi32, #tpu.memory_space<hbm>> -> memref<256xi32, #tpu.memory_space<hbm>>
      tpu.wait_dma2 semaphore(%arg11 : memref<!tpu.dma_semaphore, #tpu.memory_space<semaphore_mem>>) src(%dma_wait3A_1155 : memref<256xi32, #tpu.memory_space<hbm>>) dst(%dma_wait3A_1153 : memref<256xi32, #tpu.memory_space<vmem>>)
      %dma_wait3A_1156 = arith.constant 2 : i32
      %dma_wait3A_1157 = arith.constant 0 : i32
      %dma_wait3A_1158 = arith.constant 0 : i32
      %dma_wait3A_1159 = tpu.memref_slice %arg8[%dma_wait3A_1156, %dma_wait3A_1157, %dma_wait3A_1158] : memref<4x256x64xf32, #tpu.memory_space<vmem>> -> memref<1x256x64xf32, #tpu.memory_space<vmem>>
      %dma_wait3A_1160 = tpu.memref_squeeze %dma_wait3A_1159 : memref<1x256x64xf32, #tpu.memory_space<vmem>> -> memref<256x64xf32, #tpu.memory_space<vmem>>
      %dma_wait3A_1161 = arith.constant 0 : i32
      %dma_wait3A_1162 = arith.constant 0 : i32
      %dma_wait3A_1163 = tpu.memref_slice %arg5[%dma_wait3A_1161, %dma_wait3A_1162] : memref<2097152x64xf32, #tpu.memory_space<hbm>> -> memref<256x64xf32, #tpu.memory_space<hbm>>
      %dma_wait3A_1164 = arith.constant 0 : i32
      %dma_wait3A_1165 = arith.constant 0 : i32
      %dma_wait3A_1166 = tpu.memref_slice %arg5[%dma_wait3A_1164, %dma_wait3A_1165] : memref<2097152x64xf32, #tpu.memory_space<hbm>> -> memref<256x64xf32, #tpu.memory_space<hbm>>
      %dma_wait3A_1167 = arith.constant 0 : i32
      %dma_wait3A_1168 = arith.constant 0 : i32
      %dma_wait3A_1169 = tpu.memref_slice %arg8[%dma_wait3A_1156, %dma_wait3A_1167, %dma_wait3A_1168] : memref<4x256x64xf32, #tpu.memory_space<vmem>> -> memref<1x256x64xf32, #tpu.memory_space<vmem>>
      %dma_wait3A_1170 = tpu.memref_squeeze %dma_wait3A_1169 : memref<1x256x64xf32, #tpu.memory_space<vmem>> -> memref<256x64xf32, #tpu.memory_space<vmem>>
      tpu.wait_dma2 semaphore(%arg19 : memref<!tpu.dma_semaphore, #tpu.memory_space<semaphore_mem>>) src(%dma_wait3A_1170 : memref<256x64xf32, #tpu.memory_space<vmem>>) dst(%dma_wait3A_1166 : memref<256x64xf32, #tpu.memory_space<hbm>>)
      %dma_start3A_1171 = arith.constant 2 : i32
      %dma_start3A_1172 = arith.constant 2 : i32
      %dma_start3A_1173 = arith.constant 0 : i32
      %dma_start3A_1174 = arith.constant 0 : i32
      %dma_start3A_1175 = tpu.memref_slice %arg8[%dma_start3A_1172, %dma_start3A_1173, %dma_start3A_1174] : memref<4x256x64xf32, #tpu.memory_space<vmem>> -> memref<1x128x64xf32, #tpu.memory_space<vmem>>
      %dma_start3A_1176 = tpu.memref_squeeze %dma_start3A_1175 : memref<1x128x64xf32, #tpu.memory_space<vmem>> -> memref<128x64xf32, #tpu.memory_space<vmem>>
      %dma_start3A_1177 = arith.constant 0 : i32
      %dma_start3A_1178 = tpu.memref_slice %arg7[%dma_start3A_1171, %dma_start3A_1177] : memref<4x256xi32, #tpu.memory_space<vmem>> -> memref<1x128xi32, #tpu.memory_space<vmem>>
      %dma_start3A_1179 = tpu.memref_squeeze %dma_start3A_1178 : memref<1x128xi32, #tpu.memory_space<vmem>> -> memref<128xi32, #tpu.memory_space<vmem>>
      %dma_start3A_1180 = arith.constant 0 : i32
      %dma_start3A_1181 = arith.constant 0 : i32
      %dma_start3A_1182 = tpu.memref_slice %arg2[%dma_start3A_1180, %dma_start3A_1181] : memref<8192x64xf32, #tpu.memory_space<hbm>> -> memref<8192x64xf32, #tpu.memory_space<hbm>>
      tpu.enqueue_indirect_dma source(%dma_start3A_1182 : memref<8192x64xf32, #tpu.memory_space<hbm>>) target(%dma_start3A_1176 : memref<128x64xf32, #tpu.memory_space<vmem>>) offsets(%dma_start3A_1179 : memref<128xi32, #tpu.memory_space<vmem>>) semaphore(%arg15 : memref<!tpu.dma_semaphore, #tpu.memory_space<semaphore_mem>>)
      %dma_start3A_1183 = arith.constant 2 : i32
      %dma_start3A_1184 = arith.constant 2 : i32
      %dma_start3A_1185 = arith.constant 128 : i32
      %dma_start3A_1186 = arith.constant 0 : i32
      %dma_start3A_1187 = tpu.memref_slice %arg8[%dma_start3A_1184, %dma_start3A_1185, %dma_start3A_1186] : memref<4x256x64xf32, #tpu.memory_space<vmem>> -> memref<1x128x64xf32, #tpu.memory_space<vmem>>
      %dma_start3A_1188 = tpu.memref_squeeze %dma_start3A_1187 : memref<1x128x64xf32, #tpu.memory_space<vmem>> -> memref<128x64xf32, #tpu.memory_space<vmem>>
      %dma_start3A_1189 = arith.constant 128 : i32
      %dma_start3A_1190 = tpu.memref_slice %arg7[%dma_start3A_1183, %dma_start3A_1189] : memref<4x256xi32, #tpu.memory_space<vmem>> -> memref<1x128xi32, #tpu.memory_space<vmem>>
      %dma_start3A_1191 = tpu.memref_squeeze %dma_start3A_1190 : memref<1x128xi32, #tpu.memory_space<vmem>> -> memref<128xi32, #tpu.memory_space<vmem>>
      %dma_start3A_1192 = arith.constant 0 : i32
      %dma_start3A_1193 = arith.constant 0 : i32
      %dma_start3A_1194 = tpu.memref_slice %arg2[%dma_start3A_1192, %dma_start3A_1193] : memref<8192x64xf32, #tpu.memory_space<hbm>> -> memref<8192x64xf32, #tpu.memory_space<hbm>>
      tpu.enqueue_indirect_dma source(%dma_start3A_1194 : memref<8192x64xf32, #tpu.memory_space<hbm>>) target(%dma_start3A_1188 : memref<128x64xf32, #tpu.memory_space<vmem>>) offsets(%dma_start3A_1191 : memref<128xi32, #tpu.memory_space<vmem>>) semaphore(%arg15 : memref<!tpu.dma_semaphore, #tpu.memory_space<semaphore_mem>>)
      %dma_wait3A_1195 = arith.constant 3 : i32
      %dma_wait3A_1196 = arith.constant 0 : i32
      %dma_wait3A_1197 = tpu.memref_slice %arg7[%dma_wait3A_1195, %dma_wait3A_1196] : memref<4x256xi32, #tpu.memory_space<vmem>> -> memref<1x256xi32, #tpu.memory_space<vmem>>
      %dma_wait3A_1198 = tpu.memref_squeeze %dma_wait3A_1197 : memref<1x256xi32, #tpu.memory_space<vmem>> -> memref<256xi32, #tpu.memory_space<vmem>>
      %dma_wait3A_1199 = arith.constant 0 : i32
      %dma_wait3A_1200 = tpu.memref_slice %arg3[%dma_wait3A_1199] : memref<2097152xi32, #tpu.memory_space<hbm>> -> memref<256xi32, #tpu.memory_space<hbm>>
      %dma_wait3A_1201 = arith.constant 0 : i32
      %dma_wait3A_1202 = tpu.memref_slice %arg7[%dma_wait3A_1195, %dma_wait3A_1201] : memref<4x256xi32, #tpu.memory_space<vmem>> -> memref<1x256xi32, #tpu.memory_space<vmem>>
      %dma_wait3A_1203 = tpu.memref_squeeze %dma_wait3A_1202 : memref<1x256xi32, #tpu.memory_space<vmem>> -> memref<256xi32, #tpu.memory_space<vmem>>
      %dma_wait3A_1204 = arith.constant 0 : i32
      %dma_wait3A_1205 = tpu.memref_slice %arg3[%dma_wait3A_1204] : memref<2097152xi32, #tpu.memory_space<hbm>> -> memref<256xi32, #tpu.memory_space<hbm>>
      tpu.wait_dma2 semaphore(%arg12 : memref<!tpu.dma_semaphore, #tpu.memory_space<semaphore_mem>>) src(%dma_wait3A_1205 : memref<256xi32, #tpu.memory_space<hbm>>) dst(%dma_wait3A_1203 : memref<256xi32, #tpu.memory_space<vmem>>)
      %dma_wait3A_1206 = arith.constant 3 : i32
      %dma_wait3A_1207 = arith.constant 0 : i32
      %dma_wait3A_1208 = arith.constant 0 : i32
      %dma_wait3A_1209 = tpu.memref_slice %arg8[%dma_wait3A_1206, %dma_wait3A_1207, %dma_wait3A_1208] : memref<4x256x64xf32, #tpu.memory_space<vmem>> -> memref<1x256x64xf32, #tpu.memory_space<vmem>>
      %dma_wait3A_1210 = tpu.memref_squeeze %dma_wait3A_1209 : memref<1x256x64xf32, #tpu.memory_space<vmem>> -> memref<256x64xf32, #tpu.memory_space<vmem>>
      %dma_wait3A_1211 = arith.constant 0 : i32
      %dma_wait3A_1212 = arith.constant 0 : i32
      %dma_wait3A_1213 = tpu.memref_slice %arg5[%dma_wait3A_1211, %dma_wait3A_1212] : memref<2097152x64xf32, #tpu.memory_space<hbm>> -> memref<256x64xf32, #tpu.memory_space<hbm>>
      %dma_wait3A_1214 = arith.constant 0 : i32
      %dma_wait3A_1215 = arith.constant 0 : i32
      %dma_wait3A_1216 = tpu.memref_slice %arg5[%dma_wait3A_1214, %dma_wait3A_1215] : memref<2097152x64xf32, #tpu.memory_space<hbm>> -> memref<256x64xf32, #tpu.memory_space<hbm>>
      %dma_wait3A_1217 = arith.constant 0 : i32
      %dma_wait3A_1218 = arith.constant 0 : i32
      %dma_wait3A_1219 = tpu.memref_slice %arg8[%dma_wait3A_1206, %dma_wait3A_1217, %dma_wait3A_1218] : memref<4x256x64xf32, #tpu.memory_space<vmem>> -> memref<1x256x64xf32, #tpu.memory_space<vmem>>
      %dma_wait3A_1220 = tpu.memref_squeeze %dma_wait3A_1219 : memref<1x256x64xf32, #tpu.memory_space<vmem>> -> memref<256x64xf32, #tpu.memory_space<vmem>>
      tpu.wait_dma2 semaphore(%arg20 : memref<!tpu.dma_semaphore, #tpu.memory_space<semaphore_mem>>) src(%dma_wait3A_1220 : memref<256x64xf32, #tpu.memory_space<vmem>>) dst(%dma_wait3A_1216 : memref<256x64xf32, #tpu.memory_space<hbm>>)
      %dma_start3A_1221 = arith.constant 3 : i32
      %dma_start3A_1222 = arith.constant 3 : i32
      %dma_start3A_1223 = arith.constant 0 : i32
      %dma_start3A_1224 = arith.constant 0 : i32
      %dma_start3A_1225 = tpu.memref_slice %arg8[%dma_start3A_1222, %dma_start3A_1223, %dma_start3A_1224] : memref<4x256x64xf32, #tpu.memory_space<vmem>> -> memref<1x128x64xf32, #tpu.memory_space<vmem>>
      %dma_start3A_1226 = tpu.memref_squeeze %dma_start3A_1225 : memref<1x128x64xf32, #tpu.memory_space<vmem>> -> memref<128x64xf32, #tpu.memory_space<vmem>>
      %dma_start3A_1227 = arith.constant 0 : i32
      %dma_start3A_1228 = tpu.memref_slice %arg7[%dma_start3A_1221, %dma_start3A_1227] : memref<4x256xi32, #tpu.memory_space<vmem>> -> memref<1x128xi32, #tpu.memory_space<vmem>>
      %dma_start3A_1229 = tpu.memref_squeeze %dma_start3A_1228 : memref<1x128xi32, #tpu.memory_space<vmem>> -> memref<128xi32, #tpu.memory_space<vmem>>
      %dma_start3A_1230 = arith.constant 0 : i32
      %dma_start3A_1231 = arith.constant 0 : i32
      %dma_start3A_1232 = tpu.memref_slice %arg2[%dma_start3A_1230, %dma_start3A_1231] : memref<8192x64xf32, #tpu.memory_space<hbm>> -> memref<8192x64xf32, #tpu.memory_space<hbm>>
      tpu.enqueue_indirect_dma source(%dma_start3A_1232 : memref<8192x64xf32, #tpu.memory_space<hbm>>) target(%dma_start3A_1226 : memref<128x64xf32, #tpu.memory_space<vmem>>) offsets(%dma_start3A_1229 : memref<128xi32, #tpu.memory_space<vmem>>) semaphore(%arg16 : memref<!tpu.dma_semaphore, #tpu.memory_space<semaphore_mem>>)
      %dma_start3A_1233 = arith.constant 3 : i32
      %dma_start3A_1234 = arith.constant 3 : i32
      %dma_start3A_1235 = arith.constant 128 : i32
      %dma_start3A_1236 = arith.constant 0 : i32
      %dma_start3A_1237 = tpu.memref_slice %arg8[%dma_start3A_1234, %dma_start3A_1235, %dma_start3A_1236] : memref<4x256x64xf32, #tpu.memory_space<vmem>> -> memref<1x128x64xf32, #tpu.memory_space<vmem>>
      %dma_start3A_1238 = tpu.memref_squeeze %dma_start3A_1237 : memref<1x128x64xf32, #tpu.memory_space<vmem>> -> memref<128x64xf32, #tpu.memory_space<vmem>>
      %dma_start3A_1239 = arith.constant 128 : i32
      %dma_start3A_1240 = tpu.memref_slice %arg7[%dma_start3A_1233, %dma_start3A_1239] : memref<4x256xi32, #tpu.memory_space<vmem>> -> memref<1x128xi32, #tpu.memory_space<vmem>>
      %dma_start3A_1241 = tpu.memref_squeeze %dma_start3A_1240 : memref<1x128xi32, #tpu.memory_space<vmem>> -> memref<128xi32, #tpu.memory_space<vmem>>
      %dma_start3A_1242 = arith.constant 0 : i32
      %dma_start3A_1243 = arith.constant 0 : i32
      %dma_start3A_1244 = tpu.memref_slice %arg2[%dma_start3A_1242, %dma_start3A_1243] : memref<8192x64xf32, #tpu.memory_space<hbm>> -> memref<8192x64xf32, #tpu.memory_space<hbm>>
      tpu.enqueue_indirect_dma source(%dma_start3A_1244 : memref<8192x64xf32, #tpu.memory_space<hbm>>) target(%dma_start3A_1238 : memref<128x64xf32, #tpu.memory_space<vmem>>) offsets(%dma_start3A_1241 : memref<128xi32, #tpu.memory_space<vmem>>) semaphore(%arg16 : memref<!tpu.dma_semaphore, #tpu.memory_space<semaphore_mem>>)
    }
    %scan3A_189 = arith.constant 63 : i32
    %dma_wait3A_190 = arith.constant 0 : i32
    %dma_wait3A_191 = arith.constant 0 : i32
    %dma_wait3A_192 = arith.constant 0 : i32
    %dma_wait3A_193 = tpu.memref_slice %arg8[%dma_wait3A_190, %dma_wait3A_191, %dma_wait3A_192] : memref<4x256x64xf32, #tpu.memory_space<vmem>> -> memref<1x256x64xf32, #tpu.memory_space<vmem>>
    %dma_wait3A_194 = tpu.memref_squeeze %dma_wait3A_193 : memref<1x256x64xf32, #tpu.memory_space<vmem>> -> memref<256x64xf32, #tpu.memory_space<vmem>>
    %dma_wait3A_195 = arith.constant 0 : i32
    %dma_wait3A_196 = arith.constant 0 : i32
    %dma_wait3A_197 = tpu.memref_slice %arg5[%dma_wait3A_195, %dma_wait3A_196] : memref<2097152x64xf32, #tpu.memory_space<hbm>> -> memref<256x64xf32, #tpu.memory_space<hbm>>
    %dma_wait3A_198 = arith.constant 0 : i32
    %dma_wait3A_199 = arith.constant 0 : i32
    %dma_wait3A_200 = tpu.memref_slice %arg8[%dma_wait3A_190, %dma_wait3A_198, %dma_wait3A_199] : memref<4x256x64xf32, #tpu.memory_space<vmem>> -> memref<1x256x64xf32, #tpu.memory_space<vmem>>
    %dma_wait3A_201 = tpu.memref_squeeze %dma_wait3A_200 : memref<1x256x64xf32, #tpu.memory_space<vmem>> -> memref<256x64xf32, #tpu.memory_space<vmem>>
    %dma_wait3A_202 = arith.constant 0 : i32
    %dma_wait3A_203 = arith.constant 0 : i32
    %dma_wait3A_204 = tpu.memref_slice %arg5[%dma_wait3A_202, %dma_wait3A_203] : memref<2097152x64xf32, #tpu.memory_space<hbm>> -> memref<256x64xf32, #tpu.memory_space<hbm>>
    tpu.wait_dma2 semaphore(%arg13 : memref<!tpu.dma_semaphore, #tpu.memory_space<semaphore_mem>>) src(%dma_wait3A_204 : memref<256x64xf32, #tpu.memory_space<hbm>>) dst(%dma_wait3A_201 : memref<256x64xf32, #tpu.memory_space<vmem>>)
    %add3A_205 = arith.constant 64512 : i32
    %add3A_206 = arith.addi %mul3A_2, %add3A_205 : i32
    %dma_start3A_207 = arith.constant 0 : i32
    %dma_start3A_208 = arith.constant 0 : i32
    %dma_start3A_209 = arith.constant 0 : i32
    %dma_start3A_210 = tpu.memref_slice %arg8[%dma_start3A_207, %dma_start3A_208, %dma_start3A_209] : memref<4x256x64xf32, #tpu.memory_space<vmem>> -> memref<1x256x64xf32, #tpu.memory_space<vmem>>
    %dma_start3A_211 = tpu.memref_squeeze %dma_start3A_210 : memref<1x256x64xf32, #tpu.memory_space<vmem>> -> memref<256x64xf32, #tpu.memory_space<vmem>>
    %dma_start3A_212 = arith.constant 0 : i32
    %dma_start3A_213 = tpu.memref_slice %arg5[%add3A_206, %dma_start3A_212] : memref<2097152x64xf32, #tpu.memory_space<hbm>> -> memref<256x64xf32, #tpu.memory_space<hbm>>
    %dma_start3A_214 = arith.constant 0 : i32
    %dma_start3A_215 = tpu.memref_slice %arg5[%add3A_206, %dma_start3A_214] : memref<2097152x64xf32, #tpu.memory_space<hbm>> -> memref<256x64xf32, #tpu.memory_space<hbm>>
    %dma_start3A_216 = arith.constant 0 : i32
    %dma_start3A_217 = arith.constant 0 : i32
    %dma_start3A_218 = tpu.memref_slice %arg8[%dma_start3A_207, %dma_start3A_216, %dma_start3A_217] : memref<4x256x64xf32, #tpu.memory_space<vmem>> -> memref<1x256x64xf32, #tpu.memory_space<vmem>>
    %dma_start3A_219 = tpu.memref_squeeze %dma_start3A_218 : memref<1x256x64xf32, #tpu.memory_space<vmem>> -> memref<256x64xf32, #tpu.memory_space<vmem>>
    tpu.enqueue_dma source(%dma_start3A_219 : memref<256x64xf32, #tpu.memory_space<vmem>>) target(%dma_start3A_215 : memref<256x64xf32, #tpu.memory_space<hbm>>) target_semaphore(%arg17 : memref<!tpu.dma_semaphore, #tpu.memory_space<semaphore_mem>>)
    %dma_wait3A_220 = arith.constant 1 : i32
    %dma_wait3A_221 = arith.constant 0 : i32
    %dma_wait3A_222 = arith.constant 0 : i32
    %dma_wait3A_223 = tpu.memref_slice %arg8[%dma_wait3A_220, %dma_wait3A_221, %dma_wait3A_222] : memref<4x256x64xf32, #tpu.memory_space<vmem>> -> memref<1x256x64xf32, #tpu.memory_space<vmem>>
    %dma_wait3A_224 = tpu.memref_squeeze %dma_wait3A_223 : memref<1x256x64xf32, #tpu.memory_space<vmem>> -> memref<256x64xf32, #tpu.memory_space<vmem>>
    %dma_wait3A_225 = arith.constant 0 : i32
    %dma_wait3A_226 = arith.constant 0 : i32
    %dma_wait3A_227 = tpu.memref_slice %arg5[%dma_wait3A_225, %dma_wait3A_226] : memref<2097152x64xf32, #tpu.memory_space<hbm>> -> memref<256x64xf32, #tpu.memory_space<hbm>>
    %dma_wait3A_228 = arith.constant 0 : i32
    %dma_wait3A_229 = arith.constant 0 : i32
    %dma_wait3A_230 = tpu.memref_slice %arg8[%dma_wait3A_220, %dma_wait3A_228, %dma_wait3A_229] : memref<4x256x64xf32, #tpu.memory_space<vmem>> -> memref<1x256x64xf32, #tpu.memory_space<vmem>>
    %dma_wait3A_231 = tpu.memref_squeeze %dma_wait3A_230 : memref<1x256x64xf32, #tpu.memory_space<vmem>> -> memref<256x64xf32, #tpu.memory_space<vmem>>
    %dma_wait3A_232 = arith.constant 0 : i32
    %dma_wait3A_233 = arith.constant 0 : i32
    %dma_wait3A_234 = tpu.memref_slice %arg5[%dma_wait3A_232, %dma_wait3A_233] : memref<2097152x64xf32, #tpu.memory_space<hbm>> -> memref<256x64xf32, #tpu.memory_space<hbm>>
    tpu.wait_dma2 semaphore(%arg14 : memref<!tpu.dma_semaphore, #tpu.memory_space<semaphore_mem>>) src(%dma_wait3A_234 : memref<256x64xf32, #tpu.memory_space<hbm>>) dst(%dma_wait3A_231 : memref<256x64xf32, #tpu.memory_space<vmem>>)
    %add3A_235 = arith.constant 64768 : i32
    %add3A_236 = arith.addi %mul3A_2, %add3A_235 : i32
    %dma_start3A_237 = arith.constant 1 : i32
    %dma_start3A_238 = arith.constant 0 : i32
    %dma_start3A_239 = arith.constant 0 : i32
    %dma_start3A_240 = tpu.memref_slice %arg8[%dma_start3A_237, %dma_start3A_238, %dma_start3A_239] : memref<4x256x64xf32, #tpu.memory_space<vmem>> -> memref<1x256x64xf32, #tpu.memory_space<vmem>>
    %dma_start3A_241 = tpu.memref_squeeze %dma_start3A_240 : memref<1x256x64xf32, #tpu.memory_space<vmem>> -> memref<256x64xf32, #tpu.memory_space<vmem>>
    %dma_start3A_242 = arith.constant 0 : i32
    %dma_start3A_243 = tpu.memref_slice %arg5[%add3A_236, %dma_start3A_242] : memref<2097152x64xf32, #tpu.memory_space<hbm>> -> memref<256x64xf32, #tpu.memory_space<hbm>>
    %dma_start3A_244 = arith.constant 0 : i32
    %dma_start3A_245 = tpu.memref_slice %arg5[%add3A_236, %dma_start3A_244] : memref<2097152x64xf32, #tpu.memory_space<hbm>> -> memref<256x64xf32, #tpu.memory_space<hbm>>
    %dma_start3A_246 = arith.constant 0 : i32
    %dma_start3A_247 = arith.constant 0 : i32
    %dma_start3A_248 = tpu.memref_slice %arg8[%dma_start3A_237, %dma_start3A_246, %dma_start3A_247] : memref<4x256x64xf32, #tpu.memory_space<vmem>> -> memref<1x256x64xf32, #tpu.memory_space<vmem>>
    %dma_start3A_249 = tpu.memref_squeeze %dma_start3A_248 : memref<1x256x64xf32, #tpu.memory_space<vmem>> -> memref<256x64xf32, #tpu.memory_space<vmem>>
    tpu.enqueue_dma source(%dma_start3A_249 : memref<256x64xf32, #tpu.memory_space<vmem>>) target(%dma_start3A_245 : memref<256x64xf32, #tpu.memory_space<hbm>>) target_semaphore(%arg18 : memref<!tpu.dma_semaphore, #tpu.memory_space<semaphore_mem>>)
    %dma_wait3A_250 = arith.constant 2 : i32
    %dma_wait3A_251 = arith.constant 0 : i32
    %dma_wait3A_252 = arith.constant 0 : i32
    %dma_wait3A_253 = tpu.memref_slice %arg8[%dma_wait3A_250, %dma_wait3A_251, %dma_wait3A_252] : memref<4x256x64xf32, #tpu.memory_space<vmem>> -> memref<1x256x64xf32, #tpu.memory_space<vmem>>
    %dma_wait3A_254 = tpu.memref_squeeze %dma_wait3A_253 : memref<1x256x64xf32, #tpu.memory_space<vmem>> -> memref<256x64xf32, #tpu.memory_space<vmem>>
    %dma_wait3A_255 = arith.constant 0 : i32
    %dma_wait3A_256 = arith.constant 0 : i32
    %dma_wait3A_257 = tpu.memref_slice %arg5[%dma_wait3A_255, %dma_wait3A_256] : memref<2097152x64xf32, #tpu.memory_space<hbm>> -> memref<256x64xf32, #tpu.memory_space<hbm>>
    %dma_wait3A_258 = arith.constant 0 : i32
    %dma_wait3A_259 = arith.constant 0 : i32
    %dma_wait3A_260 = tpu.memref_slice %arg8[%dma_wait3A_250, %dma_wait3A_258, %dma_wait3A_259] : memref<4x256x64xf32, #tpu.memory_space<vmem>> -> memref<1x256x64xf32, #tpu.memory_space<vmem>>
    %dma_wait3A_261 = tpu.memref_squeeze %dma_wait3A_260 : memref<1x256x64xf32, #tpu.memory_space<vmem>> -> memref<256x64xf32, #tpu.memory_space<vmem>>
    %dma_wait3A_262 = arith.constant 0 : i32
    %dma_wait3A_263 = arith.constant 0 : i32
    %dma_wait3A_264 = tpu.memref_slice %arg5[%dma_wait3A_262, %dma_wait3A_263] : memref<2097152x64xf32, #tpu.memory_space<hbm>> -> memref<256x64xf32, #tpu.memory_space<hbm>>
    tpu.wait_dma2 semaphore(%arg15 : memref<!tpu.dma_semaphore, #tpu.memory_space<semaphore_mem>>) src(%dma_wait3A_264 : memref<256x64xf32, #tpu.memory_space<hbm>>) dst(%dma_wait3A_261 : memref<256x64xf32, #tpu.memory_space<vmem>>)
    %add3A_265 = arith.constant 65024 : i32
    %add3A_266 = arith.addi %mul3A_2, %add3A_265 : i32
    %dma_start3A_267 = arith.constant 2 : i32
    %dma_start3A_268 = arith.constant 0 : i32
    %dma_start3A_269 = arith.constant 0 : i32
    %dma_start3A_270 = tpu.memref_slice %arg8[%dma_start3A_267, %dma_start3A_268, %dma_start3A_269] : memref<4x256x64xf32, #tpu.memory_space<vmem>> -> memref<1x256x64xf32, #tpu.memory_space<vmem>>
    %dma_start3A_271 = tpu.memref_squeeze %dma_start3A_270 : memref<1x256x64xf32, #tpu.memory_space<vmem>> -> memref<256x64xf32, #tpu.memory_space<vmem>>
    %dma_start3A_272 = arith.constant 0 : i32
    %dma_start3A_273 = tpu.memref_slice %arg5[%add3A_266, %dma_start3A_272] : memref<2097152x64xf32, #tpu.memory_space<hbm>> -> memref<256x64xf32, #tpu.memory_space<hbm>>
    %dma_start3A_274 = arith.constant 0 : i32
    %dma_start3A_275 = tpu.memref_slice %arg5[%add3A_266, %dma_start3A_274] : memref<2097152x64xf32, #tpu.memory_space<hbm>> -> memref<256x64xf32, #tpu.memory_space<hbm>>
    %dma_start3A_276 = arith.constant 0 : i32
    %dma_start3A_277 = arith.constant 0 : i32
    %dma_start3A_278 = tpu.memref_slice %arg8[%dma_start3A_267, %dma_start3A_276, %dma_start3A_277] : memref<4x256x64xf32, #tpu.memory_space<vmem>> -> memref<1x256x64xf32, #tpu.memory_space<vmem>>
    %dma_start3A_279 = tpu.memref_squeeze %dma_start3A_278 : memref<1x256x64xf32, #tpu.memory_space<vmem>> -> memref<256x64xf32, #tpu.memory_space<vmem>>
    tpu.enqueue_dma source(%dma_start3A_279 : memref<256x64xf32, #tpu.memory_space<vmem>>) target(%dma_start3A_275 : memref<256x64xf32, #tpu.memory_space<hbm>>) target_semaphore(%arg19 : memref<!tpu.dma_semaphore, #tpu.memory_space<semaphore_mem>>)
    %dma_wait3A_280 = arith.constant 3 : i32
    %dma_wait3A_281 = arith.constant 0 : i32
    %dma_wait3A_282 = arith.constant 0 : i32
    %dma_wait3A_283 = tpu.memref_slice %arg8[%dma_wait3A_280, %dma_wait3A_281, %dma_wait3A_282] : memref<4x256x64xf32, #tpu.memory_space<vmem>> -> memref<1x256x64xf32, #tpu.memory_space<vmem>>
    %dma_wait3A_284 = tpu.memref_squeeze %dma_wait3A_283 : memref<1x256x64xf32, #tpu.memory_space<vmem>> -> memref<256x64xf32, #tpu.memory_space<vmem>>
    %dma_wait3A_285 = arith.constant 0 : i32
    %dma_wait3A_286 = arith.constant 0 : i32
    %dma_wait3A_287 = tpu.memref_slice %arg5[%dma_wait3A_285, %dma_wait3A_286] : memref<2097152x64xf32, #tpu.memory_space<hbm>> -> memref<256x64xf32, #tpu.memory_space<hbm>>
    %dma_wait3A_288 = arith.constant 0 : i32
    %dma_wait3A_289 = arith.constant 0 : i32
    %dma_wait3A_290 = tpu.memref_slice %arg8[%dma_wait3A_280, %dma_wait3A_288, %dma_wait3A_289] : memref<4x256x64xf32, #tpu.memory_space<vmem>> -> memref<1x256x64xf32, #tpu.memory_space<vmem>>
    %dma_wait3A_291 = tpu.memref_squeeze %dma_wait3A_290 : memref<1x256x64xf32, #tpu.memory_space<vmem>> -> memref<256x64xf32, #tpu.memory_space<vmem>>
    %dma_wait3A_292 = arith.constant 0 : i32
    %dma_wait3A_293 = arith.constant 0 : i32
    %dma_wait3A_294 = tpu.memref_slice %arg5[%dma_wait3A_292, %dma_wait3A_293] : memref<2097152x64xf32, #tpu.memory_space<hbm>> -> memref<256x64xf32, #tpu.memory_space<hbm>>
    tpu.wait_dma2 semaphore(%arg16 : memref<!tpu.dma_semaphore, #tpu.memory_space<semaphore_mem>>) src(%dma_wait3A_294 : memref<256x64xf32, #tpu.memory_space<hbm>>) dst(%dma_wait3A_291 : memref<256x64xf32, #tpu.memory_space<vmem>>)
    %add3A_295 = arith.constant 65280 : i32
    %add3A_296 = arith.addi %mul3A_2, %add3A_295 : i32
    %dma_start3A_297 = arith.constant 3 : i32
    %dma_start3A_298 = arith.constant 0 : i32
    %dma_start3A_299 = arith.constant 0 : i32
    %dma_start3A_300 = tpu.memref_slice %arg8[%dma_start3A_297, %dma_start3A_298, %dma_start3A_299] : memref<4x256x64xf32, #tpu.memory_space<vmem>> -> memref<1x256x64xf32, #tpu.memory_space<vmem>>
    %dma_start3A_301 = tpu.memref_squeeze %dma_start3A_300 : memref<1x256x64xf32, #tpu.memory_space<vmem>> -> memref<256x64xf32, #tpu.memory_space<vmem>>
    %dma_start3A_302 = arith.constant 0 : i32
    %dma_start3A_303 = tpu.memref_slice %arg5[%add3A_296, %dma_start3A_302] : memref<2097152x64xf32, #tpu.memory_space<hbm>> -> memref<256x64xf32, #tpu.memory_space<hbm>>
    %dma_start3A_304 = arith.constant 0 : i32
    %dma_start3A_305 = tpu.memref_slice %arg5[%add3A_296, %dma_start3A_304] : memref<2097152x64xf32, #tpu.memory_space<hbm>> -> memref<256x64xf32, #tpu.memory_space<hbm>>
    %dma_start3A_306 = arith.constant 0 : i32
    %dma_start3A_307 = arith.constant 0 : i32
    %dma_start3A_308 = tpu.memref_slice %arg8[%dma_start3A_297, %dma_start3A_306, %dma_start3A_307] : memref<4x256x64xf32, #tpu.memory_space<vmem>> -> memref<1x256x64xf32, #tpu.memory_space<vmem>>
    %dma_start3A_309 = tpu.memref_squeeze %dma_start3A_308 : memref<1x256x64xf32, #tpu.memory_space<vmem>> -> memref<256x64xf32, #tpu.memory_space<vmem>>
    tpu.enqueue_dma source(%dma_start3A_309 : memref<256x64xf32, #tpu.memory_space<vmem>>) target(%dma_start3A_305 : memref<256x64xf32, #tpu.memory_space<hbm>>) target_semaphore(%arg20 : memref<!tpu.dma_semaphore, #tpu.memory_space<semaphore_mem>>)
    %dma_wait3A_310 = arith.constant 0 : i32
    %dma_wait3A_311 = arith.constant 0 : i32
    %dma_wait3A_312 = arith.constant 0 : i32
    %dma_wait3A_313 = tpu.memref_slice %arg8[%dma_wait3A_310, %dma_wait3A_311, %dma_wait3A_312] : memref<4x256x64xf32, #tpu.memory_space<vmem>> -> memref<1x256x64xf32, #tpu.memory_space<vmem>>
    %dma_wait3A_314 = tpu.memref_squeeze %dma_wait3A_313 : memref<1x256x64xf32, #tpu.memory_space<vmem>> -> memref<256x64xf32, #tpu.memory_space<vmem>>
    %dma_wait3A_315 = arith.constant 0 : i32
    %dma_wait3A_316 = arith.constant 0 : i32
    %dma_wait3A_317 = tpu.memref_slice %arg5[%dma_wait3A_315, %dma_wait3A_316] : memref<2097152x64xf32, #tpu.memory_space<hbm>> -> memref<256x64xf32, #tpu.memory_space<hbm>>
    %dma_wait3A_318 = arith.constant 0 : i32
    %dma_wait3A_319 = arith.constant 0 : i32
    %dma_wait3A_320 = tpu.memref_slice %arg5[%dma_wait3A_318, %dma_wait3A_319] : memref<2097152x64xf32, #tpu.memory_space<hbm>> -> memref<256x64xf32, #tpu.memory_space<hbm>>
    %dma_wait3A_321 = arith.constant 0 : i32
    %dma_wait3A_322 = arith.constant 0 : i32
    %dma_wait3A_323 = tpu.memref_slice %arg8[%dma_wait3A_310, %dma_wait3A_321, %dma_wait3A_322] : memref<4x256x64xf32, #tpu.memory_space<vmem>> -> memref<1x256x64xf32, #tpu.memory_space<vmem>>
    %dma_wait3A_324 = tpu.memref_squeeze %dma_wait3A_323 : memref<1x256x64xf32, #tpu.memory_space<vmem>> -> memref<256x64xf32, #tpu.memory_space<vmem>>
    tpu.wait_dma2 semaphore(%arg17 : memref<!tpu.dma_semaphore, #tpu.memory_space<semaphore_mem>>) src(%dma_wait3A_324 : memref<256x64xf32, #tpu.memory_space<vmem>>) dst(%dma_wait3A_320 : memref<256x64xf32, #tpu.memory_space<hbm>>)
    %dma_wait3A_325 = arith.constant 1 : i32
    %dma_wait3A_326 = arith.constant 0 : i32
    %dma_wait3A_327 = arith.constant 0 : i32
    %dma_wait3A_328 = tpu.memref_slice %arg8[%dma_wait3A_325, %dma_wait3A_326, %dma_wait3A_327] : memref<4x256x64xf32, #tpu.memory_space<vmem>> -> memref<1x256x64xf32, #tpu.memory_space<vmem>>
    %dma_wait3A_329 = tpu.memref_squeeze %dma_wait3A_328 : memref<1x256x64xf32, #tpu.memory_space<vmem>> -> memref<256x64xf32, #tpu.memory_space<vmem>>
    %dma_wait3A_330 = arith.constant 0 : i32
    %dma_wait3A_331 = arith.constant 0 : i32
    %dma_wait3A_332 = tpu.memref_slice %arg5[%dma_wait3A_330, %dma_wait3A_331] : memref<2097152x64xf32, #tpu.memory_space<hbm>> -> memref<256x64xf32, #tpu.memory_space<hbm>>
    %dma_wait3A_333 = arith.constant 0 : i32
    %dma_wait3A_334 = arith.constant 0 : i32
    %dma_wait3A_335 = tpu.memref_slice %arg5[%dma_wait3A_333, %dma_wait3A_334] : memref<2097152x64xf32, #tpu.memory_space<hbm>> -> memref<256x64xf32, #tpu.memory_space<hbm>>
    %dma_wait3A_336 = arith.constant 0 : i32
    %dma_wait3A_337 = arith.constant 0 : i32
    %dma_wait3A_338 = tpu.memref_slice %arg8[%dma_wait3A_325, %dma_wait3A_336, %dma_wait3A_337] : memref<4x256x64xf32, #tpu.memory_space<vmem>> -> memref<1x256x64xf32, #tpu.memory_space<vmem>>
    %dma_wait3A_339 = tpu.memref_squeeze %dma_wait3A_338 : memref<1x256x64xf32, #tpu.memory_space<vmem>> -> memref<256x64xf32, #tpu.memory_space<vmem>>
    tpu.wait_dma2 semaphore(%arg18 : memref<!tpu.dma_semaphore, #tpu.memory_space<semaphore_mem>>) src(%dma_wait3A_339 : memref<256x64xf32, #tpu.memory_space<vmem>>) dst(%dma_wait3A_335 : memref<256x64xf32, #tpu.memory_space<hbm>>)
    %dma_wait3A_340 = arith.constant 2 : i32
    %dma_wait3A_341 = arith.constant 0 : i32
    %dma_wait3A_342 = arith.constant 0 : i32
    %dma_wait3A_343 = tpu.memref_slice %arg8[%dma_wait3A_340, %dma_wait3A_341, %dma_wait3A_342] : memref<4x256x64xf32, #tpu.memory_space<vmem>> -> memref<1x256x64xf32, #tpu.memory_space<vmem>>
    %dma_wait3A_344 = tpu.memref_squeeze %dma_wait3A_343 : memref<1x256x64xf32, #tpu.memory_space<vmem>> -> memref<256x64xf32, #tpu.memory_space<vmem>>
    %dma_wait3A_345 = arith.constant 0 : i32
    %dma_wait3A_346 = arith.constant 0 : i32
    %dma_wait3A_347 = tpu.memref_slice %arg5[%dma_wait3A_345, %dma_wait3A_346] : memref<2097152x64xf32, #tpu.memory_space<hbm>> -> memref<256x64xf32, #tpu.memory_space<hbm>>
    %dma_wait3A_348 = arith.constant 0 : i32
    %dma_wait3A_349 = arith.constant 0 : i32
    %dma_wait3A_350 = tpu.memref_slice %arg5[%dma_wait3A_348, %dma_wait3A_349] : memref<2097152x64xf32, #tpu.memory_space<hbm>> -> memref<256x64xf32, #tpu.memory_space<hbm>>
    %dma_wait3A_351 = arith.constant 0 : i32
    %dma_wait3A_352 = arith.constant 0 : i32
    %dma_wait3A_353 = tpu.memref_slice %arg8[%dma_wait3A_340, %dma_wait3A_351, %dma_wait3A_352] : memref<4x256x64xf32, #tpu.memory_space<vmem>> -> memref<1x256x64xf32, #tpu.memory_space<vmem>>
    %dma_wait3A_354 = tpu.memref_squeeze %dma_wait3A_353 : memref<1x256x64xf32, #tpu.memory_space<vmem>> -> memref<256x64xf32, #tpu.memory_space<vmem>>
    tpu.wait_dma2 semaphore(%arg19 : memref<!tpu.dma_semaphore, #tpu.memory_space<semaphore_mem>>) src(%dma_wait3A_354 : memref<256x64xf32, #tpu.memory_space<vmem>>) dst(%dma_wait3A_350 : memref<256x64xf32, #tpu.memory_space<hbm>>)
    %dma_wait3A_355 = arith.constant 3 : i32
    %dma_wait3A_356 = arith.constant 0 : i32
    %dma_wait3A_357 = arith.constant 0 : i32
    %dma_wait3A_358 = tpu.memref_slice %arg8[%dma_wait3A_355, %dma_wait3A_356, %dma_wait3A_357] : memref<4x256x64xf32, #tpu.memory_space<vmem>> -> memref<1x256x64xf32, #tpu.memory_space<vmem>>
    %dma_wait3A_359 = tpu.memref_squeeze %dma_wait3A_358 : memref<1x256x64xf32, #tpu.memory_space<vmem>> -> memref<256x64xf32, #tpu.memory_space<vmem>>
    %dma_wait3A_360 = arith.constant 0 : i32
    %dma_wait3A_361 = arith.constant 0 : i32
    %dma_wait3A_362 = tpu.memref_slice %arg5[%dma_wait3A_360, %dma_wait3A_361] : memref<2097152x64xf32, #tpu.memory_space<hbm>> -> memref<256x64xf32, #tpu.memory_space<hbm>>
    %dma_wait3A_363 = arith.constant 0 : i32
    %dma_wait3A_364 = arith.constant 0 : i32
    %dma_wait3A_365 = tpu.memref_slice %arg5[%dma_wait3A_363, %dma_wait3A_364] : memref<2097152x64xf32, #tpu.memory_space<hbm>> -> memref<256x64xf32, #tpu.memory_space<hbm>>
    %dma_wait3A_366 = arith.constant 0 : i32
    %dma_wait3A_367 = arith.constant 0 : i32
    %dma_wait3A_368 = tpu.memref_slice %arg8[%dma_wait3A_355, %dma_wait3A_366, %dma_wait3A_367] : memref<4x256x64xf32, #tpu.memory_space<vmem>> -> memref<1x256x64xf32, #tpu.memory_space<vmem>>
    %dma_wait3A_369 = tpu.memref_squeeze %dma_wait3A_368 : memref<1x256x64xf32, #tpu.memory_space<vmem>> -> memref<256x64xf32, #tpu.memory_space<vmem>>
    tpu.wait_dma2 semaphore(%arg20 : memref<!tpu.dma_semaphore, #tpu.memory_space<semaphore_mem>>) src(%dma_wait3A_369 : memref<256x64xf32, #tpu.memory_space<vmem>>) dst(%dma_wait3A_365 : memref<256x64xf32, #tpu.memory_space<hbm>>)
    %mul3A_370 = arith.constant 6400 : i32
    %mul3A_371 = arith.muli %add3A, %mul3A_370 : i32
    %add3A_372 = arith.constant 0 : i32
    %add3A_373 = arith.addi %mul3A_371, %add3A_372 : i32
    %dma_start3A_374 = arith.constant 0 : i32
    %dma_start3A_375 = arith.constant 0 : i32
    %dma_start3A_376 = tpu.memref_slice %arg7[%dma_start3A_374, %dma_start3A_375] : memref<4x256xi32, #tpu.memory_space<vmem>> -> memref<1x256xi32, #tpu.memory_space<vmem>>
    %dma_start3A_377 = tpu.memref_squeeze %dma_start3A_376 : memref<1x256xi32, #tpu.memory_space<vmem>> -> memref<256xi32, #tpu.memory_space<vmem>>
    %dma_start3A_378 = tpu.memref_slice %arg4[%add3A_373] : memref<204800xi32, #tpu.memory_space<hbm>> -> memref<256xi32, #tpu.memory_space<hbm>>
    %dma_start3A_379 = arith.constant 0 : i32
    %dma_start3A_380 = tpu.memref_slice %arg7[%dma_start3A_374, %dma_start3A_379] : memref<4x256xi32, #tpu.memory_space<vmem>> -> memref<1x256xi32, #tpu.memory_space<vmem>>
    %dma_start3A_381 = tpu.memref_squeeze %dma_start3A_380 : memref<1x256xi32, #tpu.memory_space<vmem>> -> memref<256xi32, #tpu.memory_space<vmem>>
    %dma_start3A_382 = tpu.memref_slice %arg4[%add3A_373] : memref<204800xi32, #tpu.memory_space<hbm>> -> memref<256xi32, #tpu.memory_space<hbm>>
    tpu.enqueue_dma source(%dma_start3A_382 : memref<256xi32, #tpu.memory_space<hbm>>) target(%dma_start3A_381 : memref<256xi32, #tpu.memory_space<vmem>>) target_semaphore(%arg9 : memref<!tpu.dma_semaphore, #tpu.memory_space<semaphore_mem>>)
    %add3A_383 = arith.constant 256 : i32
    %add3A_384 = arith.addi %mul3A_371, %add3A_383 : i32
    %dma_start3A_385 = arith.constant 1 : i32
    %dma_start3A_386 = arith.constant 0 : i32
    %dma_start3A_387 = tpu.memref_slice %arg7[%dma_start3A_385, %dma_start3A_386] : memref<4x256xi32, #tpu.memory_space<vmem>> -> memref<1x256xi32, #tpu.memory_space<vmem>>
    %dma_start3A_388 = tpu.memref_squeeze %dma_start3A_387 : memref<1x256xi32, #tpu.memory_space<vmem>> -> memref<256xi32, #tpu.memory_space<vmem>>
    %dma_start3A_389 = tpu.memref_slice %arg4[%add3A_384] : memref<204800xi32, #tpu.memory_space<hbm>> -> memref<256xi32, #tpu.memory_space<hbm>>
    %dma_start3A_390 = arith.constant 0 : i32
    %dma_start3A_391 = tpu.memref_slice %arg7[%dma_start3A_385, %dma_start3A_390] : memref<4x256xi32, #tpu.memory_space<vmem>> -> memref<1x256xi32, #tpu.memory_space<vmem>>
    %dma_start3A_392 = tpu.memref_squeeze %dma_start3A_391 : memref<1x256xi32, #tpu.memory_space<vmem>> -> memref<256xi32, #tpu.memory_space<vmem>>
    %dma_start3A_393 = tpu.memref_slice %arg4[%add3A_384] : memref<204800xi32, #tpu.memory_space<hbm>> -> memref<256xi32, #tpu.memory_space<hbm>>
    tpu.enqueue_dma source(%dma_start3A_393 : memref<256xi32, #tpu.memory_space<hbm>>) target(%dma_start3A_392 : memref<256xi32, #tpu.memory_space<vmem>>) target_semaphore(%arg10 : memref<!tpu.dma_semaphore, #tpu.memory_space<semaphore_mem>>)
    %add3A_394 = arith.constant 512 : i32
    %add3A_395 = arith.addi %mul3A_371, %add3A_394 : i32
    %dma_start3A_396 = arith.constant 2 : i32
    %dma_start3A_397 = arith.constant 0 : i32
    %dma_start3A_398 = tpu.memref_slice %arg7[%dma_start3A_396, %dma_start3A_397] : memref<4x256xi32, #tpu.memory_space<vmem>> -> memref<1x256xi32, #tpu.memory_space<vmem>>
    %dma_start3A_399 = tpu.memref_squeeze %dma_start3A_398 : memref<1x256xi32, #tpu.memory_space<vmem>> -> memref<256xi32, #tpu.memory_space<vmem>>
    %dma_start3A_400 = tpu.memref_slice %arg4[%add3A_395] : memref<204800xi32, #tpu.memory_space<hbm>> -> memref<256xi32, #tpu.memory_space<hbm>>
    %dma_start3A_401 = arith.constant 0 : i32
    %dma_start3A_402 = tpu.memref_slice %arg7[%dma_start3A_396, %dma_start3A_401] : memref<4x256xi32, #tpu.memory_space<vmem>> -> memref<1x256xi32, #tpu.memory_space<vmem>>
    %dma_start3A_403 = tpu.memref_squeeze %dma_start3A_402 : memref<1x256xi32, #tpu.memory_space<vmem>> -> memref<256xi32, #tpu.memory_space<vmem>>
    %dma_start3A_404 = tpu.memref_slice %arg4[%add3A_395] : memref<204800xi32, #tpu.memory_space<hbm>> -> memref<256xi32, #tpu.memory_space<hbm>>
    tpu.enqueue_dma source(%dma_start3A_404 : memref<256xi32, #tpu.memory_space<hbm>>) target(%dma_start3A_403 : memref<256xi32, #tpu.memory_space<vmem>>) target_semaphore(%arg11 : memref<!tpu.dma_semaphore, #tpu.memory_space<semaphore_mem>>)
    %add3A_405 = arith.constant 768 : i32
    %add3A_406 = arith.addi %mul3A_371, %add3A_405 : i32
    %dma_start3A_407 = arith.constant 3 : i32
    %dma_start3A_408 = arith.constant 0 : i32
    %dma_start3A_409 = tpu.memref_slice %arg7[%dma_start3A_407, %dma_start3A_408] : memref<4x256xi32, #tpu.memory_space<vmem>> -> memref<1x256xi32, #tpu.memory_space<vmem>>
    %dma_start3A_410 = tpu.memref_squeeze %dma_start3A_409 : memref<1x256xi32, #tpu.memory_space<vmem>> -> memref<256xi32, #tpu.memory_space<vmem>>
    %dma_start3A_411 = tpu.memref_slice %arg4[%add3A_406] : memref<204800xi32, #tpu.memory_space<hbm>> -> memref<256xi32, #tpu.memory_space<hbm>>
    %dma_start3A_412 = arith.constant 0 : i32
    %dma_start3A_413 = tpu.memref_slice %arg7[%dma_start3A_407, %dma_start3A_412] : memref<4x256xi32, #tpu.memory_space<vmem>> -> memref<1x256xi32, #tpu.memory_space<vmem>>
    %dma_start3A_414 = tpu.memref_squeeze %dma_start3A_413 : memref<1x256xi32, #tpu.memory_space<vmem>> -> memref<256xi32, #tpu.memory_space<vmem>>
    %dma_start3A_415 = tpu.memref_slice %arg4[%add3A_406] : memref<204800xi32, #tpu.memory_space<hbm>> -> memref<256xi32, #tpu.memory_space<hbm>>
    tpu.enqueue_dma source(%dma_start3A_415 : memref<256xi32, #tpu.memory_space<hbm>>) target(%dma_start3A_414 : memref<256xi32, #tpu.memory_space<vmem>>) target_semaphore(%arg12 : memref<!tpu.dma_semaphore, #tpu.memory_space<semaphore_mem>>)
    %dma_wait3A_416 = arith.constant 0 : i32
    %dma_wait3A_417 = arith.constant 0 : i32
    %dma_wait3A_418 = tpu.memref_slice %arg7[%dma_wait3A_416, %dma_wait3A_417] : memref<4x256xi32, #tpu.memory_space<vmem>> -> memref<1x256xi32, #tpu.memory_space<vmem>>
    %dma_wait3A_419 = tpu.memref_squeeze %dma_wait3A_418 : memref<1x256xi32, #tpu.memory_space<vmem>> -> memref<256xi32, #tpu.memory_space<vmem>>
    %dma_wait3A_420 = arith.constant 0 : i32
    %dma_wait3A_421 = tpu.memref_slice %arg4[%dma_wait3A_420] : memref<204800xi32, #tpu.memory_space<hbm>> -> memref<256xi32, #tpu.memory_space<hbm>>
    %dma_wait3A_422 = arith.constant 0 : i32
    %dma_wait3A_423 = tpu.memref_slice %arg7[%dma_wait3A_416, %dma_wait3A_422] : memref<4x256xi32, #tpu.memory_space<vmem>> -> memref<1x256xi32, #tpu.memory_space<vmem>>
    %dma_wait3A_424 = tpu.memref_squeeze %dma_wait3A_423 : memref<1x256xi32, #tpu.memory_space<vmem>> -> memref<256xi32, #tpu.memory_space<vmem>>
    %dma_wait3A_425 = arith.constant 0 : i32
    %dma_wait3A_426 = tpu.memref_slice %arg4[%dma_wait3A_425] : memref<204800xi32, #tpu.memory_space<hbm>> -> memref<256xi32, #tpu.memory_space<hbm>>
    tpu.wait_dma2 semaphore(%arg9 : memref<!tpu.dma_semaphore, #tpu.memory_space<semaphore_mem>>) src(%dma_wait3A_426 : memref<256xi32, #tpu.memory_space<hbm>>) dst(%dma_wait3A_424 : memref<256xi32, #tpu.memory_space<vmem>>)
    %dma_start3A_427 = arith.constant 0 : i32
    %dma_start3A_428 = arith.constant 0 : i32
    %dma_start3A_429 = arith.constant 0 : i32
    %dma_start3A_430 = arith.constant 0 : i32
    %dma_start3A_431 = tpu.memref_slice %arg8[%dma_start3A_428, %dma_start3A_429, %dma_start3A_430] : memref<4x256x64xf32, #tpu.memory_space<vmem>> -> memref<1x128x64xf32, #tpu.memory_space<vmem>>
    %dma_start3A_432 = tpu.memref_squeeze %dma_start3A_431 : memref<1x128x64xf32, #tpu.memory_space<vmem>> -> memref<128x64xf32, #tpu.memory_space<vmem>>
    %dma_start3A_433 = arith.constant 0 : i32
    %dma_start3A_434 = tpu.memref_slice %arg7[%dma_start3A_427, %dma_start3A_433] : memref<4x256xi32, #tpu.memory_space<vmem>> -> memref<1x128xi32, #tpu.memory_space<vmem>>
    %dma_start3A_435 = tpu.memref_squeeze %dma_start3A_434 : memref<1x128xi32, #tpu.memory_space<vmem>> -> memref<128xi32, #tpu.memory_space<vmem>>
    %dma_start3A_436 = arith.constant 0 : i32
    %dma_start3A_437 = arith.constant 0 : i32
    %dma_start3A_438 = tpu.memref_slice %arg2[%dma_start3A_436, %dma_start3A_437] : memref<8192x64xf32, #tpu.memory_space<hbm>> -> memref<8192x64xf32, #tpu.memory_space<hbm>>
    tpu.enqueue_indirect_dma source(%dma_start3A_438 : memref<8192x64xf32, #tpu.memory_space<hbm>>) target(%dma_start3A_432 : memref<128x64xf32, #tpu.memory_space<vmem>>) offsets(%dma_start3A_435 : memref<128xi32, #tpu.memory_space<vmem>>) semaphore(%arg13 : memref<!tpu.dma_semaphore, #tpu.memory_space<semaphore_mem>>)
    %dma_start3A_439 = arith.constant 0 : i32
    %dma_start3A_440 = arith.constant 0 : i32
    %dma_start3A_441 = arith.constant 128 : i32
    %dma_start3A_442 = arith.constant 0 : i32
    %dma_start3A_443 = tpu.memref_slice %arg8[%dma_start3A_440, %dma_start3A_441, %dma_start3A_442] : memref<4x256x64xf32, #tpu.memory_space<vmem>> -> memref<1x128x64xf32, #tpu.memory_space<vmem>>
    %dma_start3A_444 = tpu.memref_squeeze %dma_start3A_443 : memref<1x128x64xf32, #tpu.memory_space<vmem>> -> memref<128x64xf32, #tpu.memory_space<vmem>>
    %dma_start3A_445 = arith.constant 128 : i32
    %dma_start3A_446 = tpu.memref_slice %arg7[%dma_start3A_439, %dma_start3A_445] : memref<4x256xi32, #tpu.memory_space<vmem>> -> memref<1x128xi32, #tpu.memory_space<vmem>>
    %dma_start3A_447 = tpu.memref_squeeze %dma_start3A_446 : memref<1x128xi32, #tpu.memory_space<vmem>> -> memref<128xi32, #tpu.memory_space<vmem>>
    %dma_start3A_448 = arith.constant 0 : i32
    %dma_start3A_449 = arith.constant 0 : i32
    %dma_start3A_450 = tpu.memref_slice %arg2[%dma_start3A_448, %dma_start3A_449] : memref<8192x64xf32, #tpu.memory_space<hbm>> -> memref<8192x64xf32, #tpu.memory_space<hbm>>
    tpu.enqueue_indirect_dma source(%dma_start3A_450 : memref<8192x64xf32, #tpu.memory_space<hbm>>) target(%dma_start3A_444 : memref<128x64xf32, #tpu.memory_space<vmem>>) offsets(%dma_start3A_447 : memref<128xi32, #tpu.memory_space<vmem>>) semaphore(%arg13 : memref<!tpu.dma_semaphore, #tpu.memory_space<semaphore_mem>>)
    %dma_wait3A_451 = arith.constant 1 : i32
    %dma_wait3A_452 = arith.constant 0 : i32
    %dma_wait3A_453 = tpu.memref_slice %arg7[%dma_wait3A_451, %dma_wait3A_452] : memref<4x256xi32, #tpu.memory_space<vmem>> -> memref<1x256xi32, #tpu.memory_space<vmem>>
    %dma_wait3A_454 = tpu.memref_squeeze %dma_wait3A_453 : memref<1x256xi32, #tpu.memory_space<vmem>> -> memref<256xi32, #tpu.memory_space<vmem>>
    %dma_wait3A_455 = arith.constant 0 : i32
    %dma_wait3A_456 = tpu.memref_slice %arg4[%dma_wait3A_455] : memref<204800xi32, #tpu.memory_space<hbm>> -> memref<256xi32, #tpu.memory_space<hbm>>
    %dma_wait3A_457 = arith.constant 0 : i32
    %dma_wait3A_458 = tpu.memref_slice %arg7[%dma_wait3A_451, %dma_wait3A_457] : memref<4x256xi32, #tpu.memory_space<vmem>> -> memref<1x256xi32, #tpu.memory_space<vmem>>
    %dma_wait3A_459 = tpu.memref_squeeze %dma_wait3A_458 : memref<1x256xi32, #tpu.memory_space<vmem>> -> memref<256xi32, #tpu.memory_space<vmem>>
    %dma_wait3A_460 = arith.constant 0 : i32
    %dma_wait3A_461 = tpu.memref_slice %arg4[%dma_wait3A_460] : memref<204800xi32, #tpu.memory_space<hbm>> -> memref<256xi32, #tpu.memory_space<hbm>>
    tpu.wait_dma2 semaphore(%arg10 : memref<!tpu.dma_semaphore, #tpu.memory_space<semaphore_mem>>) src(%dma_wait3A_461 : memref<256xi32, #tpu.memory_space<hbm>>) dst(%dma_wait3A_459 : memref<256xi32, #tpu.memory_space<vmem>>)
    %dma_start3A_462 = arith.constant 1 : i32
    %dma_start3A_463 = arith.constant 1 : i32
    %dma_start3A_464 = arith.constant 0 : i32
    %dma_start3A_465 = arith.constant 0 : i32
    %dma_start3A_466 = tpu.memref_slice %arg8[%dma_start3A_463, %dma_start3A_464, %dma_start3A_465] : memref<4x256x64xf32, #tpu.memory_space<vmem>> -> memref<1x128x64xf32, #tpu.memory_space<vmem>>
    %dma_start3A_467 = tpu.memref_squeeze %dma_start3A_466 : memref<1x128x64xf32, #tpu.memory_space<vmem>> -> memref<128x64xf32, #tpu.memory_space<vmem>>
    %dma_start3A_468 = arith.constant 0 : i32
    %dma_start3A_469 = tpu.memref_slice %arg7[%dma_start3A_462, %dma_start3A_468] : memref<4x256xi32, #tpu.memory_space<vmem>> -> memref<1x128xi32, #tpu.memory_space<vmem>>
    %dma_start3A_470 = tpu.memref_squeeze %dma_start3A_469 : memref<1x128xi32, #tpu.memory_space<vmem>> -> memref<128xi32, #tpu.memory_space<vmem>>
    %dma_start3A_471 = arith.constant 0 : i32
    %dma_start3A_472 = arith.constant 0 : i32
    %dma_start3A_473 = tpu.memref_slice %arg2[%dma_start3A_471, %dma_start3A_472] : memref<8192x64xf32, #tpu.memory_space<hbm>> -> memref<8192x64xf32, #tpu.memory_space<hbm>>
    tpu.enqueue_indirect_dma source(%dma_start3A_473 : memref<8192x64xf32, #tpu.memory_space<hbm>>) target(%dma_start3A_467 : memref<128x64xf32, #tpu.memory_space<vmem>>) offsets(%dma_start3A_470 : memref<128xi32, #tpu.memory_space<vmem>>) semaphore(%arg14 : memref<!tpu.dma_semaphore, #tpu.memory_space<semaphore_mem>>)
    %dma_start3A_474 = arith.constant 1 : i32
    %dma_start3A_475 = arith.constant 1 : i32
    %dma_start3A_476 = arith.constant 128 : i32
    %dma_start3A_477 = arith.constant 0 : i32
    %dma_start3A_478 = tpu.memref_slice %arg8[%dma_start3A_475, %dma_start3A_476, %dma_start3A_477] : memref<4x256x64xf32, #tpu.memory_space<vmem>> -> memref<1x128x64xf32, #tpu.memory_space<vmem>>
    %dma_start3A_479 = tpu.memref_squeeze %dma_start3A_478 : memref<1x128x64xf32, #tpu.memory_space<vmem>> -> memref<128x64xf32, #tpu.memory_space<vmem>>
    %dma_start3A_480 = arith.constant 128 : i32
    %dma_start3A_481 = tpu.memref_slice %arg7[%dma_start3A_474, %dma_start3A_480] : memref<4x256xi32, #tpu.memory_space<vmem>> -> memref<1x128xi32, #tpu.memory_space<vmem>>
    %dma_start3A_482 = tpu.memref_squeeze %dma_start3A_481 : memref<1x128xi32, #tpu.memory_space<vmem>> -> memref<128xi32, #tpu.memory_space<vmem>>
    %dma_start3A_483 = arith.constant 0 : i32
    %dma_start3A_484 = arith.constant 0 : i32
    %dma_start3A_485 = tpu.memref_slice %arg2[%dma_start3A_483, %dma_start3A_484] : memref<8192x64xf32, #tpu.memory_space<hbm>> -> memref<8192x64xf32, #tpu.memory_space<hbm>>
    tpu.enqueue_indirect_dma source(%dma_start3A_485 : memref<8192x64xf32, #tpu.memory_space<hbm>>) target(%dma_start3A_479 : memref<128x64xf32, #tpu.memory_space<vmem>>) offsets(%dma_start3A_482 : memref<128xi32, #tpu.memory_space<vmem>>) semaphore(%arg14 : memref<!tpu.dma_semaphore, #tpu.memory_space<semaphore_mem>>)
    %dma_wait3A_486 = arith.constant 2 : i32
    %dma_wait3A_487 = arith.constant 0 : i32
    %dma_wait3A_488 = tpu.memref_slice %arg7[%dma_wait3A_486, %dma_wait3A_487] : memref<4x256xi32, #tpu.memory_space<vmem>> -> memref<1x256xi32, #tpu.memory_space<vmem>>
    %dma_wait3A_489 = tpu.memref_squeeze %dma_wait3A_488 : memref<1x256xi32, #tpu.memory_space<vmem>> -> memref<256xi32, #tpu.memory_space<vmem>>
    %dma_wait3A_490 = arith.constant 0 : i32
    %dma_wait3A_491 = tpu.memref_slice %arg4[%dma_wait3A_490] : memref<204800xi32, #tpu.memory_space<hbm>> -> memref<256xi32, #tpu.memory_space<hbm>>
    %dma_wait3A_492 = arith.constant 0 : i32
    %dma_wait3A_493 = tpu.memref_slice %arg7[%dma_wait3A_486, %dma_wait3A_492] : memref<4x256xi32, #tpu.memory_space<vmem>> -> memref<1x256xi32, #tpu.memory_space<vmem>>
    %dma_wait3A_494 = tpu.memref_squeeze %dma_wait3A_493 : memref<1x256xi32, #tpu.memory_space<vmem>> -> memref<256xi32, #tpu.memory_space<vmem>>
    %dma_wait3A_495 = arith.constant 0 : i32
    %dma_wait3A_496 = tpu.memref_slice %arg4[%dma_wait3A_495] : memref<204800xi32, #tpu.memory_space<hbm>> -> memref<256xi32, #tpu.memory_space<hbm>>
    tpu.wait_dma2 semaphore(%arg11 : memref<!tpu.dma_semaphore, #tpu.memory_space<semaphore_mem>>) src(%dma_wait3A_496 : memref<256xi32, #tpu.memory_space<hbm>>) dst(%dma_wait3A_494 : memref<256xi32, #tpu.memory_space<vmem>>)
    %dma_start3A_497 = arith.constant 2 : i32
    %dma_start3A_498 = arith.constant 2 : i32
    %dma_start3A_499 = arith.constant 0 : i32
    %dma_start3A_500 = arith.constant 0 : i32
    %dma_start3A_501 = tpu.memref_slice %arg8[%dma_start3A_498, %dma_start3A_499, %dma_start3A_500] : memref<4x256x64xf32, #tpu.memory_space<vmem>> -> memref<1x128x64xf32, #tpu.memory_space<vmem>>
    %dma_start3A_502 = tpu.memref_squeeze %dma_start3A_501 : memref<1x128x64xf32, #tpu.memory_space<vmem>> -> memref<128x64xf32, #tpu.memory_space<vmem>>
    %dma_start3A_503 = arith.constant 0 : i32
    %dma_start3A_504 = tpu.memref_slice %arg7[%dma_start3A_497, %dma_start3A_503] : memref<4x256xi32, #tpu.memory_space<vmem>> -> memref<1x128xi32, #tpu.memory_space<vmem>>
    %dma_start3A_505 = tpu.memref_squeeze %dma_start3A_504 : memref<1x128xi32, #tpu.memory_space<vmem>> -> memref<128xi32, #tpu.memory_space<vmem>>
    %dma_start3A_506 = arith.constant 0 : i32
    %dma_start3A_507 = arith.constant 0 : i32
    %dma_start3A_508 = tpu.memref_slice %arg2[%dma_start3A_506, %dma_start3A_507] : memref<8192x64xf32, #tpu.memory_space<hbm>> -> memref<8192x64xf32, #tpu.memory_space<hbm>>
    tpu.enqueue_indirect_dma source(%dma_start3A_508 : memref<8192x64xf32, #tpu.memory_space<hbm>>) target(%dma_start3A_502 : memref<128x64xf32, #tpu.memory_space<vmem>>) offsets(%dma_start3A_505 : memref<128xi32, #tpu.memory_space<vmem>>) semaphore(%arg15 : memref<!tpu.dma_semaphore, #tpu.memory_space<semaphore_mem>>)
    %dma_start3A_509 = arith.constant 2 : i32
    %dma_start3A_510 = arith.constant 2 : i32
    %dma_start3A_511 = arith.constant 128 : i32
    %dma_start3A_512 = arith.constant 0 : i32
    %dma_start3A_513 = tpu.memref_slice %arg8[%dma_start3A_510, %dma_start3A_511, %dma_start3A_512] : memref<4x256x64xf32, #tpu.memory_space<vmem>> -> memref<1x128x64xf32, #tpu.memory_space<vmem>>
    %dma_start3A_514 = tpu.memref_squeeze %dma_start3A_513 : memref<1x128x64xf32, #tpu.memory_space<vmem>> -> memref<128x64xf32, #tpu.memory_space<vmem>>
    %dma_start3A_515 = arith.constant 128 : i32
    %dma_start3A_516 = tpu.memref_slice %arg7[%dma_start3A_509, %dma_start3A_515] : memref<4x256xi32, #tpu.memory_space<vmem>> -> memref<1x128xi32, #tpu.memory_space<vmem>>
    %dma_start3A_517 = tpu.memref_squeeze %dma_start3A_516 : memref<1x128xi32, #tpu.memory_space<vmem>> -> memref<128xi32, #tpu.memory_space<vmem>>
    %dma_start3A_518 = arith.constant 0 : i32
    %dma_start3A_519 = arith.constant 0 : i32
    %dma_start3A_520 = tpu.memref_slice %arg2[%dma_start3A_518, %dma_start3A_519] : memref<8192x64xf32, #tpu.memory_space<hbm>> -> memref<8192x64xf32, #tpu.memory_space<hbm>>
    tpu.enqueue_indirect_dma source(%dma_start3A_520 : memref<8192x64xf32, #tpu.memory_space<hbm>>) target(%dma_start3A_514 : memref<128x64xf32, #tpu.memory_space<vmem>>) offsets(%dma_start3A_517 : memref<128xi32, #tpu.memory_space<vmem>>) semaphore(%arg15 : memref<!tpu.dma_semaphore, #tpu.memory_space<semaphore_mem>>)
    %dma_wait3A_521 = arith.constant 3 : i32
    %dma_wait3A_522 = arith.constant 0 : i32
    %dma_wait3A_523 = tpu.memref_slice %arg7[%dma_wait3A_521, %dma_wait3A_522] : memref<4x256xi32, #tpu.memory_space<vmem>> -> memref<1x256xi32, #tpu.memory_space<vmem>>
    %dma_wait3A_524 = tpu.memref_squeeze %dma_wait3A_523 : memref<1x256xi32, #tpu.memory_space<vmem>> -> memref<256xi32, #tpu.memory_space<vmem>>
    %dma_wait3A_525 = arith.constant 0 : i32
    %dma_wait3A_526 = tpu.memref_slice %arg4[%dma_wait3A_525] : memref<204800xi32, #tpu.memory_space<hbm>> -> memref<256xi32, #tpu.memory_space<hbm>>
    %dma_wait3A_527 = arith.constant 0 : i32
    %dma_wait3A_528 = tpu.memref_slice %arg7[%dma_wait3A_521, %dma_wait3A_527] : memref<4x256xi32, #tpu.memory_space<vmem>> -> memref<1x256xi32, #tpu.memory_space<vmem>>
    %dma_wait3A_529 = tpu.memref_squeeze %dma_wait3A_528 : memref<1x256xi32, #tpu.memory_space<vmem>> -> memref<256xi32, #tpu.memory_space<vmem>>
    %dma_wait3A_530 = arith.constant 0 : i32
    %dma_wait3A_531 = tpu.memref_slice %arg4[%dma_wait3A_530] : memref<204800xi32, #tpu.memory_space<hbm>> -> memref<256xi32, #tpu.memory_space<hbm>>
    tpu.wait_dma2 semaphore(%arg12 : memref<!tpu.dma_semaphore, #tpu.memory_space<semaphore_mem>>) src(%dma_wait3A_531 : memref<256xi32, #tpu.memory_space<hbm>>) dst(%dma_wait3A_529 : memref<256xi32, #tpu.memory_space<vmem>>)
    %dma_start3A_532 = arith.constant 3 : i32
    %dma_start3A_533 = arith.constant 3 : i32
    %dma_start3A_534 = arith.constant 0 : i32
    %dma_start3A_535 = arith.constant 0 : i32
    %dma_start3A_536 = tpu.memref_slice %arg8[%dma_start3A_533, %dma_start3A_534, %dma_start3A_535] : memref<4x256x64xf32, #tpu.memory_space<vmem>> -> memref<1x128x64xf32, #tpu.memory_space<vmem>>
    %dma_start3A_537 = tpu.memref_squeeze %dma_start3A_536 : memref<1x128x64xf32, #tpu.memory_space<vmem>> -> memref<128x64xf32, #tpu.memory_space<vmem>>
    %dma_start3A_538 = arith.constant 0 : i32
    %dma_start3A_539 = tpu.memref_slice %arg7[%dma_start3A_532, %dma_start3A_538] : memref<4x256xi32, #tpu.memory_space<vmem>> -> memref<1x128xi32, #tpu.memory_space<vmem>>
    %dma_start3A_540 = tpu.memref_squeeze %dma_start3A_539 : memref<1x128xi32, #tpu.memory_space<vmem>> -> memref<128xi32, #tpu.memory_space<vmem>>
    %dma_start3A_541 = arith.constant 0 : i32
    %dma_start3A_542 = arith.constant 0 : i32
    %dma_start3A_543 = tpu.memref_slice %arg2[%dma_start3A_541, %dma_start3A_542] : memref<8192x64xf32, #tpu.memory_space<hbm>> -> memref<8192x64xf32, #tpu.memory_space<hbm>>
    tpu.enqueue_indirect_dma source(%dma_start3A_543 : memref<8192x64xf32, #tpu.memory_space<hbm>>) target(%dma_start3A_537 : memref<128x64xf32, #tpu.memory_space<vmem>>) offsets(%dma_start3A_540 : memref<128xi32, #tpu.memory_space<vmem>>) semaphore(%arg16 : memref<!tpu.dma_semaphore, #tpu.memory_space<semaphore_mem>>)
    %dma_start3A_544 = arith.constant 3 : i32
    %dma_start3A_545 = arith.constant 3 : i32
    %dma_start3A_546 = arith.constant 128 : i32
    %dma_start3A_547 = arith.constant 0 : i32
    %dma_start3A_548 = tpu.memref_slice %arg8[%dma_start3A_545, %dma_start3A_546, %dma_start3A_547] : memref<4x256x64xf32, #tpu.memory_space<vmem>> -> memref<1x128x64xf32, #tpu.memory_space<vmem>>
    %dma_start3A_549 = tpu.memref_squeeze %dma_start3A_548 : memref<1x128x64xf32, #tpu.memory_space<vmem>> -> memref<128x64xf32, #tpu.memory_space<vmem>>
    %dma_start3A_550 = arith.constant 128 : i32
    %dma_start3A_551 = tpu.memref_slice %arg7[%dma_start3A_544, %dma_start3A_550] : memref<4x256xi32, #tpu.memory_space<vmem>> -> memref<1x128xi32, #tpu.memory_space<vmem>>
    %dma_start3A_552 = tpu.memref_squeeze %dma_start3A_551 : memref<1x128xi32, #tpu.memory_space<vmem>> -> memref<128xi32, #tpu.memory_space<vmem>>
    %dma_start3A_553 = arith.constant 0 : i32
    %dma_start3A_554 = arith.constant 0 : i32
    %dma_start3A_555 = tpu.memref_slice %arg2[%dma_start3A_553, %dma_start3A_554] : memref<8192x64xf32, #tpu.memory_space<hbm>> -> memref<8192x64xf32, #tpu.memory_space<hbm>>
    tpu.enqueue_indirect_dma source(%dma_start3A_555 : memref<8192x64xf32, #tpu.memory_space<hbm>>) target(%dma_start3A_549 : memref<128x64xf32, #tpu.memory_space<vmem>>) offsets(%dma_start3A_552 : memref<128xi32, #tpu.memory_space<vmem>>) semaphore(%arg16 : memref<!tpu.dma_semaphore, #tpu.memory_space<semaphore_mem>>)
    %scan3A_556 = arith.constant 0 : i32
    %scan3A_557 = arith.constant 1 : i32
    %scan3A_558 = arith.constant 5 : i32
    %scan3A_559 = arith.addi %scan3A_557, %scan3A_558 : i32
    %scan3A_560 = arith.constant 1 : i32
    scf.for %scan3A_833 = %scan3A_557 to %scan3A_559 step %scan3A_560  : i32 {
      %dma_wait3A_834 = arith.constant 0 : i32
      %dma_wait3A_835 = arith.constant 0 : i32
      %dma_wait3A_836 = arith.constant 0 : i32
      %dma_wait3A_837 = tpu.memref_slice %arg8[%dma_wait3A_834, %dma_wait3A_835, %dma_wait3A_836] : memref<4x256x64xf32, #tpu.memory_space<vmem>> -> memref<1x256x64xf32, #tpu.memory_space<vmem>>
      %dma_wait3A_838 = tpu.memref_squeeze %dma_wait3A_837 : memref<1x256x64xf32, #tpu.memory_space<vmem>> -> memref<256x64xf32, #tpu.memory_space<vmem>>
      %dma_wait3A_839 = arith.constant 0 : i32
      %dma_wait3A_840 = arith.constant 0 : i32
      %dma_wait3A_841 = tpu.memref_slice %arg6[%dma_wait3A_839, %dma_wait3A_840] : memref<204800x64xf32, #tpu.memory_space<hbm>> -> memref<256x64xf32, #tpu.memory_space<hbm>>
      %dma_wait3A_842 = arith.constant 0 : i32
      %dma_wait3A_843 = arith.constant 0 : i32
      %dma_wait3A_844 = tpu.memref_slice %arg8[%dma_wait3A_834, %dma_wait3A_842, %dma_wait3A_843] : memref<4x256x64xf32, #tpu.memory_space<vmem>> -> memref<1x256x64xf32, #tpu.memory_space<vmem>>
      %dma_wait3A_845 = tpu.memref_squeeze %dma_wait3A_844 : memref<1x256x64xf32, #tpu.memory_space<vmem>> -> memref<256x64xf32, #tpu.memory_space<vmem>>
      %dma_wait3A_846 = arith.constant 0 : i32
      %dma_wait3A_847 = arith.constant 0 : i32
      %dma_wait3A_848 = tpu.memref_slice %arg6[%dma_wait3A_846, %dma_wait3A_847] : memref<204800x64xf32, #tpu.memory_space<hbm>> -> memref<256x64xf32, #tpu.memory_space<hbm>>
      tpu.wait_dma2 semaphore(%arg13 : memref<!tpu.dma_semaphore, #tpu.memory_space<semaphore_mem>>) src(%dma_wait3A_848 : memref<256x64xf32, #tpu.memory_space<hbm>>) dst(%dma_wait3A_845 : memref<256x64xf32, #tpu.memory_space<vmem>>)
      %sub3A = arith.constant 1 : i32
      %sub3A_849 = arith.subi %scan3A_833, %sub3A : i32
      %mul3A_850 = arith.constant 4 : i32
      %mul3A_851 = arith.muli %mul3A_850, %sub3A_849 : i32
      %add3A_852 = arith.constant 0 : i32
      %add3A_853 = arith.addi %mul3A_851, %add3A_852 : i32
      %mul3A_854 = arith.constant 256 : i32
      %mul3A_855 = arith.muli %add3A_853, %mul3A_854 : i32
      %add3A_856 = arith.addi %mul3A_371, %mul3A_855 : i32
      %dma_start3A_857 = arith.constant 0 : i32
      %dma_start3A_858 = arith.constant 0 : i32
      %dma_start3A_859 = arith.constant 0 : i32
      %dma_start3A_860 = tpu.memref_slice %arg8[%dma_start3A_857, %dma_start3A_858, %dma_start3A_859] : memref<4x256x64xf32, #tpu.memory_space<vmem>> -> memref<1x256x64xf32, #tpu.memory_space<vmem>>
      %dma_start3A_861 = tpu.memref_squeeze %dma_start3A_860 : memref<1x256x64xf32, #tpu.memory_space<vmem>> -> memref<256x64xf32, #tpu.memory_space<vmem>>
      %dma_start3A_862 = arith.constant 0 : i32
      %dma_start3A_863 = tpu.memref_slice %arg6[%add3A_856, %dma_start3A_862] : memref<204800x64xf32, #tpu.memory_space<hbm>> -> memref<256x64xf32, #tpu.memory_space<hbm>>
      %dma_start3A_864 = arith.constant 0 : i32
      %dma_start3A_865 = tpu.memref_slice %arg6[%add3A_856, %dma_start3A_864] : memref<204800x64xf32, #tpu.memory_space<hbm>> -> memref<256x64xf32, #tpu.memory_space<hbm>>
      %dma_start3A_866 = arith.constant 0 : i32
      %dma_start3A_867 = arith.constant 0 : i32
      %dma_start3A_868 = tpu.memref_slice %arg8[%dma_start3A_857, %dma_start3A_866, %dma_start3A_867] : memref<4x256x64xf32, #tpu.memory_space<vmem>> -> memref<1x256x64xf32, #tpu.memory_space<vmem>>
      %dma_start3A_869 = tpu.memref_squeeze %dma_start3A_868 : memref<1x256x64xf32, #tpu.memory_space<vmem>> -> memref<256x64xf32, #tpu.memory_space<vmem>>
      tpu.enqueue_dma source(%dma_start3A_869 : memref<256x64xf32, #tpu.memory_space<vmem>>) target(%dma_start3A_865 : memref<256x64xf32, #tpu.memory_space<hbm>>) target_semaphore(%arg17 : memref<!tpu.dma_semaphore, #tpu.memory_space<semaphore_mem>>)
      %dma_wait3A_870 = arith.constant 1 : i32
      %dma_wait3A_871 = arith.constant 0 : i32
      %dma_wait3A_872 = arith.constant 0 : i32
      %dma_wait3A_873 = tpu.memref_slice %arg8[%dma_wait3A_870, %dma_wait3A_871, %dma_wait3A_872] : memref<4x256x64xf32, #tpu.memory_space<vmem>> -> memref<1x256x64xf32, #tpu.memory_space<vmem>>
      %dma_wait3A_874 = tpu.memref_squeeze %dma_wait3A_873 : memref<1x256x64xf32, #tpu.memory_space<vmem>> -> memref<256x64xf32, #tpu.memory_space<vmem>>
      %dma_wait3A_875 = arith.constant 0 : i32
      %dma_wait3A_876 = arith.constant 0 : i32
      %dma_wait3A_877 = tpu.memref_slice %arg6[%dma_wait3A_875, %dma_wait3A_876] : memref<204800x64xf32, #tpu.memory_space<hbm>> -> memref<256x64xf32, #tpu.memory_space<hbm>>
      %dma_wait3A_878 = arith.constant 0 : i32
      %dma_wait3A_879 = arith.constant 0 : i32
      %dma_wait3A_880 = tpu.memref_slice %arg8[%dma_wait3A_870, %dma_wait3A_878, %dma_wait3A_879] : memref<4x256x64xf32, #tpu.memory_space<vmem>> -> memref<1x256x64xf32, #tpu.memory_space<vmem>>
      %dma_wait3A_881 = tpu.memref_squeeze %dma_wait3A_880 : memref<1x256x64xf32, #tpu.memory_space<vmem>> -> memref<256x64xf32, #tpu.memory_space<vmem>>
      %dma_wait3A_882 = arith.constant 0 : i32
      %dma_wait3A_883 = arith.constant 0 : i32
      %dma_wait3A_884 = tpu.memref_slice %arg6[%dma_wait3A_882, %dma_wait3A_883] : memref<204800x64xf32, #tpu.memory_space<hbm>> -> memref<256x64xf32, #tpu.memory_space<hbm>>
      tpu.wait_dma2 semaphore(%arg14 : memref<!tpu.dma_semaphore, #tpu.memory_space<semaphore_mem>>) src(%dma_wait3A_884 : memref<256x64xf32, #tpu.memory_space<hbm>>) dst(%dma_wait3A_881 : memref<256x64xf32, #tpu.memory_space<vmem>>)
      %sub3A_885 = arith.constant 1 : i32
      %sub3A_886 = arith.subi %scan3A_833, %sub3A_885 : i32
      %mul3A_887 = arith.constant 4 : i32
      %mul3A_888 = arith.muli %mul3A_887, %sub3A_886 : i32
      %add3A_889 = arith.constant 1 : i32
      %add3A_890 = arith.addi %mul3A_888, %add3A_889 : i32
      %mul3A_891 = arith.constant 256 : i32
      %mul3A_892 = arith.muli %add3A_890, %mul3A_891 : i32
      %add3A_893 = arith.addi %mul3A_371, %mul3A_892 : i32
      %dma_start3A_894 = arith.constant 1 : i32
      %dma_start3A_895 = arith.constant 0 : i32
      %dma_start3A_896 = arith.constant 0 : i32
      %dma_start3A_897 = tpu.memref_slice %arg8[%dma_start3A_894, %dma_start3A_895, %dma_start3A_896] : memref<4x256x64xf32, #tpu.memory_space<vmem>> -> memref<1x256x64xf32, #tpu.memory_space<vmem>>
      %dma_start3A_898 = tpu.memref_squeeze %dma_start3A_897 : memref<1x256x64xf32, #tpu.memory_space<vmem>> -> memref<256x64xf32, #tpu.memory_space<vmem>>
      %dma_start3A_899 = arith.constant 0 : i32
      %dma_start3A_900 = tpu.memref_slice %arg6[%add3A_893, %dma_start3A_899] : memref<204800x64xf32, #tpu.memory_space<hbm>> -> memref<256x64xf32, #tpu.memory_space<hbm>>
      %dma_start3A_901 = arith.constant 0 : i32
      %dma_start3A_902 = tpu.memref_slice %arg6[%add3A_893, %dma_start3A_901] : memref<204800x64xf32, #tpu.memory_space<hbm>> -> memref<256x64xf32, #tpu.memory_space<hbm>>
      %dma_start3A_903 = arith.constant 0 : i32
      %dma_start3A_904 = arith.constant 0 : i32
      %dma_start3A_905 = tpu.memref_slice %arg8[%dma_start3A_894, %dma_start3A_903, %dma_start3A_904] : memref<4x256x64xf32, #tpu.memory_space<vmem>> -> memref<1x256x64xf32, #tpu.memory_space<vmem>>
      %dma_start3A_906 = tpu.memref_squeeze %dma_start3A_905 : memref<1x256x64xf32, #tpu.memory_space<vmem>> -> memref<256x64xf32, #tpu.memory_space<vmem>>
      tpu.enqueue_dma source(%dma_start3A_906 : memref<256x64xf32, #tpu.memory_space<vmem>>) target(%dma_start3A_902 : memref<256x64xf32, #tpu.memory_space<hbm>>) target_semaphore(%arg18 : memref<!tpu.dma_semaphore, #tpu.memory_space<semaphore_mem>>)
      %dma_wait3A_907 = arith.constant 2 : i32
      %dma_wait3A_908 = arith.constant 0 : i32
      %dma_wait3A_909 = arith.constant 0 : i32
      %dma_wait3A_910 = tpu.memref_slice %arg8[%dma_wait3A_907, %dma_wait3A_908, %dma_wait3A_909] : memref<4x256x64xf32, #tpu.memory_space<vmem>> -> memref<1x256x64xf32, #tpu.memory_space<vmem>>
      %dma_wait3A_911 = tpu.memref_squeeze %dma_wait3A_910 : memref<1x256x64xf32, #tpu.memory_space<vmem>> -> memref<256x64xf32, #tpu.memory_space<vmem>>
      %dma_wait3A_912 = arith.constant 0 : i32
      %dma_wait3A_913 = arith.constant 0 : i32
      %dma_wait3A_914 = tpu.memref_slice %arg6[%dma_wait3A_912, %dma_wait3A_913] : memref<204800x64xf32, #tpu.memory_space<hbm>> -> memref<256x64xf32, #tpu.memory_space<hbm>>
      %dma_wait3A_915 = arith.constant 0 : i32
      %dma_wait3A_916 = arith.constant 0 : i32
      %dma_wait3A_917 = tpu.memref_slice %arg8[%dma_wait3A_907, %dma_wait3A_915, %dma_wait3A_916] : memref<4x256x64xf32, #tpu.memory_space<vmem>> -> memref<1x256x64xf32, #tpu.memory_space<vmem>>
      %dma_wait3A_918 = tpu.memref_squeeze %dma_wait3A_917 : memref<1x256x64xf32, #tpu.memory_space<vmem>> -> memref<256x64xf32, #tpu.memory_space<vmem>>
      %dma_wait3A_919 = arith.constant 0 : i32
      %dma_wait3A_920 = arith.constant 0 : i32
      %dma_wait3A_921 = tpu.memref_slice %arg6[%dma_wait3A_919, %dma_wait3A_920] : memref<204800x64xf32, #tpu.memory_space<hbm>> -> memref<256x64xf32, #tpu.memory_space<hbm>>
      tpu.wait_dma2 semaphore(%arg15 : memref<!tpu.dma_semaphore, #tpu.memory_space<semaphore_mem>>) src(%dma_wait3A_921 : memref<256x64xf32, #tpu.memory_space<hbm>>) dst(%dma_wait3A_918 : memref<256x64xf32, #tpu.memory_space<vmem>>)
      %sub3A_922 = arith.constant 1 : i32
      %sub3A_923 = arith.subi %scan3A_833, %sub3A_922 : i32
      %mul3A_924 = arith.constant 4 : i32
      %mul3A_925 = arith.muli %mul3A_924, %sub3A_923 : i32
      %add3A_926 = arith.constant 2 : i32
      %add3A_927 = arith.addi %mul3A_925, %add3A_926 : i32
      %mul3A_928 = arith.constant 256 : i32
      %mul3A_929 = arith.muli %add3A_927, %mul3A_928 : i32
      %add3A_930 = arith.addi %mul3A_371, %mul3A_929 : i32
      %dma_start3A_931 = arith.constant 2 : i32
      %dma_start3A_932 = arith.constant 0 : i32
      %dma_start3A_933 = arith.constant 0 : i32
      %dma_start3A_934 = tpu.memref_slice %arg8[%dma_start3A_931, %dma_start3A_932, %dma_start3A_933] : memref<4x256x64xf32, #tpu.memory_space<vmem>> -> memref<1x256x64xf32, #tpu.memory_space<vmem>>
      %dma_start3A_935 = tpu.memref_squeeze %dma_start3A_934 : memref<1x256x64xf32, #tpu.memory_space<vmem>> -> memref<256x64xf32, #tpu.memory_space<vmem>>
      %dma_start3A_936 = arith.constant 0 : i32
      %dma_start3A_937 = tpu.memref_slice %arg6[%add3A_930, %dma_start3A_936] : memref<204800x64xf32, #tpu.memory_space<hbm>> -> memref<256x64xf32, #tpu.memory_space<hbm>>
      %dma_start3A_938 = arith.constant 0 : i32
      %dma_start3A_939 = tpu.memref_slice %arg6[%add3A_930, %dma_start3A_938] : memref<204800x64xf32, #tpu.memory_space<hbm>> -> memref<256x64xf32, #tpu.memory_space<hbm>>
      %dma_start3A_940 = arith.constant 0 : i32
      %dma_start3A_941 = arith.constant 0 : i32
      %dma_start3A_942 = tpu.memref_slice %arg8[%dma_start3A_931, %dma_start3A_940, %dma_start3A_941] : memref<4x256x64xf32, #tpu.memory_space<vmem>> -> memref<1x256x64xf32, #tpu.memory_space<vmem>>
      %dma_start3A_943 = tpu.memref_squeeze %dma_start3A_942 : memref<1x256x64xf32, #tpu.memory_space<vmem>> -> memref<256x64xf32, #tpu.memory_space<vmem>>
      tpu.enqueue_dma source(%dma_start3A_943 : memref<256x64xf32, #tpu.memory_space<vmem>>) target(%dma_start3A_939 : memref<256x64xf32, #tpu.memory_space<hbm>>) target_semaphore(%arg19 : memref<!tpu.dma_semaphore, #tpu.memory_space<semaphore_mem>>)
      %dma_wait3A_944 = arith.constant 3 : i32
      %dma_wait3A_945 = arith.constant 0 : i32
      %dma_wait3A_946 = arith.constant 0 : i32
      %dma_wait3A_947 = tpu.memref_slice %arg8[%dma_wait3A_944, %dma_wait3A_945, %dma_wait3A_946] : memref<4x256x64xf32, #tpu.memory_space<vmem>> -> memref<1x256x64xf32, #tpu.memory_space<vmem>>
      %dma_wait3A_948 = tpu.memref_squeeze %dma_wait3A_947 : memref<1x256x64xf32, #tpu.memory_space<vmem>> -> memref<256x64xf32, #tpu.memory_space<vmem>>
      %dma_wait3A_949 = arith.constant 0 : i32
      %dma_wait3A_950 = arith.constant 0 : i32
      %dma_wait3A_951 = tpu.memref_slice %arg6[%dma_wait3A_949, %dma_wait3A_950] : memref<204800x64xf32, #tpu.memory_space<hbm>> -> memref<256x64xf32, #tpu.memory_space<hbm>>
      %dma_wait3A_952 = arith.constant 0 : i32
      %dma_wait3A_953 = arith.constant 0 : i32
      %dma_wait3A_954 = tpu.memref_slice %arg8[%dma_wait3A_944, %dma_wait3A_952, %dma_wait3A_953] : memref<4x256x64xf32, #tpu.memory_space<vmem>> -> memref<1x256x64xf32, #tpu.memory_space<vmem>>
      %dma_wait3A_955 = tpu.memref_squeeze %dma_wait3A_954 : memref<1x256x64xf32, #tpu.memory_space<vmem>> -> memref<256x64xf32, #tpu.memory_space<vmem>>
      %dma_wait3A_956 = arith.constant 0 : i32
      %dma_wait3A_957 = arith.constant 0 : i32
      %dma_wait3A_958 = tpu.memref_slice %arg6[%dma_wait3A_956, %dma_wait3A_957] : memref<204800x64xf32, #tpu.memory_space<hbm>> -> memref<256x64xf32, #tpu.memory_space<hbm>>
      tpu.wait_dma2 semaphore(%arg16 : memref<!tpu.dma_semaphore, #tpu.memory_space<semaphore_mem>>) src(%dma_wait3A_958 : memref<256x64xf32, #tpu.memory_space<hbm>>) dst(%dma_wait3A_955 : memref<256x64xf32, #tpu.memory_space<vmem>>)
      %sub3A_959 = arith.constant 1 : i32
      %sub3A_960 = arith.subi %scan3A_833, %sub3A_959 : i32
      %mul3A_961 = arith.constant 4 : i32
      %mul3A_962 = arith.muli %mul3A_961, %sub3A_960 : i32
      %add3A_963 = arith.constant 3 : i32
      %add3A_964 = arith.addi %mul3A_962, %add3A_963 : i32
      %mul3A_965 = arith.constant 256 : i32
      %mul3A_966 = arith.muli %add3A_964, %mul3A_965 : i32
      %add3A_967 = arith.addi %mul3A_371, %mul3A_966 : i32
      %dma_start3A_968 = arith.constant 3 : i32
      %dma_start3A_969 = arith.constant 0 : i32
      %dma_start3A_970 = arith.constant 0 : i32
      %dma_start3A_971 = tpu.memref_slice %arg8[%dma_start3A_968, %dma_start3A_969, %dma_start3A_970] : memref<4x256x64xf32, #tpu.memory_space<vmem>> -> memref<1x256x64xf32, #tpu.memory_space<vmem>>
      %dma_start3A_972 = tpu.memref_squeeze %dma_start3A_971 : memref<1x256x64xf32, #tpu.memory_space<vmem>> -> memref<256x64xf32, #tpu.memory_space<vmem>>
      %dma_start3A_973 = arith.constant 0 : i32
      %dma_start3A_974 = tpu.memref_slice %arg6[%add3A_967, %dma_start3A_973] : memref<204800x64xf32, #tpu.memory_space<hbm>> -> memref<256x64xf32, #tpu.memory_space<hbm>>
      %dma_start3A_975 = arith.constant 0 : i32
      %dma_start3A_976 = tpu.memref_slice %arg6[%add3A_967, %dma_start3A_975] : memref<204800x64xf32, #tpu.memory_space<hbm>> -> memref<256x64xf32, #tpu.memory_space<hbm>>
      %dma_start3A_977 = arith.constant 0 : i32
      %dma_start3A_978 = arith.constant 0 : i32
      %dma_start3A_979 = tpu.memref_slice %arg8[%dma_start3A_968, %dma_start3A_977, %dma_start3A_978] : memref<4x256x64xf32, #tpu.memory_space<vmem>> -> memref<1x256x64xf32, #tpu.memory_space<vmem>>
      %dma_start3A_980 = tpu.memref_squeeze %dma_start3A_979 : memref<1x256x64xf32, #tpu.memory_space<vmem>> -> memref<256x64xf32, #tpu.memory_space<vmem>>
      tpu.enqueue_dma source(%dma_start3A_980 : memref<256x64xf32, #tpu.memory_space<vmem>>) target(%dma_start3A_976 : memref<256x64xf32, #tpu.memory_space<hbm>>) target_semaphore(%arg20 : memref<!tpu.dma_semaphore, #tpu.memory_space<semaphore_mem>>)
      %mul3A_981 = arith.constant 4 : i32
      %mul3A_982 = arith.muli %mul3A_981, %scan3A_833 : i32
      %add3A_983 = arith.constant 0 : i32
      %add3A_984 = arith.addi %mul3A_982, %add3A_983 : i32
      %mul3A_985 = arith.constant 256 : i32
      %mul3A_986 = arith.muli %add3A_984, %mul3A_985 : i32
      %add3A_987 = arith.addi %mul3A_371, %mul3A_986 : i32
      %dma_start3A_988 = arith.constant 0 : i32
      %dma_start3A_989 = arith.constant 0 : i32
      %dma_start3A_990 = tpu.memref_slice %arg7[%dma_start3A_988, %dma_start3A_989] : memref<4x256xi32, #tpu.memory_space<vmem>> -> memref<1x256xi32, #tpu.memory_space<vmem>>
      %dma_start3A_991 = tpu.memref_squeeze %dma_start3A_990 : memref<1x256xi32, #tpu.memory_space<vmem>> -> memref<256xi32, #tpu.memory_space<vmem>>
      %dma_start3A_992 = tpu.memref_slice %arg4[%add3A_987] : memref<204800xi32, #tpu.memory_space<hbm>> -> memref<256xi32, #tpu.memory_space<hbm>>
      %dma_start3A_993 = arith.constant 0 : i32
      %dma_start3A_994 = tpu.memref_slice %arg7[%dma_start3A_988, %dma_start3A_993] : memref<4x256xi32, #tpu.memory_space<vmem>> -> memref<1x256xi32, #tpu.memory_space<vmem>>
      %dma_start3A_995 = tpu.memref_squeeze %dma_start3A_994 : memref<1x256xi32, #tpu.memory_space<vmem>> -> memref<256xi32, #tpu.memory_space<vmem>>
      %dma_start3A_996 = tpu.memref_slice %arg4[%add3A_987] : memref<204800xi32, #tpu.memory_space<hbm>> -> memref<256xi32, #tpu.memory_space<hbm>>
      tpu.enqueue_dma source(%dma_start3A_996 : memref<256xi32, #tpu.memory_space<hbm>>) target(%dma_start3A_995 : memref<256xi32, #tpu.memory_space<vmem>>) target_semaphore(%arg9 : memref<!tpu.dma_semaphore, #tpu.memory_space<semaphore_mem>>)
      %mul3A_997 = arith.constant 4 : i32
      %mul3A_998 = arith.muli %mul3A_997, %scan3A_833 : i32
      %add3A_999 = arith.constant 1 : i32
      %add3A_1000 = arith.addi %mul3A_998, %add3A_999 : i32
      %mul3A_1001 = arith.constant 256 : i32
      %mul3A_1002 = arith.muli %add3A_1000, %mul3A_1001 : i32
      %add3A_1003 = arith.addi %mul3A_371, %mul3A_1002 : i32
      %dma_start3A_1004 = arith.constant 1 : i32
      %dma_start3A_1005 = arith.constant 0 : i32
      %dma_start3A_1006 = tpu.memref_slice %arg7[%dma_start3A_1004, %dma_start3A_1005] : memref<4x256xi32, #tpu.memory_space<vmem>> -> memref<1x256xi32, #tpu.memory_space<vmem>>
      %dma_start3A_1007 = tpu.memref_squeeze %dma_start3A_1006 : memref<1x256xi32, #tpu.memory_space<vmem>> -> memref<256xi32, #tpu.memory_space<vmem>>
      %dma_start3A_1008 = tpu.memref_slice %arg4[%add3A_1003] : memref<204800xi32, #tpu.memory_space<hbm>> -> memref<256xi32, #tpu.memory_space<hbm>>
      %dma_start3A_1009 = arith.constant 0 : i32
      %dma_start3A_1010 = tpu.memref_slice %arg7[%dma_start3A_1004, %dma_start3A_1009] : memref<4x256xi32, #tpu.memory_space<vmem>> -> memref<1x256xi32, #tpu.memory_space<vmem>>
      %dma_start3A_1011 = tpu.memref_squeeze %dma_start3A_1010 : memref<1x256xi32, #tpu.memory_space<vmem>> -> memref<256xi32, #tpu.memory_space<vmem>>
      %dma_start3A_1012 = tpu.memref_slice %arg4[%add3A_1003] : memref<204800xi32, #tpu.memory_space<hbm>> -> memref<256xi32, #tpu.memory_space<hbm>>
      tpu.enqueue_dma source(%dma_start3A_1012 : memref<256xi32, #tpu.memory_space<hbm>>) target(%dma_start3A_1011 : memref<256xi32, #tpu.memory_space<vmem>>) target_semaphore(%arg10 : memref<!tpu.dma_semaphore, #tpu.memory_space<semaphore_mem>>)
      %mul3A_1013 = arith.constant 4 : i32
      %mul3A_1014 = arith.muli %mul3A_1013, %scan3A_833 : i32
      %add3A_1015 = arith.constant 2 : i32
      %add3A_1016 = arith.addi %mul3A_1014, %add3A_1015 : i32
      %mul3A_1017 = arith.constant 256 : i32
      %mul3A_1018 = arith.muli %add3A_1016, %mul3A_1017 : i32
      %add3A_1019 = arith.addi %mul3A_371, %mul3A_1018 : i32
      %dma_start3A_1020 = arith.constant 2 : i32
      %dma_start3A_1021 = arith.constant 0 : i32
      %dma_start3A_1022 = tpu.memref_slice %arg7[%dma_start3A_1020, %dma_start3A_1021] : memref<4x256xi32, #tpu.memory_space<vmem>> -> memref<1x256xi32, #tpu.memory_space<vmem>>
      %dma_start3A_1023 = tpu.memref_squeeze %dma_start3A_1022 : memref<1x256xi32, #tpu.memory_space<vmem>> -> memref<256xi32, #tpu.memory_space<vmem>>
      %dma_start3A_1024 = tpu.memref_slice %arg4[%add3A_1019] : memref<204800xi32, #tpu.memory_space<hbm>> -> memref<256xi32, #tpu.memory_space<hbm>>
      %dma_start3A_1025 = arith.constant 0 : i32
      %dma_start3A_1026 = tpu.memref_slice %arg7[%dma_start3A_1020, %dma_start3A_1025] : memref<4x256xi32, #tpu.memory_space<vmem>> -> memref<1x256xi32, #tpu.memory_space<vmem>>
      %dma_start3A_1027 = tpu.memref_squeeze %dma_start3A_1026 : memref<1x256xi32, #tpu.memory_space<vmem>> -> memref<256xi32, #tpu.memory_space<vmem>>
      %dma_start3A_1028 = tpu.memref_slice %arg4[%add3A_1019] : memref<204800xi32, #tpu.memory_space<hbm>> -> memref<256xi32, #tpu.memory_space<hbm>>
      tpu.enqueue_dma source(%dma_start3A_1028 : memref<256xi32, #tpu.memory_space<hbm>>) target(%dma_start3A_1027 : memref<256xi32, #tpu.memory_space<vmem>>) target_semaphore(%arg11 : memref<!tpu.dma_semaphore, #tpu.memory_space<semaphore_mem>>)
      %mul3A_1029 = arith.constant 4 : i32
      %mul3A_1030 = arith.muli %mul3A_1029, %scan3A_833 : i32
      %add3A_1031 = arith.constant 3 : i32
      %add3A_1032 = arith.addi %mul3A_1030, %add3A_1031 : i32
      %mul3A_1033 = arith.constant 256 : i32
      %mul3A_1034 = arith.muli %add3A_1032, %mul3A_1033 : i32
      %add3A_1035 = arith.addi %mul3A_371, %mul3A_1034 : i32
      %dma_start3A_1036 = arith.constant 3 : i32
      %dma_start3A_1037 = arith.constant 0 : i32
      %dma_start3A_1038 = tpu.memref_slice %arg7[%dma_start3A_1036, %dma_start3A_1037] : memref<4x256xi32, #tpu.memory_space<vmem>> -> memref<1x256xi32, #tpu.memory_space<vmem>>
      %dma_start3A_1039 = tpu.memref_squeeze %dma_start3A_1038 : memref<1x256xi32, #tpu.memory_space<vmem>> -> memref<256xi32, #tpu.memory_space<vmem>>
      %dma_start3A_1040 = tpu.memref_slice %arg4[%add3A_1035] : memref<204800xi32, #tpu.memory_space<hbm>> -> memref<256xi32, #tpu.memory_space<hbm>>
      %dma_start3A_1041 = arith.constant 0 : i32
      %dma_start3A_1042 = tpu.memref_slice %arg7[%dma_start3A_1036, %dma_start3A_1041] : memref<4x256xi32, #tpu.memory_space<vmem>> -> memref<1x256xi32, #tpu.memory_space<vmem>>
      %dma_start3A_1043 = tpu.memref_squeeze %dma_start3A_1042 : memref<1x256xi32, #tpu.memory_space<vmem>> -> memref<256xi32, #tpu.memory_space<vmem>>
      %dma_start3A_1044 = tpu.memref_slice %arg4[%add3A_1035] : memref<204800xi32, #tpu.memory_space<hbm>> -> memref<256xi32, #tpu.memory_space<hbm>>
      tpu.enqueue_dma source(%dma_start3A_1044 : memref<256xi32, #tpu.memory_space<hbm>>) target(%dma_start3A_1043 : memref<256xi32, #tpu.memory_space<vmem>>) target_semaphore(%arg12 : memref<!tpu.dma_semaphore, #tpu.memory_space<semaphore_mem>>)
      %dma_wait3A_1045 = arith.constant 0 : i32
      %dma_wait3A_1046 = arith.constant 0 : i32
      %dma_wait3A_1047 = tpu.memref_slice %arg7[%dma_wait3A_1045, %dma_wait3A_1046] : memref<4x256xi32, #tpu.memory_space<vmem>> -> memref<1x256xi32, #tpu.memory_space<vmem>>
      %dma_wait3A_1048 = tpu.memref_squeeze %dma_wait3A_1047 : memref<1x256xi32, #tpu.memory_space<vmem>> -> memref<256xi32, #tpu.memory_space<vmem>>
      %dma_wait3A_1049 = arith.constant 0 : i32
      %dma_wait3A_1050 = tpu.memref_slice %arg4[%dma_wait3A_1049] : memref<204800xi32, #tpu.memory_space<hbm>> -> memref<256xi32, #tpu.memory_space<hbm>>
      %dma_wait3A_1051 = arith.constant 0 : i32
      %dma_wait3A_1052 = tpu.memref_slice %arg7[%dma_wait3A_1045, %dma_wait3A_1051] : memref<4x256xi32, #tpu.memory_space<vmem>> -> memref<1x256xi32, #tpu.memory_space<vmem>>
      %dma_wait3A_1053 = tpu.memref_squeeze %dma_wait3A_1052 : memref<1x256xi32, #tpu.memory_space<vmem>> -> memref<256xi32, #tpu.memory_space<vmem>>
      %dma_wait3A_1054 = arith.constant 0 : i32
      %dma_wait3A_1055 = tpu.memref_slice %arg4[%dma_wait3A_1054] : memref<204800xi32, #tpu.memory_space<hbm>> -> memref<256xi32, #tpu.memory_space<hbm>>
      tpu.wait_dma2 semaphore(%arg9 : memref<!tpu.dma_semaphore, #tpu.memory_space<semaphore_mem>>) src(%dma_wait3A_1055 : memref<256xi32, #tpu.memory_space<hbm>>) dst(%dma_wait3A_1053 : memref<256xi32, #tpu.memory_space<vmem>>)
      %dma_wait3A_1056 = arith.constant 0 : i32
      %dma_wait3A_1057 = arith.constant 0 : i32
      %dma_wait3A_1058 = arith.constant 0 : i32
      %dma_wait3A_1059 = tpu.memref_slice %arg8[%dma_wait3A_1056, %dma_wait3A_1057, %dma_wait3A_1058] : memref<4x256x64xf32, #tpu.memory_space<vmem>> -> memref<1x256x64xf32, #tpu.memory_space<vmem>>
      %dma_wait3A_1060 = tpu.memref_squeeze %dma_wait3A_1059 : memref<1x256x64xf32, #tpu.memory_space<vmem>> -> memref<256x64xf32, #tpu.memory_space<vmem>>
      %dma_wait3A_1061 = arith.constant 0 : i32
      %dma_wait3A_1062 = arith.constant 0 : i32
      %dma_wait3A_1063 = tpu.memref_slice %arg6[%dma_wait3A_1061, %dma_wait3A_1062] : memref<204800x64xf32, #tpu.memory_space<hbm>> -> memref<256x64xf32, #tpu.memory_space<hbm>>
      %dma_wait3A_1064 = arith.constant 0 : i32
      %dma_wait3A_1065 = arith.constant 0 : i32
      %dma_wait3A_1066 = tpu.memref_slice %arg6[%dma_wait3A_1064, %dma_wait3A_1065] : memref<204800x64xf32, #tpu.memory_space<hbm>> -> memref<256x64xf32, #tpu.memory_space<hbm>>
      %dma_wait3A_1067 = arith.constant 0 : i32
      %dma_wait3A_1068 = arith.constant 0 : i32
      %dma_wait3A_1069 = tpu.memref_slice %arg8[%dma_wait3A_1056, %dma_wait3A_1067, %dma_wait3A_1068] : memref<4x256x64xf32, #tpu.memory_space<vmem>> -> memref<1x256x64xf32, #tpu.memory_space<vmem>>
      %dma_wait3A_1070 = tpu.memref_squeeze %dma_wait3A_1069 : memref<1x256x64xf32, #tpu.memory_space<vmem>> -> memref<256x64xf32, #tpu.memory_space<vmem>>
      tpu.wait_dma2 semaphore(%arg17 : memref<!tpu.dma_semaphore, #tpu.memory_space<semaphore_mem>>) src(%dma_wait3A_1070 : memref<256x64xf32, #tpu.memory_space<vmem>>) dst(%dma_wait3A_1066 : memref<256x64xf32, #tpu.memory_space<hbm>>)
      %dma_start3A_1071 = arith.constant 0 : i32
      %dma_start3A_1072 = arith.constant 0 : i32
      %dma_start3A_1073 = arith.constant 0 : i32
      %dma_start3A_1074 = arith.constant 0 : i32
      %dma_start3A_1075 = tpu.memref_slice %arg8[%dma_start3A_1072, %dma_start3A_1073, %dma_start3A_1074] : memref<4x256x64xf32, #tpu.memory_space<vmem>> -> memref<1x128x64xf32, #tpu.memory_space<vmem>>
      %dma_start3A_1076 = tpu.memref_squeeze %dma_start3A_1075 : memref<1x128x64xf32, #tpu.memory_space<vmem>> -> memref<128x64xf32, #tpu.memory_space<vmem>>
      %dma_start3A_1077 = arith.constant 0 : i32
      %dma_start3A_1078 = tpu.memref_slice %arg7[%dma_start3A_1071, %dma_start3A_1077] : memref<4x256xi32, #tpu.memory_space<vmem>> -> memref<1x128xi32, #tpu.memory_space<vmem>>
      %dma_start3A_1079 = tpu.memref_squeeze %dma_start3A_1078 : memref<1x128xi32, #tpu.memory_space<vmem>> -> memref<128xi32, #tpu.memory_space<vmem>>
      %dma_start3A_1080 = arith.constant 0 : i32
      %dma_start3A_1081 = arith.constant 0 : i32
      %dma_start3A_1082 = tpu.memref_slice %arg2[%dma_start3A_1080, %dma_start3A_1081] : memref<8192x64xf32, #tpu.memory_space<hbm>> -> memref<8192x64xf32, #tpu.memory_space<hbm>>
      tpu.enqueue_indirect_dma source(%dma_start3A_1082 : memref<8192x64xf32, #tpu.memory_space<hbm>>) target(%dma_start3A_1076 : memref<128x64xf32, #tpu.memory_space<vmem>>) offsets(%dma_start3A_1079 : memref<128xi32, #tpu.memory_space<vmem>>) semaphore(%arg13 : memref<!tpu.dma_semaphore, #tpu.memory_space<semaphore_mem>>)
      %dma_start3A_1083 = arith.constant 0 : i32
      %dma_start3A_1084 = arith.constant 0 : i32
      %dma_start3A_1085 = arith.constant 128 : i32
      %dma_start3A_1086 = arith.constant 0 : i32
      %dma_start3A_1087 = tpu.memref_slice %arg8[%dma_start3A_1084, %dma_start3A_1085, %dma_start3A_1086] : memref<4x256x64xf32, #tpu.memory_space<vmem>> -> memref<1x128x64xf32, #tpu.memory_space<vmem>>
      %dma_start3A_1088 = tpu.memref_squeeze %dma_start3A_1087 : memref<1x128x64xf32, #tpu.memory_space<vmem>> -> memref<128x64xf32, #tpu.memory_space<vmem>>
      %dma_start3A_1089 = arith.constant 128 : i32
      %dma_start3A_1090 = tpu.memref_slice %arg7[%dma_start3A_1083, %dma_start3A_1089] : memref<4x256xi32, #tpu.memory_space<vmem>> -> memref<1x128xi32, #tpu.memory_space<vmem>>
      %dma_start3A_1091 = tpu.memref_squeeze %dma_start3A_1090 : memref<1x128xi32, #tpu.memory_space<vmem>> -> memref<128xi32, #tpu.memory_space<vmem>>
      %dma_start3A_1092 = arith.constant 0 : i32
      %dma_start3A_1093 = arith.constant 0 : i32
      %dma_start3A_1094 = tpu.memref_slice %arg2[%dma_start3A_1092, %dma_start3A_1093] : memref<8192x64xf32, #tpu.memory_space<hbm>> -> memref<8192x64xf32, #tpu.memory_space<hbm>>
      tpu.enqueue_indirect_dma source(%dma_start3A_1094 : memref<8192x64xf32, #tpu.memory_space<hbm>>) target(%dma_start3A_1088 : memref<128x64xf32, #tpu.memory_space<vmem>>) offsets(%dma_start3A_1091 : memref<128xi32, #tpu.memory_space<vmem>>) semaphore(%arg13 : memref<!tpu.dma_semaphore, #tpu.memory_space<semaphore_mem>>)
      %dma_wait3A_1095 = arith.constant 1 : i32
      %dma_wait3A_1096 = arith.constant 0 : i32
      %dma_wait3A_1097 = tpu.memref_slice %arg7[%dma_wait3A_1095, %dma_wait3A_1096] : memref<4x256xi32, #tpu.memory_space<vmem>> -> memref<1x256xi32, #tpu.memory_space<vmem>>
      %dma_wait3A_1098 = tpu.memref_squeeze %dma_wait3A_1097 : memref<1x256xi32, #tpu.memory_space<vmem>> -> memref<256xi32, #tpu.memory_space<vmem>>
      %dma_wait3A_1099 = arith.constant 0 : i32
      %dma_wait3A_1100 = tpu.memref_slice %arg4[%dma_wait3A_1099] : memref<204800xi32, #tpu.memory_space<hbm>> -> memref<256xi32, #tpu.memory_space<hbm>>
      %dma_wait3A_1101 = arith.constant 0 : i32
      %dma_wait3A_1102 = tpu.memref_slice %arg7[%dma_wait3A_1095, %dma_wait3A_1101] : memref<4x256xi32, #tpu.memory_space<vmem>> -> memref<1x256xi32, #tpu.memory_space<vmem>>
      %dma_wait3A_1103 = tpu.memref_squeeze %dma_wait3A_1102 : memref<1x256xi32, #tpu.memory_space<vmem>> -> memref<256xi32, #tpu.memory_space<vmem>>
      %dma_wait3A_1104 = arith.constant 0 : i32
      %dma_wait3A_1105 = tpu.memref_slice %arg4[%dma_wait3A_1104] : memref<204800xi32, #tpu.memory_space<hbm>> -> memref<256xi32, #tpu.memory_space<hbm>>
      tpu.wait_dma2 semaphore(%arg10 : memref<!tpu.dma_semaphore, #tpu.memory_space<semaphore_mem>>) src(%dma_wait3A_1105 : memref<256xi32, #tpu.memory_space<hbm>>) dst(%dma_wait3A_1103 : memref<256xi32, #tpu.memory_space<vmem>>)
      %dma_wait3A_1106 = arith.constant 1 : i32
      %dma_wait3A_1107 = arith.constant 0 : i32
      %dma_wait3A_1108 = arith.constant 0 : i32
      %dma_wait3A_1109 = tpu.memref_slice %arg8[%dma_wait3A_1106, %dma_wait3A_1107, %dma_wait3A_1108] : memref<4x256x64xf32, #tpu.memory_space<vmem>> -> memref<1x256x64xf32, #tpu.memory_space<vmem>>
      %dma_wait3A_1110 = tpu.memref_squeeze %dma_wait3A_1109 : memref<1x256x64xf32, #tpu.memory_space<vmem>> -> memref<256x64xf32, #tpu.memory_space<vmem>>
      %dma_wait3A_1111 = arith.constant 0 : i32
      %dma_wait3A_1112 = arith.constant 0 : i32
      %dma_wait3A_1113 = tpu.memref_slice %arg6[%dma_wait3A_1111, %dma_wait3A_1112] : memref<204800x64xf32, #tpu.memory_space<hbm>> -> memref<256x64xf32, #tpu.memory_space<hbm>>
      %dma_wait3A_1114 = arith.constant 0 : i32
      %dma_wait3A_1115 = arith.constant 0 : i32
      %dma_wait3A_1116 = tpu.memref_slice %arg6[%dma_wait3A_1114, %dma_wait3A_1115] : memref<204800x64xf32, #tpu.memory_space<hbm>> -> memref<256x64xf32, #tpu.memory_space<hbm>>
      %dma_wait3A_1117 = arith.constant 0 : i32
      %dma_wait3A_1118 = arith.constant 0 : i32
      %dma_wait3A_1119 = tpu.memref_slice %arg8[%dma_wait3A_1106, %dma_wait3A_1117, %dma_wait3A_1118] : memref<4x256x64xf32, #tpu.memory_space<vmem>> -> memref<1x256x64xf32, #tpu.memory_space<vmem>>
      %dma_wait3A_1120 = tpu.memref_squeeze %dma_wait3A_1119 : memref<1x256x64xf32, #tpu.memory_space<vmem>> -> memref<256x64xf32, #tpu.memory_space<vmem>>
      tpu.wait_dma2 semaphore(%arg18 : memref<!tpu.dma_semaphore, #tpu.memory_space<semaphore_mem>>) src(%dma_wait3A_1120 : memref<256x64xf32, #tpu.memory_space<vmem>>) dst(%dma_wait3A_1116 : memref<256x64xf32, #tpu.memory_space<hbm>>)
      %dma_start3A_1121 = arith.constant 1 : i32
      %dma_start3A_1122 = arith.constant 1 : i32
      %dma_start3A_1123 = arith.constant 0 : i32
      %dma_start3A_1124 = arith.constant 0 : i32
      %dma_start3A_1125 = tpu.memref_slice %arg8[%dma_start3A_1122, %dma_start3A_1123, %dma_start3A_1124] : memref<4x256x64xf32, #tpu.memory_space<vmem>> -> memref<1x128x64xf32, #tpu.memory_space<vmem>>
      %dma_start3A_1126 = tpu.memref_squeeze %dma_start3A_1125 : memref<1x128x64xf32, #tpu.memory_space<vmem>> -> memref<128x64xf32, #tpu.memory_space<vmem>>
      %dma_start3A_1127 = arith.constant 0 : i32
      %dma_start3A_1128 = tpu.memref_slice %arg7[%dma_start3A_1121, %dma_start3A_1127] : memref<4x256xi32, #tpu.memory_space<vmem>> -> memref<1x128xi32, #tpu.memory_space<vmem>>
      %dma_start3A_1129 = tpu.memref_squeeze %dma_start3A_1128 : memref<1x128xi32, #tpu.memory_space<vmem>> -> memref<128xi32, #tpu.memory_space<vmem>>
      %dma_start3A_1130 = arith.constant 0 : i32
      %dma_start3A_1131 = arith.constant 0 : i32
      %dma_start3A_1132 = tpu.memref_slice %arg2[%dma_start3A_1130, %dma_start3A_1131] : memref<8192x64xf32, #tpu.memory_space<hbm>> -> memref<8192x64xf32, #tpu.memory_space<hbm>>
      tpu.enqueue_indirect_dma source(%dma_start3A_1132 : memref<8192x64xf32, #tpu.memory_space<hbm>>) target(%dma_start3A_1126 : memref<128x64xf32, #tpu.memory_space<vmem>>) offsets(%dma_start3A_1129 : memref<128xi32, #tpu.memory_space<vmem>>) semaphore(%arg14 : memref<!tpu.dma_semaphore, #tpu.memory_space<semaphore_mem>>)
      %dma_start3A_1133 = arith.constant 1 : i32
      %dma_start3A_1134 = arith.constant 1 : i32
      %dma_start3A_1135 = arith.constant 128 : i32
      %dma_start3A_1136 = arith.constant 0 : i32
      %dma_start3A_1137 = tpu.memref_slice %arg8[%dma_start3A_1134, %dma_start3A_1135, %dma_start3A_1136] : memref<4x256x64xf32, #tpu.memory_space<vmem>> -> memref<1x128x64xf32, #tpu.memory_space<vmem>>
      %dma_start3A_1138 = tpu.memref_squeeze %dma_start3A_1137 : memref<1x128x64xf32, #tpu.memory_space<vmem>> -> memref<128x64xf32, #tpu.memory_space<vmem>>
      %dma_start3A_1139 = arith.constant 128 : i32
      %dma_start3A_1140 = tpu.memref_slice %arg7[%dma_start3A_1133, %dma_start3A_1139] : memref<4x256xi32, #tpu.memory_space<vmem>> -> memref<1x128xi32, #tpu.memory_space<vmem>>
      %dma_start3A_1141 = tpu.memref_squeeze %dma_start3A_1140 : memref<1x128xi32, #tpu.memory_space<vmem>> -> memref<128xi32, #tpu.memory_space<vmem>>
      %dma_start3A_1142 = arith.constant 0 : i32
      %dma_start3A_1143 = arith.constant 0 : i32
      %dma_start3A_1144 = tpu.memref_slice %arg2[%dma_start3A_1142, %dma_start3A_1143] : memref<8192x64xf32, #tpu.memory_space<hbm>> -> memref<8192x64xf32, #tpu.memory_space<hbm>>
      tpu.enqueue_indirect_dma source(%dma_start3A_1144 : memref<8192x64xf32, #tpu.memory_space<hbm>>) target(%dma_start3A_1138 : memref<128x64xf32, #tpu.memory_space<vmem>>) offsets(%dma_start3A_1141 : memref<128xi32, #tpu.memory_space<vmem>>) semaphore(%arg14 : memref<!tpu.dma_semaphore, #tpu.memory_space<semaphore_mem>>)
      %dma_wait3A_1145 = arith.constant 2 : i32
      %dma_wait3A_1146 = arith.constant 0 : i32
      %dma_wait3A_1147 = tpu.memref_slice %arg7[%dma_wait3A_1145, %dma_wait3A_1146] : memref<4x256xi32, #tpu.memory_space<vmem>> -> memref<1x256xi32, #tpu.memory_space<vmem>>
      %dma_wait3A_1148 = tpu.memref_squeeze %dma_wait3A_1147 : memref<1x256xi32, #tpu.memory_space<vmem>> -> memref<256xi32, #tpu.memory_space<vmem>>
      %dma_wait3A_1149 = arith.constant 0 : i32
      %dma_wait3A_1150 = tpu.memref_slice %arg4[%dma_wait3A_1149] : memref<204800xi32, #tpu.memory_space<hbm>> -> memref<256xi32, #tpu.memory_space<hbm>>
      %dma_wait3A_1151 = arith.constant 0 : i32
      %dma_wait3A_1152 = tpu.memref_slice %arg7[%dma_wait3A_1145, %dma_wait3A_1151] : memref<4x256xi32, #tpu.memory_space<vmem>> -> memref<1x256xi32, #tpu.memory_space<vmem>>
      %dma_wait3A_1153 = tpu.memref_squeeze %dma_wait3A_1152 : memref<1x256xi32, #tpu.memory_space<vmem>> -> memref<256xi32, #tpu.memory_space<vmem>>
      %dma_wait3A_1154 = arith.constant 0 : i32
      %dma_wait3A_1155 = tpu.memref_slice %arg4[%dma_wait3A_1154] : memref<204800xi32, #tpu.memory_space<hbm>> -> memref<256xi32, #tpu.memory_space<hbm>>
      tpu.wait_dma2 semaphore(%arg11 : memref<!tpu.dma_semaphore, #tpu.memory_space<semaphore_mem>>) src(%dma_wait3A_1155 : memref<256xi32, #tpu.memory_space<hbm>>) dst(%dma_wait3A_1153 : memref<256xi32, #tpu.memory_space<vmem>>)
      %dma_wait3A_1156 = arith.constant 2 : i32
      %dma_wait3A_1157 = arith.constant 0 : i32
      %dma_wait3A_1158 = arith.constant 0 : i32
      %dma_wait3A_1159 = tpu.memref_slice %arg8[%dma_wait3A_1156, %dma_wait3A_1157, %dma_wait3A_1158] : memref<4x256x64xf32, #tpu.memory_space<vmem>> -> memref<1x256x64xf32, #tpu.memory_space<vmem>>
      %dma_wait3A_1160 = tpu.memref_squeeze %dma_wait3A_1159 : memref<1x256x64xf32, #tpu.memory_space<vmem>> -> memref<256x64xf32, #tpu.memory_space<vmem>>
      %dma_wait3A_1161 = arith.constant 0 : i32
      %dma_wait3A_1162 = arith.constant 0 : i32
      %dma_wait3A_1163 = tpu.memref_slice %arg6[%dma_wait3A_1161, %dma_wait3A_1162] : memref<204800x64xf32, #tpu.memory_space<hbm>> -> memref<256x64xf32, #tpu.memory_space<hbm>>
      %dma_wait3A_1164 = arith.constant 0 : i32
      %dma_wait3A_1165 = arith.constant 0 : i32
      %dma_wait3A_1166 = tpu.memref_slice %arg6[%dma_wait3A_1164, %dma_wait3A_1165] : memref<204800x64xf32, #tpu.memory_space<hbm>> -> memref<256x64xf32, #tpu.memory_space<hbm>>
      %dma_wait3A_1167 = arith.constant 0 : i32
      %dma_wait3A_1168 = arith.constant 0 : i32
      %dma_wait3A_1169 = tpu.memref_slice %arg8[%dma_wait3A_1156, %dma_wait3A_1167, %dma_wait3A_1168] : memref<4x256x64xf32, #tpu.memory_space<vmem>> -> memref<1x256x64xf32, #tpu.memory_space<vmem>>
      %dma_wait3A_1170 = tpu.memref_squeeze %dma_wait3A_1169 : memref<1x256x64xf32, #tpu.memory_space<vmem>> -> memref<256x64xf32, #tpu.memory_space<vmem>>
      tpu.wait_dma2 semaphore(%arg19 : memref<!tpu.dma_semaphore, #tpu.memory_space<semaphore_mem>>) src(%dma_wait3A_1170 : memref<256x64xf32, #tpu.memory_space<vmem>>) dst(%dma_wait3A_1166 : memref<256x64xf32, #tpu.memory_space<hbm>>)
      %dma_start3A_1171 = arith.constant 2 : i32
      %dma_start3A_1172 = arith.constant 2 : i32
      %dma_start3A_1173 = arith.constant 0 : i32
      %dma_start3A_1174 = arith.constant 0 : i32
      %dma_start3A_1175 = tpu.memref_slice %arg8[%dma_start3A_1172, %dma_start3A_1173, %dma_start3A_1174] : memref<4x256x64xf32, #tpu.memory_space<vmem>> -> memref<1x128x64xf32, #tpu.memory_space<vmem>>
      %dma_start3A_1176 = tpu.memref_squeeze %dma_start3A_1175 : memref<1x128x64xf32, #tpu.memory_space<vmem>> -> memref<128x64xf32, #tpu.memory_space<vmem>>
      %dma_start3A_1177 = arith.constant 0 : i32
      %dma_start3A_1178 = tpu.memref_slice %arg7[%dma_start3A_1171, %dma_start3A_1177] : memref<4x256xi32, #tpu.memory_space<vmem>> -> memref<1x128xi32, #tpu.memory_space<vmem>>
      %dma_start3A_1179 = tpu.memref_squeeze %dma_start3A_1178 : memref<1x128xi32, #tpu.memory_space<vmem>> -> memref<128xi32, #tpu.memory_space<vmem>>
      %dma_start3A_1180 = arith.constant 0 : i32
      %dma_start3A_1181 = arith.constant 0 : i32
      %dma_start3A_1182 = tpu.memref_slice %arg2[%dma_start3A_1180, %dma_start3A_1181] : memref<8192x64xf32, #tpu.memory_space<hbm>> -> memref<8192x64xf32, #tpu.memory_space<hbm>>
      tpu.enqueue_indirect_dma source(%dma_start3A_1182 : memref<8192x64xf32, #tpu.memory_space<hbm>>) target(%dma_start3A_1176 : memref<128x64xf32, #tpu.memory_space<vmem>>) offsets(%dma_start3A_1179 : memref<128xi32, #tpu.memory_space<vmem>>) semaphore(%arg15 : memref<!tpu.dma_semaphore, #tpu.memory_space<semaphore_mem>>)
      %dma_start3A_1183 = arith.constant 2 : i32
      %dma_start3A_1184 = arith.constant 2 : i32
      %dma_start3A_1185 = arith.constant 128 : i32
      %dma_start3A_1186 = arith.constant 0 : i32
      %dma_start3A_1187 = tpu.memref_slice %arg8[%dma_start3A_1184, %dma_start3A_1185, %dma_start3A_1186] : memref<4x256x64xf32, #tpu.memory_space<vmem>> -> memref<1x128x64xf32, #tpu.memory_space<vmem>>
      %dma_start3A_1188 = tpu.memref_squeeze %dma_start3A_1187 : memref<1x128x64xf32, #tpu.memory_space<vmem>> -> memref<128x64xf32, #tpu.memory_space<vmem>>
      %dma_start3A_1189 = arith.constant 128 : i32
      %dma_start3A_1190 = tpu.memref_slice %arg7[%dma_start3A_1183, %dma_start3A_1189] : memref<4x256xi32, #tpu.memory_space<vmem>> -> memref<1x128xi32, #tpu.memory_space<vmem>>
      %dma_start3A_1191 = tpu.memref_squeeze %dma_start3A_1190 : memref<1x128xi32, #tpu.memory_space<vmem>> -> memref<128xi32, #tpu.memory_space<vmem>>
      %dma_start3A_1192 = arith.constant 0 : i32
      %dma_start3A_1193 = arith.constant 0 : i32
      %dma_start3A_1194 = tpu.memref_slice %arg2[%dma_start3A_1192, %dma_start3A_1193] : memref<8192x64xf32, #tpu.memory_space<hbm>> -> memref<8192x64xf32, #tpu.memory_space<hbm>>
      tpu.enqueue_indirect_dma source(%dma_start3A_1194 : memref<8192x64xf32, #tpu.memory_space<hbm>>) target(%dma_start3A_1188 : memref<128x64xf32, #tpu.memory_space<vmem>>) offsets(%dma_start3A_1191 : memref<128xi32, #tpu.memory_space<vmem>>) semaphore(%arg15 : memref<!tpu.dma_semaphore, #tpu.memory_space<semaphore_mem>>)
      %dma_wait3A_1195 = arith.constant 3 : i32
      %dma_wait3A_1196 = arith.constant 0 : i32
      %dma_wait3A_1197 = tpu.memref_slice %arg7[%dma_wait3A_1195, %dma_wait3A_1196] : memref<4x256xi32, #tpu.memory_space<vmem>> -> memref<1x256xi32, #tpu.memory_space<vmem>>
      %dma_wait3A_1198 = tpu.memref_squeeze %dma_wait3A_1197 : memref<1x256xi32, #tpu.memory_space<vmem>> -> memref<256xi32, #tpu.memory_space<vmem>>
      %dma_wait3A_1199 = arith.constant 0 : i32
      %dma_wait3A_1200 = tpu.memref_slice %arg4[%dma_wait3A_1199] : memref<204800xi32, #tpu.memory_space<hbm>> -> memref<256xi32, #tpu.memory_space<hbm>>
      %dma_wait3A_1201 = arith.constant 0 : i32
      %dma_wait3A_1202 = tpu.memref_slice %arg7[%dma_wait3A_1195, %dma_wait3A_1201] : memref<4x256xi32, #tpu.memory_space<vmem>> -> memref<1x256xi32, #tpu.memory_space<vmem>>
      %dma_wait3A_1203 = tpu.memref_squeeze %dma_wait3A_1202 : memref<1x256xi32, #tpu.memory_space<vmem>> -> memref<256xi32, #tpu.memory_space<vmem>>
      %dma_wait3A_1204 = arith.constant 0 : i32
      %dma_wait3A_1205 = tpu.memref_slice %arg4[%dma_wait3A_1204] : memref<204800xi32, #tpu.memory_space<hbm>> -> memref<256xi32, #tpu.memory_space<hbm>>
      tpu.wait_dma2 semaphore(%arg12 : memref<!tpu.dma_semaphore, #tpu.memory_space<semaphore_mem>>) src(%dma_wait3A_1205 : memref<256xi32, #tpu.memory_space<hbm>>) dst(%dma_wait3A_1203 : memref<256xi32, #tpu.memory_space<vmem>>)
      %dma_wait3A_1206 = arith.constant 3 : i32
      %dma_wait3A_1207 = arith.constant 0 : i32
      %dma_wait3A_1208 = arith.constant 0 : i32
      %dma_wait3A_1209 = tpu.memref_slice %arg8[%dma_wait3A_1206, %dma_wait3A_1207, %dma_wait3A_1208] : memref<4x256x64xf32, #tpu.memory_space<vmem>> -> memref<1x256x64xf32, #tpu.memory_space<vmem>>
      %dma_wait3A_1210 = tpu.memref_squeeze %dma_wait3A_1209 : memref<1x256x64xf32, #tpu.memory_space<vmem>> -> memref<256x64xf32, #tpu.memory_space<vmem>>
      %dma_wait3A_1211 = arith.constant 0 : i32
      %dma_wait3A_1212 = arith.constant 0 : i32
      %dma_wait3A_1213 = tpu.memref_slice %arg6[%dma_wait3A_1211, %dma_wait3A_1212] : memref<204800x64xf32, #tpu.memory_space<hbm>> -> memref<256x64xf32, #tpu.memory_space<hbm>>
      %dma_wait3A_1214 = arith.constant 0 : i32
      %dma_wait3A_1215 = arith.constant 0 : i32
      %dma_wait3A_1216 = tpu.memref_slice %arg6[%dma_wait3A_1214, %dma_wait3A_1215] : memref<204800x64xf32, #tpu.memory_space<hbm>> -> memref<256x64xf32, #tpu.memory_space<hbm>>
      %dma_wait3A_1217 = arith.constant 0 : i32
      %dma_wait3A_1218 = arith.constant 0 : i32
      %dma_wait3A_1219 = tpu.memref_slice %arg8[%dma_wait3A_1206, %dma_wait3A_1217, %dma_wait3A_1218] : memref<4x256x64xf32, #tpu.memory_space<vmem>> -> memref<1x256x64xf32, #tpu.memory_space<vmem>>
      %dma_wait3A_1220 = tpu.memref_squeeze %dma_wait3A_1219 : memref<1x256x64xf32, #tpu.memory_space<vmem>> -> memref<256x64xf32, #tpu.memory_space<vmem>>
      tpu.wait_dma2 semaphore(%arg20 : memref<!tpu.dma_semaphore, #tpu.memory_space<semaphore_mem>>) src(%dma_wait3A_1220 : memref<256x64xf32, #tpu.memory_space<vmem>>) dst(%dma_wait3A_1216 : memref<256x64xf32, #tpu.memory_space<hbm>>)
      %dma_start3A_1221 = arith.constant 3 : i32
      %dma_start3A_1222 = arith.constant 3 : i32
      %dma_start3A_1223 = arith.constant 0 : i32
      %dma_start3A_1224 = arith.constant 0 : i32
      %dma_start3A_1225 = tpu.memref_slice %arg8[%dma_start3A_1222, %dma_start3A_1223, %dma_start3A_1224] : memref<4x256x64xf32, #tpu.memory_space<vmem>> -> memref<1x128x64xf32, #tpu.memory_space<vmem>>
      %dma_start3A_1226 = tpu.memref_squeeze %dma_start3A_1225 : memref<1x128x64xf32, #tpu.memory_space<vmem>> -> memref<128x64xf32, #tpu.memory_space<vmem>>
      %dma_start3A_1227 = arith.constant 0 : i32
      %dma_start3A_1228 = tpu.memref_slice %arg7[%dma_start3A_1221, %dma_start3A_1227] : memref<4x256xi32, #tpu.memory_space<vmem>> -> memref<1x128xi32, #tpu.memory_space<vmem>>
      %dma_start3A_1229 = tpu.memref_squeeze %dma_start3A_1228 : memref<1x128xi32, #tpu.memory_space<vmem>> -> memref<128xi32, #tpu.memory_space<vmem>>
      %dma_start3A_1230 = arith.constant 0 : i32
      %dma_start3A_1231 = arith.constant 0 : i32
      %dma_start3A_1232 = tpu.memref_slice %arg2[%dma_start3A_1230, %dma_start3A_1231] : memref<8192x64xf32, #tpu.memory_space<hbm>> -> memref<8192x64xf32, #tpu.memory_space<hbm>>
      tpu.enqueue_indirect_dma source(%dma_start3A_1232 : memref<8192x64xf32, #tpu.memory_space<hbm>>) target(%dma_start3A_1226 : memref<128x64xf32, #tpu.memory_space<vmem>>) offsets(%dma_start3A_1229 : memref<128xi32, #tpu.memory_space<vmem>>) semaphore(%arg16 : memref<!tpu.dma_semaphore, #tpu.memory_space<semaphore_mem>>)
      %dma_start3A_1233 = arith.constant 3 : i32
      %dma_start3A_1234 = arith.constant 3 : i32
      %dma_start3A_1235 = arith.constant 128 : i32
      %dma_start3A_1236 = arith.constant 0 : i32
      %dma_start3A_1237 = tpu.memref_slice %arg8[%dma_start3A_1234, %dma_start3A_1235, %dma_start3A_1236] : memref<4x256x64xf32, #tpu.memory_space<vmem>> -> memref<1x128x64xf32, #tpu.memory_space<vmem>>
      %dma_start3A_1238 = tpu.memref_squeeze %dma_start3A_1237 : memref<1x128x64xf32, #tpu.memory_space<vmem>> -> memref<128x64xf32, #tpu.memory_space<vmem>>
      %dma_start3A_1239 = arith.constant 128 : i32
      %dma_start3A_1240 = tpu.memref_slice %arg7[%dma_start3A_1233, %dma_start3A_1239] : memref<4x256xi32, #tpu.memory_space<vmem>> -> memref<1x128xi32, #tpu.memory_space<vmem>>
      %dma_start3A_1241 = tpu.memref_squeeze %dma_start3A_1240 : memref<1x128xi32, #tpu.memory_space<vmem>> -> memref<128xi32, #tpu.memory_space<vmem>>
      %dma_start3A_1242 = arith.constant 0 : i32
      %dma_start3A_1243 = arith.constant 0 : i32
      %dma_start3A_1244 = tpu.memref_slice %arg2[%dma_start3A_1242, %dma_start3A_1243] : memref<8192x64xf32, #tpu.memory_space<hbm>> -> memref<8192x64xf32, #tpu.memory_space<hbm>>
      tpu.enqueue_indirect_dma source(%dma_start3A_1244 : memref<8192x64xf32, #tpu.memory_space<hbm>>) target(%dma_start3A_1238 : memref<128x64xf32, #tpu.memory_space<vmem>>) offsets(%dma_start3A_1241 : memref<128xi32, #tpu.memory_space<vmem>>) semaphore(%arg16 : memref<!tpu.dma_semaphore, #tpu.memory_space<semaphore_mem>>)
    }
    %scan3A_561 = arith.constant 5 : i32
    %dma_wait3A_562 = arith.constant 0 : i32
    %dma_wait3A_563 = arith.constant 0 : i32
    %dma_wait3A_564 = arith.constant 0 : i32
    %dma_wait3A_565 = tpu.memref_slice %arg8[%dma_wait3A_562, %dma_wait3A_563, %dma_wait3A_564] : memref<4x256x64xf32, #tpu.memory_space<vmem>> -> memref<1x256x64xf32, #tpu.memory_space<vmem>>
    %dma_wait3A_566 = tpu.memref_squeeze %dma_wait3A_565 : memref<1x256x64xf32, #tpu.memory_space<vmem>> -> memref<256x64xf32, #tpu.memory_space<vmem>>
    %dma_wait3A_567 = arith.constant 0 : i32
    %dma_wait3A_568 = arith.constant 0 : i32
    %dma_wait3A_569 = tpu.memref_slice %arg6[%dma_wait3A_567, %dma_wait3A_568] : memref<204800x64xf32, #tpu.memory_space<hbm>> -> memref<256x64xf32, #tpu.memory_space<hbm>>
    %dma_wait3A_570 = arith.constant 0 : i32
    %dma_wait3A_571 = arith.constant 0 : i32
    %dma_wait3A_572 = tpu.memref_slice %arg8[%dma_wait3A_562, %dma_wait3A_570, %dma_wait3A_571] : memref<4x256x64xf32, #tpu.memory_space<vmem>> -> memref<1x256x64xf32, #tpu.memory_space<vmem>>
    %dma_wait3A_573 = tpu.memref_squeeze %dma_wait3A_572 : memref<1x256x64xf32, #tpu.memory_space<vmem>> -> memref<256x64xf32, #tpu.memory_space<vmem>>
    %dma_wait3A_574 = arith.constant 0 : i32
    %dma_wait3A_575 = arith.constant 0 : i32
    %dma_wait3A_576 = tpu.memref_slice %arg6[%dma_wait3A_574, %dma_wait3A_575] : memref<204800x64xf32, #tpu.memory_space<hbm>> -> memref<256x64xf32, #tpu.memory_space<hbm>>
    tpu.wait_dma2 semaphore(%arg13 : memref<!tpu.dma_semaphore, #tpu.memory_space<semaphore_mem>>) src(%dma_wait3A_576 : memref<256x64xf32, #tpu.memory_space<hbm>>) dst(%dma_wait3A_573 : memref<256x64xf32, #tpu.memory_space<vmem>>)
    %add3A_577 = arith.constant 5120 : i32
    %add3A_578 = arith.addi %mul3A_371, %add3A_577 : i32
    %dma_start3A_579 = arith.constant 0 : i32
    %dma_start3A_580 = arith.constant 0 : i32
    %dma_start3A_581 = arith.constant 0 : i32
    %dma_start3A_582 = tpu.memref_slice %arg8[%dma_start3A_579, %dma_start3A_580, %dma_start3A_581] : memref<4x256x64xf32, #tpu.memory_space<vmem>> -> memref<1x256x64xf32, #tpu.memory_space<vmem>>
    %dma_start3A_583 = tpu.memref_squeeze %dma_start3A_582 : memref<1x256x64xf32, #tpu.memory_space<vmem>> -> memref<256x64xf32, #tpu.memory_space<vmem>>
    %dma_start3A_584 = arith.constant 0 : i32
    %dma_start3A_585 = tpu.memref_slice %arg6[%add3A_578, %dma_start3A_584] : memref<204800x64xf32, #tpu.memory_space<hbm>> -> memref<256x64xf32, #tpu.memory_space<hbm>>
    %dma_start3A_586 = arith.constant 0 : i32
    %dma_start3A_587 = tpu.memref_slice %arg6[%add3A_578, %dma_start3A_586] : memref<204800x64xf32, #tpu.memory_space<hbm>> -> memref<256x64xf32, #tpu.memory_space<hbm>>
    %dma_start3A_588 = arith.constant 0 : i32
    %dma_start3A_589 = arith.constant 0 : i32
    %dma_start3A_590 = tpu.memref_slice %arg8[%dma_start3A_579, %dma_start3A_588, %dma_start3A_589] : memref<4x256x64xf32, #tpu.memory_space<vmem>> -> memref<1x256x64xf32, #tpu.memory_space<vmem>>
    %dma_start3A_591 = tpu.memref_squeeze %dma_start3A_590 : memref<1x256x64xf32, #tpu.memory_space<vmem>> -> memref<256x64xf32, #tpu.memory_space<vmem>>
    tpu.enqueue_dma source(%dma_start3A_591 : memref<256x64xf32, #tpu.memory_space<vmem>>) target(%dma_start3A_587 : memref<256x64xf32, #tpu.memory_space<hbm>>) target_semaphore(%arg17 : memref<!tpu.dma_semaphore, #tpu.memory_space<semaphore_mem>>)
    %dma_wait3A_592 = arith.constant 1 : i32
    %dma_wait3A_593 = arith.constant 0 : i32
    %dma_wait3A_594 = arith.constant 0 : i32
    %dma_wait3A_595 = tpu.memref_slice %arg8[%dma_wait3A_592, %dma_wait3A_593, %dma_wait3A_594] : memref<4x256x64xf32, #tpu.memory_space<vmem>> -> memref<1x256x64xf32, #tpu.memory_space<vmem>>
    %dma_wait3A_596 = tpu.memref_squeeze %dma_wait3A_595 : memref<1x256x64xf32, #tpu.memory_space<vmem>> -> memref<256x64xf32, #tpu.memory_space<vmem>>
    %dma_wait3A_597 = arith.constant 0 : i32
    %dma_wait3A_598 = arith.constant 0 : i32
    %dma_wait3A_599 = tpu.memref_slice %arg6[%dma_wait3A_597, %dma_wait3A_598] : memref<204800x64xf32, #tpu.memory_space<hbm>> -> memref<256x64xf32, #tpu.memory_space<hbm>>
    %dma_wait3A_600 = arith.constant 0 : i32
    %dma_wait3A_601 = arith.constant 0 : i32
    %dma_wait3A_602 = tpu.memref_slice %arg8[%dma_wait3A_592, %dma_wait3A_600, %dma_wait3A_601] : memref<4x256x64xf32, #tpu.memory_space<vmem>> -> memref<1x256x64xf32, #tpu.memory_space<vmem>>
    %dma_wait3A_603 = tpu.memref_squeeze %dma_wait3A_602 : memref<1x256x64xf32, #tpu.memory_space<vmem>> -> memref<256x64xf32, #tpu.memory_space<vmem>>
    %dma_wait3A_604 = arith.constant 0 : i32
    %dma_wait3A_605 = arith.constant 0 : i32
    %dma_wait3A_606 = tpu.memref_slice %arg6[%dma_wait3A_604, %dma_wait3A_605] : memref<204800x64xf32, #tpu.memory_space<hbm>> -> memref<256x64xf32, #tpu.memory_space<hbm>>
    tpu.wait_dma2 semaphore(%arg14 : memref<!tpu.dma_semaphore, #tpu.memory_space<semaphore_mem>>) src(%dma_wait3A_606 : memref<256x64xf32, #tpu.memory_space<hbm>>) dst(%dma_wait3A_603 : memref<256x64xf32, #tpu.memory_space<vmem>>)
    %add3A_607 = arith.constant 5376 : i32
    %add3A_608 = arith.addi %mul3A_371, %add3A_607 : i32
    %dma_start3A_609 = arith.constant 1 : i32
    %dma_start3A_610 = arith.constant 0 : i32
    %dma_start3A_611 = arith.constant 0 : i32
    %dma_start3A_612 = tpu.memref_slice %arg8[%dma_start3A_609, %dma_start3A_610, %dma_start3A_611] : memref<4x256x64xf32, #tpu.memory_space<vmem>> -> memref<1x256x64xf32, #tpu.memory_space<vmem>>
    %dma_start3A_613 = tpu.memref_squeeze %dma_start3A_612 : memref<1x256x64xf32, #tpu.memory_space<vmem>> -> memref<256x64xf32, #tpu.memory_space<vmem>>
    %dma_start3A_614 = arith.constant 0 : i32
    %dma_start3A_615 = tpu.memref_slice %arg6[%add3A_608, %dma_start3A_614] : memref<204800x64xf32, #tpu.memory_space<hbm>> -> memref<256x64xf32, #tpu.memory_space<hbm>>
    %dma_start3A_616 = arith.constant 0 : i32
    %dma_start3A_617 = tpu.memref_slice %arg6[%add3A_608, %dma_start3A_616] : memref<204800x64xf32, #tpu.memory_space<hbm>> -> memref<256x64xf32, #tpu.memory_space<hbm>>
    %dma_start3A_618 = arith.constant 0 : i32
    %dma_start3A_619 = arith.constant 0 : i32
    %dma_start3A_620 = tpu.memref_slice %arg8[%dma_start3A_609, %dma_start3A_618, %dma_start3A_619] : memref<4x256x64xf32, #tpu.memory_space<vmem>> -> memref<1x256x64xf32, #tpu.memory_space<vmem>>
    %dma_start3A_621 = tpu.memref_squeeze %dma_start3A_620 : memref<1x256x64xf32, #tpu.memory_space<vmem>> -> memref<256x64xf32, #tpu.memory_space<vmem>>
    tpu.enqueue_dma source(%dma_start3A_621 : memref<256x64xf32, #tpu.memory_space<vmem>>) target(%dma_start3A_617 : memref<256x64xf32, #tpu.memory_space<hbm>>) target_semaphore(%arg18 : memref<!tpu.dma_semaphore, #tpu.memory_space<semaphore_mem>>)
    %dma_wait3A_622 = arith.constant 2 : i32
    %dma_wait3A_623 = arith.constant 0 : i32
    %dma_wait3A_624 = arith.constant 0 : i32
    %dma_wait3A_625 = tpu.memref_slice %arg8[%dma_wait3A_622, %dma_wait3A_623, %dma_wait3A_624] : memref<4x256x64xf32, #tpu.memory_space<vmem>> -> memref<1x256x64xf32, #tpu.memory_space<vmem>>
    %dma_wait3A_626 = tpu.memref_squeeze %dma_wait3A_625 : memref<1x256x64xf32, #tpu.memory_space<vmem>> -> memref<256x64xf32, #tpu.memory_space<vmem>>
    %dma_wait3A_627 = arith.constant 0 : i32
    %dma_wait3A_628 = arith.constant 0 : i32
    %dma_wait3A_629 = tpu.memref_slice %arg6[%dma_wait3A_627, %dma_wait3A_628] : memref<204800x64xf32, #tpu.memory_space<hbm>> -> memref<256x64xf32, #tpu.memory_space<hbm>>
    %dma_wait3A_630 = arith.constant 0 : i32
    %dma_wait3A_631 = arith.constant 0 : i32
    %dma_wait3A_632 = tpu.memref_slice %arg8[%dma_wait3A_622, %dma_wait3A_630, %dma_wait3A_631] : memref<4x256x64xf32, #tpu.memory_space<vmem>> -> memref<1x256x64xf32, #tpu.memory_space<vmem>>
    %dma_wait3A_633 = tpu.memref_squeeze %dma_wait3A_632 : memref<1x256x64xf32, #tpu.memory_space<vmem>> -> memref<256x64xf32, #tpu.memory_space<vmem>>
    %dma_wait3A_634 = arith.constant 0 : i32
    %dma_wait3A_635 = arith.constant 0 : i32
    %dma_wait3A_636 = tpu.memref_slice %arg6[%dma_wait3A_634, %dma_wait3A_635] : memref<204800x64xf32, #tpu.memory_space<hbm>> -> memref<256x64xf32, #tpu.memory_space<hbm>>
    tpu.wait_dma2 semaphore(%arg15 : memref<!tpu.dma_semaphore, #tpu.memory_space<semaphore_mem>>) src(%dma_wait3A_636 : memref<256x64xf32, #tpu.memory_space<hbm>>) dst(%dma_wait3A_633 : memref<256x64xf32, #tpu.memory_space<vmem>>)
    %add3A_637 = arith.constant 5632 : i32
    %add3A_638 = arith.addi %mul3A_371, %add3A_637 : i32
    %dma_start3A_639 = arith.constant 2 : i32
    %dma_start3A_640 = arith.constant 0 : i32
    %dma_start3A_641 = arith.constant 0 : i32
    %dma_start3A_642 = tpu.memref_slice %arg8[%dma_start3A_639, %dma_start3A_640, %dma_start3A_641] : memref<4x256x64xf32, #tpu.memory_space<vmem>> -> memref<1x256x64xf32, #tpu.memory_space<vmem>>
    %dma_start3A_643 = tpu.memref_squeeze %dma_start3A_642 : memref<1x256x64xf32, #tpu.memory_space<vmem>> -> memref<256x64xf32, #tpu.memory_space<vmem>>
    %dma_start3A_644 = arith.constant 0 : i32
    %dma_start3A_645 = tpu.memref_slice %arg6[%add3A_638, %dma_start3A_644] : memref<204800x64xf32, #tpu.memory_space<hbm>> -> memref<256x64xf32, #tpu.memory_space<hbm>>
    %dma_start3A_646 = arith.constant 0 : i32
    %dma_start3A_647 = tpu.memref_slice %arg6[%add3A_638, %dma_start3A_646] : memref<204800x64xf32, #tpu.memory_space<hbm>> -> memref<256x64xf32, #tpu.memory_space<hbm>>
    %dma_start3A_648 = arith.constant 0 : i32
    %dma_start3A_649 = arith.constant 0 : i32
    %dma_start3A_650 = tpu.memref_slice %arg8[%dma_start3A_639, %dma_start3A_648, %dma_start3A_649] : memref<4x256x64xf32, #tpu.memory_space<vmem>> -> memref<1x256x64xf32, #tpu.memory_space<vmem>>
    %dma_start3A_651 = tpu.memref_squeeze %dma_start3A_650 : memref<1x256x64xf32, #tpu.memory_space<vmem>> -> memref<256x64xf32, #tpu.memory_space<vmem>>
    tpu.enqueue_dma source(%dma_start3A_651 : memref<256x64xf32, #tpu.memory_space<vmem>>) target(%dma_start3A_647 : memref<256x64xf32, #tpu.memory_space<hbm>>) target_semaphore(%arg19 : memref<!tpu.dma_semaphore, #tpu.memory_space<semaphore_mem>>)
    %dma_wait3A_652 = arith.constant 3 : i32
    %dma_wait3A_653 = arith.constant 0 : i32
    %dma_wait3A_654 = arith.constant 0 : i32
    %dma_wait3A_655 = tpu.memref_slice %arg8[%dma_wait3A_652, %dma_wait3A_653, %dma_wait3A_654] : memref<4x256x64xf32, #tpu.memory_space<vmem>> -> memref<1x256x64xf32, #tpu.memory_space<vmem>>
    %dma_wait3A_656 = tpu.memref_squeeze %dma_wait3A_655 : memref<1x256x64xf32, #tpu.memory_space<vmem>> -> memref<256x64xf32, #tpu.memory_space<vmem>>
    %dma_wait3A_657 = arith.constant 0 : i32
    %dma_wait3A_658 = arith.constant 0 : i32
    %dma_wait3A_659 = tpu.memref_slice %arg6[%dma_wait3A_657, %dma_wait3A_658] : memref<204800x64xf32, #tpu.memory_space<hbm>> -> memref<256x64xf32, #tpu.memory_space<hbm>>
    %dma_wait3A_660 = arith.constant 0 : i32
    %dma_wait3A_661 = arith.constant 0 : i32
    %dma_wait3A_662 = tpu.memref_slice %arg8[%dma_wait3A_652, %dma_wait3A_660, %dma_wait3A_661] : memref<4x256x64xf32, #tpu.memory_space<vmem>> -> memref<1x256x64xf32, #tpu.memory_space<vmem>>
    %dma_wait3A_663 = tpu.memref_squeeze %dma_wait3A_662 : memref<1x256x64xf32, #tpu.memory_space<vmem>> -> memref<256x64xf32, #tpu.memory_space<vmem>>
    %dma_wait3A_664 = arith.constant 0 : i32
    %dma_wait3A_665 = arith.constant 0 : i32
    %dma_wait3A_666 = tpu.memref_slice %arg6[%dma_wait3A_664, %dma_wait3A_665] : memref<204800x64xf32, #tpu.memory_space<hbm>> -> memref<256x64xf32, #tpu.memory_space<hbm>>
    tpu.wait_dma2 semaphore(%arg16 : memref<!tpu.dma_semaphore, #tpu.memory_space<semaphore_mem>>) src(%dma_wait3A_666 : memref<256x64xf32, #tpu.memory_space<hbm>>) dst(%dma_wait3A_663 : memref<256x64xf32, #tpu.memory_space<vmem>>)
    %add3A_667 = arith.constant 5888 : i32
    %add3A_668 = arith.addi %mul3A_371, %add3A_667 : i32
    %dma_start3A_669 = arith.constant 3 : i32
    %dma_start3A_670 = arith.constant 0 : i32
    %dma_start3A_671 = arith.constant 0 : i32
    %dma_start3A_672 = tpu.memref_slice %arg8[%dma_start3A_669, %dma_start3A_670, %dma_start3A_671] : memref<4x256x64xf32, #tpu.memory_space<vmem>> -> memref<1x256x64xf32, #tpu.memory_space<vmem>>
    %dma_start3A_673 = tpu.memref_squeeze %dma_start3A_672 : memref<1x256x64xf32, #tpu.memory_space<vmem>> -> memref<256x64xf32, #tpu.memory_space<vmem>>
    %dma_start3A_674 = arith.constant 0 : i32
    %dma_start3A_675 = tpu.memref_slice %arg6[%add3A_668, %dma_start3A_674] : memref<204800x64xf32, #tpu.memory_space<hbm>> -> memref<256x64xf32, #tpu.memory_space<hbm>>
    %dma_start3A_676 = arith.constant 0 : i32
    %dma_start3A_677 = tpu.memref_slice %arg6[%add3A_668, %dma_start3A_676] : memref<204800x64xf32, #tpu.memory_space<hbm>> -> memref<256x64xf32, #tpu.memory_space<hbm>>
    %dma_start3A_678 = arith.constant 0 : i32
    %dma_start3A_679 = arith.constant 0 : i32
    %dma_start3A_680 = tpu.memref_slice %arg8[%dma_start3A_669, %dma_start3A_678, %dma_start3A_679] : memref<4x256x64xf32, #tpu.memory_space<vmem>> -> memref<1x256x64xf32, #tpu.memory_space<vmem>>
    %dma_start3A_681 = tpu.memref_squeeze %dma_start3A_680 : memref<1x256x64xf32, #tpu.memory_space<vmem>> -> memref<256x64xf32, #tpu.memory_space<vmem>>
    tpu.enqueue_dma source(%dma_start3A_681 : memref<256x64xf32, #tpu.memory_space<vmem>>) target(%dma_start3A_677 : memref<256x64xf32, #tpu.memory_space<hbm>>) target_semaphore(%arg20 : memref<!tpu.dma_semaphore, #tpu.memory_space<semaphore_mem>>)
    %dma_wait3A_682 = arith.constant 0 : i32
    %dma_wait3A_683 = arith.constant 0 : i32
    %dma_wait3A_684 = arith.constant 0 : i32
    %dma_wait3A_685 = tpu.memref_slice %arg8[%dma_wait3A_682, %dma_wait3A_683, %dma_wait3A_684] : memref<4x256x64xf32, #tpu.memory_space<vmem>> -> memref<1x256x64xf32, #tpu.memory_space<vmem>>
    %dma_wait3A_686 = tpu.memref_squeeze %dma_wait3A_685 : memref<1x256x64xf32, #tpu.memory_space<vmem>> -> memref<256x64xf32, #tpu.memory_space<vmem>>
    %dma_wait3A_687 = arith.constant 0 : i32
    %dma_wait3A_688 = arith.constant 0 : i32
    %dma_wait3A_689 = tpu.memref_slice %arg6[%dma_wait3A_687, %dma_wait3A_688] : memref<204800x64xf32, #tpu.memory_space<hbm>> -> memref<256x64xf32, #tpu.memory_space<hbm>>
    %dma_wait3A_690 = arith.constant 0 : i32
    %dma_wait3A_691 = arith.constant 0 : i32
    %dma_wait3A_692 = tpu.memref_slice %arg6[%dma_wait3A_690, %dma_wait3A_691] : memref<204800x64xf32, #tpu.memory_space<hbm>> -> memref<256x64xf32, #tpu.memory_space<hbm>>
    %dma_wait3A_693 = arith.constant 0 : i32
    %dma_wait3A_694 = arith.constant 0 : i32
    %dma_wait3A_695 = tpu.memref_slice %arg8[%dma_wait3A_682, %dma_wait3A_693, %dma_wait3A_694] : memref<4x256x64xf32, #tpu.memory_space<vmem>> -> memref<1x256x64xf32, #tpu.memory_space<vmem>>
    %dma_wait3A_696 = tpu.memref_squeeze %dma_wait3A_695 : memref<1x256x64xf32, #tpu.memory_space<vmem>> -> memref<256x64xf32, #tpu.memory_space<vmem>>
    tpu.wait_dma2 semaphore(%arg17 : memref<!tpu.dma_semaphore, #tpu.memory_space<semaphore_mem>>) src(%dma_wait3A_696 : memref<256x64xf32, #tpu.memory_space<vmem>>) dst(%dma_wait3A_692 : memref<256x64xf32, #tpu.memory_space<hbm>>)
    %dma_wait3A_697 = arith.constant 1 : i32
    %dma_wait3A_698 = arith.constant 0 : i32
    %dma_wait3A_699 = arith.constant 0 : i32
    %dma_wait3A_700 = tpu.memref_slice %arg8[%dma_wait3A_697, %dma_wait3A_698, %dma_wait3A_699] : memref<4x256x64xf32, #tpu.memory_space<vmem>> -> memref<1x256x64xf32, #tpu.memory_space<vmem>>
    %dma_wait3A_701 = tpu.memref_squeeze %dma_wait3A_700 : memref<1x256x64xf32, #tpu.memory_space<vmem>> -> memref<256x64xf32, #tpu.memory_space<vmem>>
    %dma_wait3A_702 = arith.constant 0 : i32
    %dma_wait3A_703 = arith.constant 0 : i32
    %dma_wait3A_704 = tpu.memref_slice %arg6[%dma_wait3A_702, %dma_wait3A_703] : memref<204800x64xf32, #tpu.memory_space<hbm>> -> memref<256x64xf32, #tpu.memory_space<hbm>>
    %dma_wait3A_705 = arith.constant 0 : i32
    %dma_wait3A_706 = arith.constant 0 : i32
    %dma_wait3A_707 = tpu.memref_slice %arg6[%dma_wait3A_705, %dma_wait3A_706] : memref<204800x64xf32, #tpu.memory_space<hbm>> -> memref<256x64xf32, #tpu.memory_space<hbm>>
    %dma_wait3A_708 = arith.constant 0 : i32
    %dma_wait3A_709 = arith.constant 0 : i32
    %dma_wait3A_710 = tpu.memref_slice %arg8[%dma_wait3A_697, %dma_wait3A_708, %dma_wait3A_709] : memref<4x256x64xf32, #tpu.memory_space<vmem>> -> memref<1x256x64xf32, #tpu.memory_space<vmem>>
    %dma_wait3A_711 = tpu.memref_squeeze %dma_wait3A_710 : memref<1x256x64xf32, #tpu.memory_space<vmem>> -> memref<256x64xf32, #tpu.memory_space<vmem>>
    tpu.wait_dma2 semaphore(%arg18 : memref<!tpu.dma_semaphore, #tpu.memory_space<semaphore_mem>>) src(%dma_wait3A_711 : memref<256x64xf32, #tpu.memory_space<vmem>>) dst(%dma_wait3A_707 : memref<256x64xf32, #tpu.memory_space<hbm>>)
    %dma_wait3A_712 = arith.constant 2 : i32
    %dma_wait3A_713 = arith.constant 0 : i32
    %dma_wait3A_714 = arith.constant 0 : i32
    %dma_wait3A_715 = tpu.memref_slice %arg8[%dma_wait3A_712, %dma_wait3A_713, %dma_wait3A_714] : memref<4x256x64xf32, #tpu.memory_space<vmem>> -> memref<1x256x64xf32, #tpu.memory_space<vmem>>
    %dma_wait3A_716 = tpu.memref_squeeze %dma_wait3A_715 : memref<1x256x64xf32, #tpu.memory_space<vmem>> -> memref<256x64xf32, #tpu.memory_space<vmem>>
    %dma_wait3A_717 = arith.constant 0 : i32
    %dma_wait3A_718 = arith.constant 0 : i32
    %dma_wait3A_719 = tpu.memref_slice %arg6[%dma_wait3A_717, %dma_wait3A_718] : memref<204800x64xf32, #tpu.memory_space<hbm>> -> memref<256x64xf32, #tpu.memory_space<hbm>>
    %dma_wait3A_720 = arith.constant 0 : i32
    %dma_wait3A_721 = arith.constant 0 : i32
    %dma_wait3A_722 = tpu.memref_slice %arg6[%dma_wait3A_720, %dma_wait3A_721] : memref<204800x64xf32, #tpu.memory_space<hbm>> -> memref<256x64xf32, #tpu.memory_space<hbm>>
    %dma_wait3A_723 = arith.constant 0 : i32
    %dma_wait3A_724 = arith.constant 0 : i32
    %dma_wait3A_725 = tpu.memref_slice %arg8[%dma_wait3A_712, %dma_wait3A_723, %dma_wait3A_724] : memref<4x256x64xf32, #tpu.memory_space<vmem>> -> memref<1x256x64xf32, #tpu.memory_space<vmem>>
    %dma_wait3A_726 = tpu.memref_squeeze %dma_wait3A_725 : memref<1x256x64xf32, #tpu.memory_space<vmem>> -> memref<256x64xf32, #tpu.memory_space<vmem>>
    tpu.wait_dma2 semaphore(%arg19 : memref<!tpu.dma_semaphore, #tpu.memory_space<semaphore_mem>>) src(%dma_wait3A_726 : memref<256x64xf32, #tpu.memory_space<vmem>>) dst(%dma_wait3A_722 : memref<256x64xf32, #tpu.memory_space<hbm>>)
    %dma_wait3A_727 = arith.constant 3 : i32
    %dma_wait3A_728 = arith.constant 0 : i32
    %dma_wait3A_729 = arith.constant 0 : i32
    %dma_wait3A_730 = tpu.memref_slice %arg8[%dma_wait3A_727, %dma_wait3A_728, %dma_wait3A_729] : memref<4x256x64xf32, #tpu.memory_space<vmem>> -> memref<1x256x64xf32, #tpu.memory_space<vmem>>
    %dma_wait3A_731 = tpu.memref_squeeze %dma_wait3A_730 : memref<1x256x64xf32, #tpu.memory_space<vmem>> -> memref<256x64xf32, #tpu.memory_space<vmem>>
    %dma_wait3A_732 = arith.constant 0 : i32
    %dma_wait3A_733 = arith.constant 0 : i32
    %dma_wait3A_734 = tpu.memref_slice %arg6[%dma_wait3A_732, %dma_wait3A_733] : memref<204800x64xf32, #tpu.memory_space<hbm>> -> memref<256x64xf32, #tpu.memory_space<hbm>>
    %dma_wait3A_735 = arith.constant 0 : i32
    %dma_wait3A_736 = arith.constant 0 : i32
    %dma_wait3A_737 = tpu.memref_slice %arg6[%dma_wait3A_735, %dma_wait3A_736] : memref<204800x64xf32, #tpu.memory_space<hbm>> -> memref<256x64xf32, #tpu.memory_space<hbm>>
    %dma_wait3A_738 = arith.constant 0 : i32
    %dma_wait3A_739 = arith.constant 0 : i32
    %dma_wait3A_740 = tpu.memref_slice %arg8[%dma_wait3A_727, %dma_wait3A_738, %dma_wait3A_739] : memref<4x256x64xf32, #tpu.memory_space<vmem>> -> memref<1x256x64xf32, #tpu.memory_space<vmem>>
    %dma_wait3A_741 = tpu.memref_squeeze %dma_wait3A_740 : memref<1x256x64xf32, #tpu.memory_space<vmem>> -> memref<256x64xf32, #tpu.memory_space<vmem>>
    tpu.wait_dma2 semaphore(%arg20 : memref<!tpu.dma_semaphore, #tpu.memory_space<semaphore_mem>>) src(%dma_wait3A_741 : memref<256x64xf32, #tpu.memory_space<vmem>>) dst(%dma_wait3A_737 : memref<256x64xf32, #tpu.memory_space<hbm>>)
    %add3A_742 = arith.constant 6144 : i32
    %add3A_743 = arith.addi %mul3A_371, %add3A_742 : i32
    %dma_start3A_744 = arith.constant 0 : i32
    %dma_start3A_745 = arith.constant 0 : i32
    %dma_start3A_746 = tpu.memref_slice %arg7[%dma_start3A_744, %dma_start3A_745] : memref<4x256xi32, #tpu.memory_space<vmem>> -> memref<1x256xi32, #tpu.memory_space<vmem>>
    %dma_start3A_747 = tpu.memref_squeeze %dma_start3A_746 : memref<1x256xi32, #tpu.memory_space<vmem>> -> memref<256xi32, #tpu.memory_space<vmem>>
    %dma_start3A_748 = tpu.memref_slice %arg4[%add3A_743] : memref<204800xi32, #tpu.memory_space<hbm>> -> memref<256xi32, #tpu.memory_space<hbm>>
    %dma_start3A_749 = arith.constant 0 : i32
    %dma_start3A_750 = tpu.memref_slice %arg7[%dma_start3A_744, %dma_start3A_749] : memref<4x256xi32, #tpu.memory_space<vmem>> -> memref<1x256xi32, #tpu.memory_space<vmem>>
    %dma_start3A_751 = tpu.memref_squeeze %dma_start3A_750 : memref<1x256xi32, #tpu.memory_space<vmem>> -> memref<256xi32, #tpu.memory_space<vmem>>
    %dma_start3A_752 = tpu.memref_slice %arg4[%add3A_743] : memref<204800xi32, #tpu.memory_space<hbm>> -> memref<256xi32, #tpu.memory_space<hbm>>
    tpu.enqueue_dma source(%dma_start3A_752 : memref<256xi32, #tpu.memory_space<hbm>>) target(%dma_start3A_751 : memref<256xi32, #tpu.memory_space<vmem>>) target_semaphore(%arg9 : memref<!tpu.dma_semaphore, #tpu.memory_space<semaphore_mem>>)
    %dma_wait3A_753 = arith.constant 0 : i32
    %dma_wait3A_754 = arith.constant 0 : i32
    %dma_wait3A_755 = tpu.memref_slice %arg7[%dma_wait3A_753, %dma_wait3A_754] : memref<4x256xi32, #tpu.memory_space<vmem>> -> memref<1x256xi32, #tpu.memory_space<vmem>>
    %dma_wait3A_756 = tpu.memref_squeeze %dma_wait3A_755 : memref<1x256xi32, #tpu.memory_space<vmem>> -> memref<256xi32, #tpu.memory_space<vmem>>
    %dma_wait3A_757 = arith.constant 0 : i32
    %dma_wait3A_758 = tpu.memref_slice %arg4[%dma_wait3A_757] : memref<204800xi32, #tpu.memory_space<hbm>> -> memref<256xi32, #tpu.memory_space<hbm>>
    %dma_wait3A_759 = arith.constant 0 : i32
    %dma_wait3A_760 = tpu.memref_slice %arg7[%dma_wait3A_753, %dma_wait3A_759] : memref<4x256xi32, #tpu.memory_space<vmem>> -> memref<1x256xi32, #tpu.memory_space<vmem>>
    %dma_wait3A_761 = tpu.memref_squeeze %dma_wait3A_760 : memref<1x256xi32, #tpu.memory_space<vmem>> -> memref<256xi32, #tpu.memory_space<vmem>>
    %dma_wait3A_762 = arith.constant 0 : i32
    %dma_wait3A_763 = tpu.memref_slice %arg4[%dma_wait3A_762] : memref<204800xi32, #tpu.memory_space<hbm>> -> memref<256xi32, #tpu.memory_space<hbm>>
    tpu.wait_dma2 semaphore(%arg9 : memref<!tpu.dma_semaphore, #tpu.memory_space<semaphore_mem>>) src(%dma_wait3A_763 : memref<256xi32, #tpu.memory_space<hbm>>) dst(%dma_wait3A_761 : memref<256xi32, #tpu.memory_space<vmem>>)
    %dma_start3A_764 = arith.constant 0 : i32
    %dma_start3A_765 = arith.constant 0 : i32
    %dma_start3A_766 = arith.constant 0 : i32
    %dma_start3A_767 = arith.constant 0 : i32
    %dma_start3A_768 = tpu.memref_slice %arg8[%dma_start3A_765, %dma_start3A_766, %dma_start3A_767] : memref<4x256x64xf32, #tpu.memory_space<vmem>> -> memref<1x128x64xf32, #tpu.memory_space<vmem>>
    %dma_start3A_769 = tpu.memref_squeeze %dma_start3A_768 : memref<1x128x64xf32, #tpu.memory_space<vmem>> -> memref<128x64xf32, #tpu.memory_space<vmem>>
    %dma_start3A_770 = arith.constant 0 : i32
    %dma_start3A_771 = tpu.memref_slice %arg7[%dma_start3A_764, %dma_start3A_770] : memref<4x256xi32, #tpu.memory_space<vmem>> -> memref<1x128xi32, #tpu.memory_space<vmem>>
    %dma_start3A_772 = tpu.memref_squeeze %dma_start3A_771 : memref<1x128xi32, #tpu.memory_space<vmem>> -> memref<128xi32, #tpu.memory_space<vmem>>
    %dma_start3A_773 = arith.constant 0 : i32
    %dma_start3A_774 = arith.constant 0 : i32
    %dma_start3A_775 = tpu.memref_slice %arg2[%dma_start3A_773, %dma_start3A_774] : memref<8192x64xf32, #tpu.memory_space<hbm>> -> memref<8192x64xf32, #tpu.memory_space<hbm>>
    tpu.enqueue_indirect_dma source(%dma_start3A_775 : memref<8192x64xf32, #tpu.memory_space<hbm>>) target(%dma_start3A_769 : memref<128x64xf32, #tpu.memory_space<vmem>>) offsets(%dma_start3A_772 : memref<128xi32, #tpu.memory_space<vmem>>) semaphore(%arg13 : memref<!tpu.dma_semaphore, #tpu.memory_space<semaphore_mem>>)
    %dma_start3A_776 = arith.constant 0 : i32
    %dma_start3A_777 = arith.constant 0 : i32
    %dma_start3A_778 = arith.constant 128 : i32
    %dma_start3A_779 = arith.constant 0 : i32
    %dma_start3A_780 = tpu.memref_slice %arg8[%dma_start3A_777, %dma_start3A_778, %dma_start3A_779] : memref<4x256x64xf32, #tpu.memory_space<vmem>> -> memref<1x128x64xf32, #tpu.memory_space<vmem>>
    %dma_start3A_781 = tpu.memref_squeeze %dma_start3A_780 : memref<1x128x64xf32, #tpu.memory_space<vmem>> -> memref<128x64xf32, #tpu.memory_space<vmem>>
    %dma_start3A_782 = arith.constant 128 : i32
    %dma_start3A_783 = tpu.memref_slice %arg7[%dma_start3A_776, %dma_start3A_782] : memref<4x256xi32, #tpu.memory_space<vmem>> -> memref<1x128xi32, #tpu.memory_space<vmem>>
    %dma_start3A_784 = tpu.memref_squeeze %dma_start3A_783 : memref<1x128xi32, #tpu.memory_space<vmem>> -> memref<128xi32, #tpu.memory_space<vmem>>
    %dma_start3A_785 = arith.constant 0 : i32
    %dma_start3A_786 = arith.constant 0 : i32
    %dma_start3A_787 = tpu.memref_slice %arg2[%dma_start3A_785, %dma_start3A_786] : memref<8192x64xf32, #tpu.memory_space<hbm>> -> memref<8192x64xf32, #tpu.memory_space<hbm>>
    tpu.enqueue_indirect_dma source(%dma_start3A_787 : memref<8192x64xf32, #tpu.memory_space<hbm>>) target(%dma_start3A_781 : memref<128x64xf32, #tpu.memory_space<vmem>>) offsets(%dma_start3A_784 : memref<128xi32, #tpu.memory_space<vmem>>) semaphore(%arg13 : memref<!tpu.dma_semaphore, #tpu.memory_space<semaphore_mem>>)
    %dma_wait3A_788 = arith.constant 0 : i32
    %dma_wait3A_789 = arith.constant 0 : i32
    %dma_wait3A_790 = arith.constant 0 : i32
    %dma_wait3A_791 = tpu.memref_slice %arg8[%dma_wait3A_788, %dma_wait3A_789, %dma_wait3A_790] : memref<4x256x64xf32, #tpu.memory_space<vmem>> -> memref<1x256x64xf32, #tpu.memory_space<vmem>>
    %dma_wait3A_792 = tpu.memref_squeeze %dma_wait3A_791 : memref<1x256x64xf32, #tpu.memory_space<vmem>> -> memref<256x64xf32, #tpu.memory_space<vmem>>
    %dma_wait3A_793 = arith.constant 0 : i32
    %dma_wait3A_794 = arith.constant 0 : i32
    %dma_wait3A_795 = tpu.memref_slice %arg6[%dma_wait3A_793, %dma_wait3A_794] : memref<204800x64xf32, #tpu.memory_space<hbm>> -> memref<256x64xf32, #tpu.memory_space<hbm>>
    %dma_wait3A_796 = arith.constant 0 : i32
    %dma_wait3A_797 = arith.constant 0 : i32
    %dma_wait3A_798 = tpu.memref_slice %arg8[%dma_wait3A_788, %dma_wait3A_796, %dma_wait3A_797] : memref<4x256x64xf32, #tpu.memory_space<vmem>> -> memref<1x256x64xf32, #tpu.memory_space<vmem>>
    %dma_wait3A_799 = tpu.memref_squeeze %dma_wait3A_798 : memref<1x256x64xf32, #tpu.memory_space<vmem>> -> memref<256x64xf32, #tpu.memory_space<vmem>>
    %dma_wait3A_800 = arith.constant 0 : i32
    %dma_wait3A_801 = arith.constant 0 : i32
    %dma_wait3A_802 = tpu.memref_slice %arg6[%dma_wait3A_800, %dma_wait3A_801] : memref<204800x64xf32, #tpu.memory_space<hbm>> -> memref<256x64xf32, #tpu.memory_space<hbm>>
    tpu.wait_dma2 semaphore(%arg13 : memref<!tpu.dma_semaphore, #tpu.memory_space<semaphore_mem>>) src(%dma_wait3A_802 : memref<256x64xf32, #tpu.memory_space<hbm>>) dst(%dma_wait3A_799 : memref<256x64xf32, #tpu.memory_space<vmem>>)
    %add3A_803 = arith.constant 6144 : i32
    %add3A_804 = arith.addi %mul3A_371, %add3A_803 : i32
    %dma_start3A_805 = arith.constant 0 : i32
    %dma_start3A_806 = arith.constant 0 : i32
    %dma_start3A_807 = arith.constant 0 : i32
    %dma_start3A_808 = tpu.memref_slice %arg8[%dma_start3A_805, %dma_start3A_806, %dma_start3A_807] : memref<4x256x64xf32, #tpu.memory_space<vmem>> -> memref<1x256x64xf32, #tpu.memory_space<vmem>>
    %dma_start3A_809 = tpu.memref_squeeze %dma_start3A_808 : memref<1x256x64xf32, #tpu.memory_space<vmem>> -> memref<256x64xf32, #tpu.memory_space<vmem>>
    %dma_start3A_810 = arith.constant 0 : i32
    %dma_start3A_811 = tpu.memref_slice %arg6[%add3A_804, %dma_start3A_810] : memref<204800x64xf32, #tpu.memory_space<hbm>> -> memref<256x64xf32, #tpu.memory_space<hbm>>
    %dma_start3A_812 = arith.constant 0 : i32
    %dma_start3A_813 = tpu.memref_slice %arg6[%add3A_804, %dma_start3A_812] : memref<204800x64xf32, #tpu.memory_space<hbm>> -> memref<256x64xf32, #tpu.memory_space<hbm>>
    %dma_start3A_814 = arith.constant 0 : i32
    %dma_start3A_815 = arith.constant 0 : i32
    %dma_start3A_816 = tpu.memref_slice %arg8[%dma_start3A_805, %dma_start3A_814, %dma_start3A_815] : memref<4x256x64xf32, #tpu.memory_space<vmem>> -> memref<1x256x64xf32, #tpu.memory_space<vmem>>
    %dma_start3A_817 = tpu.memref_squeeze %dma_start3A_816 : memref<1x256x64xf32, #tpu.memory_space<vmem>> -> memref<256x64xf32, #tpu.memory_space<vmem>>
    tpu.enqueue_dma source(%dma_start3A_817 : memref<256x64xf32, #tpu.memory_space<vmem>>) target(%dma_start3A_813 : memref<256x64xf32, #tpu.memory_space<hbm>>) target_semaphore(%arg17 : memref<!tpu.dma_semaphore, #tpu.memory_space<semaphore_mem>>)
    %dma_wait3A_818 = arith.constant 0 : i32
    %dma_wait3A_819 = arith.constant 0 : i32
    %dma_wait3A_820 = arith.constant 0 : i32
    %dma_wait3A_821 = tpu.memref_slice %arg8[%dma_wait3A_818, %dma_wait3A_819, %dma_wait3A_820] : memref<4x256x64xf32, #tpu.memory_space<vmem>> -> memref<1x256x64xf32, #tpu.memory_space<vmem>>
    %dma_wait3A_822 = tpu.memref_squeeze %dma_wait3A_821 : memref<1x256x64xf32, #tpu.memory_space<vmem>> -> memref<256x64xf32, #tpu.memory_space<vmem>>
    %dma_wait3A_823 = arith.constant 0 : i32
    %dma_wait3A_824 = arith.constant 0 : i32
    %dma_wait3A_825 = tpu.memref_slice %arg6[%dma_wait3A_823, %dma_wait3A_824] : memref<204800x64xf32, #tpu.memory_space<hbm>> -> memref<256x64xf32, #tpu.memory_space<hbm>>
    %dma_wait3A_826 = arith.constant 0 : i32
    %dma_wait3A_827 = arith.constant 0 : i32
    %dma_wait3A_828 = tpu.memref_slice %arg6[%dma_wait3A_826, %dma_wait3A_827] : memref<204800x64xf32, #tpu.memory_space<hbm>> -> memref<256x64xf32, #tpu.memory_space<hbm>>
    %dma_wait3A_829 = arith.constant 0 : i32
    %dma_wait3A_830 = arith.constant 0 : i32
    %dma_wait3A_831 = tpu.memref_slice %arg8[%dma_wait3A_818, %dma_wait3A_829, %dma_wait3A_830] : memref<4x256x64xf32, #tpu.memory_space<vmem>> -> memref<1x256x64xf32, #tpu.memory_space<vmem>>
    %dma_wait3A_832 = tpu.memref_squeeze %dma_wait3A_831 : memref<1x256x64xf32, #tpu.memory_space<vmem>> -> memref<256x64xf32, #tpu.memory_space<vmem>>
    tpu.wait_dma2 semaphore(%arg17 : memref<!tpu.dma_semaphore, #tpu.memory_space<semaphore_mem>>) src(%dma_wait3A_832 : memref<256x64xf32, #tpu.memory_space<vmem>>) dst(%dma_wait3A_828 : memref<256x64xf32, #tpu.memory_space<hbm>>)
    return
  }
}

module attributes {stable_mosaic.version = 14 : i64} {
  func.func @_combine_body(%arg0: memref<1024x200xi32, #tpu.memory_space<vmem>>, %arg1: memref<1024x200xi32, #tpu.memory_space<vmem>>, %arg2: memref<1024x200xi32, #tpu.memory_space<vmem>>) attributes {dimension_semantics = [], scalar_prefetch = 0 : i64, scratch_operands = 0 : i64, tpu.core_type = #tpu.core_type<tc>} {
    %get3A = arith.constant 0 : index
    %get3A_0 = arith.constant 0 : index
    %get3A_1 = vector.load %arg0[%get3A, %get3A_0] : memref<1024x200xi32, #tpu.memory_space<vmem>>, vector<1024x200xi32>
    %mul3A = arith.constant 2048 : i32
    %mul3A_2 = vector.broadcast %mul3A : i32 to vector<1024x200xi32>
    %mul3A_3 = arith.muli %get3A_1, %mul3A_2 : vector<1024x200xi32>
    %get3A_4 = arith.constant 0 : index
    %get3A_5 = arith.constant 0 : index
    %get3A_6 = vector.load %arg1[%get3A_4, %get3A_5] : memref<1024x200xi32, #tpu.memory_space<vmem>>, vector<1024x200xi32>
    %add3A = arith.addi %mul3A_3, %get3A_6 : vector<1024x200xi32>
    %swap3A = arith.constant 0 : index
    %swap3A_7 = arith.constant 0 : index
    %swap3A_8 = vector.load %arg2[%swap3A, %swap3A_7] : memref<1024x200xi32, #tpu.memory_space<vmem>>, vector<1024x200xi32>
    tpu.vector_store %arg2[%swap3A, %swap3A_7], %add3A {strides = array<i32>} : memref<1024x200xi32, #tpu.memory_space<vmem>>, vector<1024x200xi32>,
    return
  }
}

module attributes {stable_mosaic.version = 14 : i64} {
  func.func @_table_body(%arg0: memref<4x64xf32, #tpu.memory_space<vmem>>, %arg1: memref<2048x64xf32, #tpu.memory_space<vmem>>, %arg2: memref<8192x64xf32, #tpu.memory_space<vmem>>) attributes {dimension_semantics = [], scalar_prefetch = 0 : i64, scratch_operands = 0 : i64, tpu.core_type = #tpu.core_type<tc>} {
    %get3A = arith.constant 0 : index
    %get3A_0 = arith.constant 0 : index
    %get3A_1 = vector.load %arg1[%get3A, %get3A_0] : memref<2048x64xf32, #tpu.memory_space<vmem>>, vector<2048x64xf32>
    %get3A_2 = arith.constant 0 : index
    %get3A_3 = arith.constant 0 : index
    %get3A_4 = vector.load %arg0[%get3A_2, %get3A_3] : memref<4x64xf32, #tpu.memory_space<vmem>>, vector<1x64xf32>
    %add3A = vector.broadcast %get3A_4 : vector<1x64xf32> to vector<2048x64xf32>
    %add3A_5 = arith.addf %get3A_1, %add3A : vector<2048x64xf32>
    %swap3A = arith.constant 0 : index
    %swap3A_6 = arith.constant 0 : index
    %swap3A_7 = vector.load %arg2[%swap3A, %swap3A_6] : memref<8192x64xf32, #tpu.memory_space<vmem>>, vector<2048x64xf32>
    tpu.vector_store %arg2[%swap3A, %swap3A_6], %add3A_5 {strides = array<i32>} : memref<8192x64xf32, #tpu.memory_space<vmem>>, vector<2048x64xf32>,
    %get3A_8 = arith.constant 0 : index
    %get3A_9 = arith.constant 0 : index
    %get3A_10 = vector.load %arg1[%get3A_8, %get3A_9] : memref<2048x64xf32, #tpu.memory_space<vmem>>, vector<2048x64xf32>
    %get3A_11 = arith.constant 1 : index
    %get3A_12 = arith.constant 0 : index
    %get3A_13 = vector.load %arg0[%get3A_11, %get3A_12] : memref<4x64xf32, #tpu.memory_space<vmem>>, vector<1x64xf32>
    %add3A_14 = vector.broadcast %get3A_13 : vector<1x64xf32> to vector<2048x64xf32>
    %add3A_15 = arith.addf %get3A_10, %add3A_14 : vector<2048x64xf32>
    %swap3A_16 = arith.constant 2048 : index
    %swap3A_17 = arith.constant 0 : index
    %swap3A_18 = vector.load %arg2[%swap3A_16, %swap3A_17] : memref<8192x64xf32, #tpu.memory_space<vmem>>, vector<2048x64xf32>
    tpu.vector_store %arg2[%swap3A_16, %swap3A_17], %add3A_15 {strides = array<i32>} : memref<8192x64xf32, #tpu.memory_space<vmem>>, vector<2048x64xf32>,
    %get3A_19 = arith.constant 0 : index
    %get3A_20 = arith.constant 0 : index
    %get3A_21 = vector.load %arg1[%get3A_19, %get3A_20] : memref<2048x64xf32, #tpu.memory_space<vmem>>, vector<2048x64xf32>
    %get3A_22 = arith.constant 2 : index
    %get3A_23 = arith.constant 0 : index
    %get3A_24 = vector.load %arg0[%get3A_22, %get3A_23] : memref<4x64xf32, #tpu.memory_space<vmem>>, vector<1x64xf32>
    %add3A_25 = vector.broadcast %get3A_24 : vector<1x64xf32> to vector<2048x64xf32>
    %add3A_26 = arith.addf %get3A_21, %add3A_25 : vector<2048x64xf32>
    %swap3A_27 = arith.constant 4096 : index
    %swap3A_28 = arith.constant 0 : index
    %swap3A_29 = vector.load %arg2[%swap3A_27, %swap3A_28] : memref<8192x64xf32, #tpu.memory_space<vmem>>, vector<2048x64xf32>
    tpu.vector_store %arg2[%swap3A_27, %swap3A_28], %add3A_26 {strides = array<i32>} : memref<8192x64xf32, #tpu.memory_space<vmem>>, vector<2048x64xf32>,
    %get3A_30 = arith.constant 0 : index
    %get3A_31 = arith.constant 0 : index
    %get3A_32 = vector.load %arg1[%get3A_30, %get3A_31] : memref<2048x64xf32, #tpu.memory_space<vmem>>, vector<2048x64xf32>
    %get3A_33 = arith.constant 3 : index
    %get3A_34 = arith.constant 0 : index
    %get3A_35 = vector.load %arg0[%get3A_33, %get3A_34] : memref<4x64xf32, #tpu.memory_space<vmem>>, vector<1x64xf32>
    %add3A_36 = vector.broadcast %get3A_35 : vector<1x64xf32> to vector<2048x64xf32>
    %add3A_37 = arith.addf %get3A_32, %add3A_36 : vector<2048x64xf32>
    %swap3A_38 = arith.constant 6144 : index
    %swap3A_39 = arith.constant 0 : index
    %swap3A_40 = vector.load %arg2[%swap3A_38, %swap3A_39] : memref<8192x64xf32, #tpu.memory_space<vmem>>, vector<2048x64xf32>
    tpu.vector_store %arg2[%swap3A_38, %swap3A_39], %add3A_37 {strides = array<i32>} : memref<8192x64xf32, #tpu.memory_space<vmem>>, vector<2048x64xf32>,
    return
  }
}

module attributes {stable_mosaic.version = 14 : i64} {
  func.func @_combine_body(%arg0: i32, %arg1: memref<128x2048xi32, #tpu.memory_space<vmem>>, %arg2: memref<128x2048xi32, #tpu.memory_space<vmem>>, %arg3: memref<128x2048xi32, #tpu.memory_space<vmem>>) attributes {dimension_semantics = [#tpu.dimension_semantics<arbitrary>], iteration_bounds = array<i64: 8>, scalar_prefetch = 0 : i64, scratch_operands = 0 : i64, tpu.core_type = #tpu.core_type<tc>, window_params = [{transform_indices = @transform_0, window_bounds = array<i64: 128, 2048>}, {transform_indices = @transform_1, window_bounds = array<i64: 128, 2048>}, {transform_indices = @transform_2, window_bounds = array<i64: 128, 2048>}]} {
    %get3A = arith.constant 0 : index
    %get3A_0 = arith.constant 0 : index
    %get3A_1 = vector.load %arg1[%get3A, %get3A_0] : memref<128x2048xi32, #tpu.memory_space<vmem>>, vector<128x2048xi32>
    %mul3A = arith.constant 2048 : i32
    %mul3A_2 = vector.broadcast %mul3A : i32 to vector<128x2048xi32>
    %mul3A_3 = arith.muli %get3A_1, %mul3A_2 : vector<128x2048xi32>
    %get3A_4 = arith.constant 0 : index
    %get3A_5 = arith.constant 0 : index
    %get3A_6 = vector.load %arg2[%get3A_4, %get3A_5] : memref<128x2048xi32, #tpu.memory_space<vmem>>, vector<128x2048xi32>
    %add3A = arith.addi %mul3A_3, %get3A_6 : vector<128x2048xi32>
    %swap3A = arith.constant 0 : index
    %swap3A_7 = arith.constant 0 : index
    %swap3A_8 = vector.load %arg3[%swap3A, %swap3A_7] : memref<128x2048xi32, #tpu.memory_space<vmem>>, vector<128x2048xi32>
    tpu.vector_store %arg3[%swap3A, %swap3A_7], %add3A {strides = array<i32>} : memref<128x2048xi32, #tpu.memory_space<vmem>>, vector<128x2048xi32>,
    return
  }
  func.func @transform_0(%arg0: i32) -> (i32, i32) {
    %c0_i32 = arith.constant 0 : i32
    %c0_i32_0 = arith.constant 0 : i32
    return %arg0, %c0_i32 : i32, i32
  }
  func.func @transform_1(%arg0: i32) -> (i32, i32) {
    %c0_i32 = arith.constant 0 : i32
    %c0_i32_0 = arith.constant 0 : i32
    return %arg0, %c0_i32 : i32, i32
  }
  func.func @transform_2(%arg0: i32) -> (i32, i32) {
    %c0_i32 = arith.constant 0 : i32
    %c0_i32_0 = arith.constant 0 : i32
    return %arg0, %c0_i32 : i32, i32
  }
}

module attributes {stable_mosaic.version = 14 : i64} {
  func.func @_retile_g_body(%arg0: i32, %arg1: memref<25600x64xf32, #tpu.memory_space<vmem>>, %arg2: memref<200x64x128xf32, #tpu.memory_space<vmem>>) attributes {dimension_semantics = [#tpu.dimension_semantics<arbitrary>], iteration_bounds = array<i64: 8>, scalar_prefetch = 0 : i64, scratch_operands = 0 : i64, tpu.core_type = #tpu.core_type<tc>, window_params = [{transform_indices = @transform_0, window_bounds = array<i64: 25600, 64>}, {transform_indices = @transform_1, window_bounds = array<i64: 200, 64, 128>}]} {
    %get3A = arith.constant 0 : index
    %get3A_0 = arith.constant 0 : index
    %get3A_1 = vector.load %arg1[%get3A, %get3A_0] : memref<25600x64xf32, #tpu.memory_space<vmem>>, vector<25600x64xf32>
    %reshape3A = vector.shape_cast %get3A_1 : vector<25600x64xf32> to vector<128x200x64xf32>
    %transpose3A = tpu.transpose %reshape3A, [1, 2, 0] : vector<128x200x64xf32> -> vector<200x64x128xf32>
    %swap3A = arith.constant 0 : index
    %swap3A_2 = arith.constant 0 : index
    %swap3A_3 = arith.constant 0 : index
    %swap3A_4 = vector.load %arg2[%swap3A, %swap3A_2, %swap3A_3] : memref<200x64x128xf32, #tpu.memory_space<vmem>>, vector<200x64x128xf32>
    tpu.vector_store %arg2[%swap3A, %swap3A_2, %swap3A_3], %transpose3A {strides = array<i32>} : memref<200x64x128xf32, #tpu.memory_space<vmem>>, vector<200x64x128xf32>,
    return
  }
  func.func @transform_0(%arg0: i32) -> (i32, i32) {
    %c0_i32 = arith.constant 0 : i32
    %c0_i32_0 = arith.constant 0 : i32
    return %arg0, %c0_i32 : i32, i32
  }
  func.func @transform_1(%arg0: i32) -> (i32, i32, i32) {
    %c0_i32 = arith.constant 0 : i32
    %c0_i32_0 = arith.constant 0 : i32
    %c0_i32_1 = arith.constant 0 : i32
    return %c0_i32, %c0_i32_0, %arg0 : i32, i32, i32
  }
}

</mosaic_0001>

<sc_bundles>
// kernel: kernel.7.cloned.1.call-start
scs
__scs_entry_jumppad:
0x0: {  	(pc) =	sbr.rel $0x88, $3  }
0x1: {  	(tag) =	ssettag $0x0;
	lr =	simm.s32 $0x1  }
0x2: {  	[smem:$0x3F9B] =	sst lr;
	_ =	strace $0xD0000000  }
0x3: {  	_ = 	snop  }
0x4: {  	_ = 	snop  }
0x5: {  	_ = 	snop  }
0x6: {  	_ = 	snop  }
0x7: {  	_ = 	snop  }
__scs_overlays_trampoline_lowered:
0x8: {  	[smem:$0x3FAA] =	sst s0  }
0x9: {  	[smem:$0x3FAB] =	sst s1  }
0xa: {  	[smem:$0x3FAC] =	sst s2  }
0xb: {  	[smem:$0x3FAD] =	sst s3  }
0xc: {  	[smem:$0x3FAE] =	sst s4  }
0xd: {  	[smem:$0x3FAF] =	sst s5  }
0xe: {  	[smem:$0x3FB0] =	sst s6  }
0xf: {  	[smem:$0x3FB1] =	sst s7  }
0x10: {  	[smem:$0x3FB2] =	sst s8  }
0x11: {  	[smem:$0x3FB3] =	sst s9;
	s0 =	simm.s32 @!p0 $0x0  }
0x12: {  	s1 =	sld [smem:$0x3F99];
	s0 =	simm.s32 @p0 $0x1  }
0x13: {  	[smem:$0x3FB4] =	sst s0;
	s0 =	simm.s32 @!p1 $0x0  }
0x14: {  	s2 =	sld [smem:$0x3F98];
	s0 =	simm.s32 @p1 $0x1  }
0x15: {  	[smem:$0x3FB5] =	sst s0;
	s0 =	simm.s32 @!p2 $0x0  }
0x16: {  	s3 =	sld [smem:$0x3FDB];
	s0 =	simm.s32 @p2 $0x1  }
0x17: {  	s4 =	simm.s32 $0x1BF5;
	[smem:$0x3FB7] =	sst s0  }
0x18: {  	s0 =	sld [smem:$0x3F9A];
	_ =	swait.ge [sflag:s4], $0x0  }
0x19: {  	s7 =	sld [smem:$0x3F9B]  }
0x1a: {  	s8 =	sadd.s32 $0xFFFFE003, lr  }
0x1b: {  	s9 =	sadd.s32 $0xFFFFFEF7, lr;
	s5 =	simm.s32 $0xFFFFFFFF;
	p2 =	slt.u32 s8, $0xFFFFF086  }
0x1c: {  	p1 =	slt.u32 s9, $0xF7A;
	s5 =	simm.s32 @!p2 $0x0  }
0x1d: {  	s5 =	simm.s32 @p1 $0x1;
	p0 =	seq.s32 s7, s2  }
0x1e: {  	s7 =	smul.u32 @!p0 $0xF7A, s2;
	p2 =	seq.s32 @!p0 s5, $0x0  }
0x1f: {  	s9 =	smul.u32 $0xF7A, s1;
	s8 =	simm.s32 @!p0 $0x1BF5;
	p2 =	por !p2, p0  }
0x20: {  	[sflag:s8] =	ssyncset.s32 @!p0 $0xFFFFF086;
	s6 =	sadd.s32 @!p0 s3, s7;
	s7 =	simm.s32 @!p0 $0x108  }
0x21: {  	s3 =	sadd.s32 s3, s9;
	s6 =	sadd.s32 @!p0 $0x88, s6;
	s7 =	simm.s32 @p2 $0x1082  }
0x22: {  	[simem:s7], [sflag:s8] =	dma.local @!p0 [hbm:s6], $0xF7A  }
0x23: {  	s9 =	sor.u32 $0xD0000000, s2;
	s6 =	simm.s32 $0x108;
	_ =	swait.ge @!p0 [sflag:s8], $0x0  }
0x24: {  	s3 =	sadd.s32 $0x88, s3;
	s6 =	simm.s32 @!p1 $0x1082;
	[sflag:s4] =	ssyncset.s32 $0xFFFFF086  }
0x25: {  	[simem:s6], [sflag:s4] =	dma.local [hbm:s3], $0xF7A  }
0x26: {  	[smem:$0x3F9B] =	sst s1;
	(tag) =	ssettag s2;
	_ =	strace s9  }
0x27: {  	s1 =	sld [smem:$0x3FAB]  }
0x28: {  	s2 =	sld [smem:$0x3FAC]  }
0x29: {  	s4 =	sld [smem:$0x3FAE]  }
0x2a: {  	p0 =	seq.s32 s5, $0x0;
	s5 =	sld [smem:$0x3FAF]  }
0x2b: {  	s6 =	sld [smem:$0x3FB0]  }
0x2c: {  	s7 =	sld [smem:$0x3FB1]  }
0x2d: {  	s3 =	simm.s32 $0x108;
	s8 =	sld [smem:$0x3FB2]  }
0x2e: {  	s3 =	simm.s32 @!p0 $0x1082;
	s9 =	sld [smem:$0x3FB3]  }
0x2f: {  	lr =	sadd.s32 s0, s3;
	s0 =	sld [smem:$0x3FAA]  }
0x30: {  	s3 =	sld [smem:$0x3FAD]  }
0x31: {  	[smem:$0x3FB6] =	sst s10  }
0x32: {  	s10 =	sld [smem:$0x3FB4];
	_ =	sdelay $0x3  }
0x33: {  	p0 =	seq.s32 s10, $0x1;
	s10 =	sld [smem:$0x3FB6];
	_ =	sdelay $0x3  }
0x34: {  	[smem:$0x3FB6] =	sst s10  }
0x35: {  	s10 =	sld [smem:$0x3FB5];
	_ =	sdelay $0x3  }
0x36: {  	p1 =	seq.s32 s10, $0x1;
	s10 =	sld [smem:$0x3FB6];
	_ =	sdelay $0x3  }
0x37: {  	[smem:$0x3FB6] =	sst s10  }
0x38: {  	s10 =	sld [smem:$0x3FB7]  }
0x39: {  	_ = 	snop;
	(pc) =	sbr.ind lr, $3  }
0x3a: {  	_ = 	snop  }
0x3b: {  	_ = 	snop  }
0x3c: {  	p2 =	seq.s32 s10, $0x1;
	s10 =	sld [smem:$0x3FB6]  }
0x3d: {  	_ =	shalt  }
0x3e: {  	_ =	shalt  }
0x3f: {  	_ =	shalt  }
0x40: {  	_ =	shalt  }
0x41: {  	_ =	shalt  }
0x42: {  	_ =	shalt  }
0x43: {  	_ =	shalt  }
0x44: {  	_ =	shalt  }
0x45: {  	_ =	shalt  }
0x46: {  	_ =	shalt  }
0x47: {  	_ =	shalt  }
0x48: {  	_ =	shalt  }
0x49: {  	_ =	shalt  }
0x4a: {  	_ =	shalt  }
0x4b: {  	_ =	shalt  }
0x4c: {  	_ =	shalt  }
0x4d: {  	_ =	shalt  }
0x4e: {  	_ =	shalt  }
0x4f: {  	_ =	shalt  }
0x50: {  	_ =	shalt  }
0x51: {  	_ =	shalt  }
0x52: {  	_ =	shalt  }
0x53: {  	_ =	shalt  }
0x54: {  	_ =	shalt  }
0x55: {  	_ =	shalt  }
0x56: {  	_ =	shalt  }
0x57: {  	_ =	shalt  }
0x58: {  	_ =	shalt  }
0x59: {  	_ =	shalt  }
0x5a: {  	_ =	shalt  }
0x5b: {  	_ =	shalt  }
0x5c: {  	_ =	shalt  }
0x5d: {  	_ =	shalt  }
0x5e: {  	_ =	shalt  }
0x5f: {  	_ =	shalt  }
0x60: {  	_ =	shalt  }
0x61: {  	_ =	shalt  }
0x62: {  	_ =	shalt  }
0x63: {  	_ =	shalt  }
0x64: {  	_ =	shalt  }
0x65: {  	_ =	shalt  }
0x66: {  	_ =	shalt  }
0x67: {  	_ =	shalt  }
0x68: {  	_ =	shalt  }
0x69: {  	_ =	shalt  }
0x6a: {  	_ =	shalt  }
0x6b: {  	_ =	shalt  }
0x6c: {  	_ =	shalt  }
0x6d: {  	_ =	shalt  }
0x6e: {  	_ =	shalt  }
0x6f: {  	_ =	shalt  }
0x70: {  	_ =	shalt  }
0x71: {  	_ =	shalt  }
0x72: {  	_ =	shalt  }
0x73: {  	_ =	shalt  }
0x74: {  	_ =	shalt  }
0x75: {  	_ =	shalt  }
0x76: {  	_ =	shalt  }
0x77: {  	_ =	shalt  }
0x78: {  	_ =	shalt  }
0x79: {  	_ =	shalt  }
0x7a: {  	_ =	shalt  }
0x7b: {  	_ =	shalt  }
0x7c: {  	_ =	shalt  }
0x7d: {  	_ =	shalt  }
0x7e: {  	_ =	shalt  }
0x7f: {  	_ =	shalt  }
0x80: {  	_ =	shalt  }
0x81: {  	_ =	shalt  }
0x82: {  	_ =	shalt  }
0x83: {  	_ =	shalt  }
0x84: {  	_ =	shalt  }
0x85: {  	_ =	shalt  }
0x86: {  	_ =	shalt  }
0x87: {  	_ =	shalt  }
.Lfunc_end0:
.L_simem_size_0:
called_computation.1_lowered:
.L_overlay_start_0:
0x88: {  	s2 =	sld [smem:$0x3FD9]  }
0x89: {  	s3 =	sld [smem:$0x3FFE];
	_ =	sdelay $0x1  }
0x8a: {  	s1 =	srdreg.scid  }
0x8b: {  	s0 =	sand.u32 $0x1, s1  }
0x8c: {  	s14 =	sshll.u32 s0, $0xA;
	s2 =	sadd.s32 s3, s2  }
0x8d: {  	s2 =	sadd.s32 s2, s14  }
0x8e: {  	[smem:$0x3FC2] =	sst s2  }
0x8f: {  	_ = 	snop  }
0x90: {  	s2 =	sld [smem:$0x3FD0];
	_ =	sdelay $0x2  }
0x91: {  	s15 =	simm.s32 $0xA;
	s4 =	simm.s32 $0x10  }
0x92: {  	[smem:s4], [sflag:s15] =	dma.local [hbm:s2], $0x1  }
0x93: {  	_ =	swait.eq [sflag:s15], $0x1  }
0x94: {  	[sflag:s15] =	ssyncset.done $0x0  }
0x95: {  	s16 =	sld [smem:$0x10];
	[sflag:s15] =	ssyncadd.s32 $0xFFFFFFFF  }
0x96: {  	s17 =	sld [smem:$0x11];
	(tm) =	ssettm $0x1  }
0x97: {  	s18 =	sld [smem:$0x3FFB];
	_ =	sdelay $0x3  }
0x98: {  	_ =	strace s18  }
0x99: {  	s4 =	sld [smem:$0x3FFC];
	_ =	sdelay $0x3  }
0x9a: {  	_ =	strace s4  }
0x9b: {  	s4 =	sld [smem:$0x3FFD];
	_ =	sdelay $0x3  }
0x9c: {  	_ =	strace s4  }
0x9d: {  	_ =	strace $0x8FFFFFFF  }
0x9e: {  	s19 =	sld [smem:$0x3FDB];
	_ =	sdelay $0x1  }
0x9f: {  	s5 =	simm.s32 $_scs_section_size  }
0xa0: {  	s6 =	simm.s32 $_size__tile_overlayer_lowered;
	s7 =	simm.s32 $_tile_overlayer_lowered  }
0xa1: {  	s22 =	simm.s32 $0x1BFF;
	s21 =	sshll.u32 s7, $0x1;
	s4 =	sadd.s32 s5, s19  }
0xa2: {  	s8 =	simm.s32 $0x0;
	s20 =	sshll.u32 s6, $0x1;
	s6 =	sadd.s32 s21, s4  }
0xa3: {  	[timem:s8], [sflag:s22] =	dma.local [hbm:s6], s20  }
0xa4: {  	_ =	swait.ge [sflag:s22], s20  }
0xa5: {  	s5 =	ssub.s32 $0x0, s20;
	[sflag:s22] =	ssyncset.done $0x0  }
0xa6: {  	[sflag:s22] =	ssyncadd.s32 s5;
	_ =	sdelay $0x1  }
0xa7: {  	s23 =	simm.s32 $0x1B8B  }
0xa8: {  	_ =	swait.ge [sflag:s23], $0x1  }
0xa9: {  	[sflag:s23] =	ssyncset.done $0x0  }
0xaa: {  	s25 =	simm.s32 $0x1B8E;
	s24 =	sld [smem:$0x3FFE];
	[sflag:s23] =	ssyncadd.s32 $0xFFFFFFFF  }
0xab: {  	s26 =	simm.s32 $execute0_lowered;
	[smem:$0x3FD2] =	sst s25  }
0xac: {  	s6 =	sshll.u32 s26, $0x1;
	_ =	strace $0x80000046;
	[dreg:$0x1] =	wrdreg $0xFFFFFFFF  }
0xad: {  	s28 =	simm.s32 $_size_execute0_lowered;
	s4 =	sadd.s32 s4, s6;
	[dreg:$0x0] =	wrdreg $0x0  }
0xae: {  	s6 =	sshll.u32 s28, $0x1;
	[dreg:$0x2] =	wrdreg s4  }
0xaf: {  	[dreg:$0x3] =	wrdreg s6  }
0xb0: {  	[dreg:$0x4] =	wrdreg $0xC0  }
0xb1: {  	_ =	task [dreg:s8], $0x5FFFF  }
0xb2: {  	[dreg:$0x1] =	wrdreg $0xFFFFFFFF  }
0xb3: {  	[dreg:$0x0] =	wrdreg $0x60  }
0xb4: {  	[dreg:$0x2] =	wrdreg s24  }
0xb5: {  	[dreg:$0x3] =	wrdreg s16  }
0xb6: {  	[dreg:$0x4] =	wrdreg s17  }
0xb7: {  	[dreg:$0x5] =	wrdreg $0x9  }
0xb8: {  	_ =	task.clear_ibuf [dreg:s8], $0x6FFFF;
	_ =	strace $0x90000046  }
0xb9: {  	s29 =	simm.s32 $0x9;
	_ =	strace $0x80000048  }
0xba: {  	_ =	swait.ge [sflag:s29], $0x1  }
0xbb: {  	[sflag:s29] =	ssyncadd.s32 $0xFFFFFFFF  }
0xbc: {  	_ =	strace $0x90000048  }
0xbd: {  	_ =	sfence  }
0xbe: {  	s30 =	sld [smem:$0x0];
	_ =	sdelay $0x2  }
0xbf: {  	s31 =	sshll.u32 s1, $0xD;
	s1 =	sshrl.u32 s1, $0x2  }
0xc0: {  	s3 =	sand.u32 $0x4000, s31;
	s1 =	sadd.s32 s1, s30  }
0xc1: {  	s0 =	sor.u32 s3, s0;
	s1 =	sshll.u32 s1, $0x11  }
0xc2: {  	s0 =	sor.u32 s1, s0  }
0xc3: {  	s0 =	sadd.s32 $0x8F2B, s0  }
0xc4: {  	[sflag:s0] =	ssyncadd.remote.s32 $0x1  }
0xc5: {  	_ =	sfence.sel $0xFFFF  }
0xc6: {  	[dreg:$0x0] =	wrdreg $0xFFFFFFFF;
	(pc) =	sbr.abs _section_cstart, $3  }
0xc7: {  	[dreg:$0x1] =	wrdreg $0xFFFFFFFF  }
0xc8: {  	_ =	task.clear_ibuf [dreg:s8], $0x2FFFF;
	_ =	strace $0x9FFFFFFF  }
0xc9: {  	(tm) =	ssettm $0x7FFFFFFF  }
tec
execute0_lowered:
.L_overlay_start_1:
0x0: {  	(tag) =	ssettag $0x1  }
0x1: {  	s2 =	rddreg [dreg:$0x0]  }
0x2: {  	s4 =	rddreg [dreg:$0x1]  }
0x3: {  	s0 =	rddreg [dreg:$0x2];
	s1 =	simm.s32 $0x0  }
0x4: {  	s3 =	srdreg.scid;
	s12 =	stileid.u32;
	s28 =	simm.s32 $0x4  }
0x5: {  	[smem:$0x7FF] =	sst s1;
	s5 =	sand.u32 $0x1, s3;
	s3 =	sadd.s32 $0x7400, s2  }
0x6: {  	s7 =	sadd.s32 $0x17400, s2;
	s9 =	sshll.u32 s12, $0x1;
	s26 =	sadd.s32 $0x1000, s2  }
0x7: {  	s30 =	sshll.u32 s12, $0x11;
	_ =	strace $0x80000047;
	s6 =	ssub.s32 $0x2, s5  }
0x8: {  	s21 =	sor.u32 s5, s9;
	s11 =	sshll.u32 s5, $0x10;
	s8 =	sshrl.u32 s6, $0x1  }
0x9: {  	s22 =	sshll.u32 s21, $0xD;
	s9 =	sshll.u32 s21, $0x13;
	s10 =	smul.u32 $0x1900, s21  }
0xa: {  	s2 =	ssub.s32 s6, s8;
	s13 =	sadd.s32 s7, s22;
	s23 =	sadd.s32 s9, s4  }
0xb: {  	s6 =	smul.u32 $0x64000, s21;
	s9 =	sadd.s32 $0x7E000, s23;
	[dreg:$0x9] =	wrdreg s13  }
0xc: {  	s24 =	sadd.s32 $0x7E800, s23;
	s25 =	sadd.s32 $0x7F000, s23;
	[dreg:$0xa] =	wrdreg s9  }
0xd: {  	s8 =	sadd.s32 $0x7F800, s23;
	s29 =	sshrl.u32 s10, $0x3;
	[dreg:$0xb] =	wrdreg s24  }
0xe: {  	s16 =	sadd.s32 $0x1800, s10;
	s23 =	smul.u32 $0x3200, s12;
	[dreg:$0xc] =	wrdreg s25  }
0xf: {  	s2 =	smax.u32 s2, $0x1;
	[dreg:$0xd] =	wrdreg s8;
	s6 =	sshrl.u32 s6, $0x3  }
0x10: {  	s14 =	sadd.s32 s26, s29;
	s8 =	sor.u32 s11, s30;
	s19 =	sshrl.u32 s16, $0x3  }
0x11: {  	s22 =	sshll.u32 s16, $0x3;
	s24 =	sshll.u32 s12, $0x17;
	s29 =	smul.u32 $0x1900, s5  }
0x12: {  	s25 =	sshll.u32 s5, $0x16;
	s5 =	smul.u32 $0x64000, s5;
	[dreg:$0x15] =	wrdreg s2  }
0x13: {  	s9 =	simm.s32 $0x80;
	s6 =	sadd.s32 s0, s6;
	s17 =	sor.u32 $0x400, s8  }
0x14: {  	s20 =	sadd.s32 s26, s19;
	s30 =	sor.u32 s25, s24;
	[dreg:$0xe] =	wrdreg s14  }
0x15: {  	s8 =	sshll.u32 s8, $0x3;
	s24 =	sadd.s32 $0x40, s13;
	[dreg:$0x13] =	wrdreg s20  }
0x16: {  	s25 =	sadd.s32 $0x60, s13;
	s31 =	sadd.s32 $0xA000, s6;
	[dreg:$0x1f] =	wrdreg s24  }
0x17: {  	s15 =	sadd.s32 $0xA800, s6;
	s18 =	sadd.s32 $0xB000, s6;
	[smem:$0x7FA] =	sst s25  }
0x18: {  	s10 =	sshrl.u32 s17, $0x3;
	s6 =	sadd.s32 $0xB800, s6;
	[dreg:$0xf] =	wrdreg s31  }
0x19: {  	s11 =	sadd.s32 s29, s23;
	s23 =	sadd.s32 $0x20, s13;
	[dreg:$0x10] =	wrdreg s15  }
0x1a: {  	s29 =	sadd.s32 $0x20, s14;
	s13 =	simm.s32 $0x2;
	[dreg:$0x11] =	wrdreg s18  }
0x1b: {  	s24 =	simm.s32 $0xC;
	[dreg:$0x12] =	wrdreg s6;
	s21 =	sadd.s32 s10, s7  }
0x1c: {  	s7 =	sadd.s32 s0, s22;
	s31 =	smul.u32 $0xC8000, s12;
	s10 =	sadd.s32 s8, s4  }
0x1d: {  	s15 =	sshll.u32 s11, $0x3;
	s17 =	sadd.s32 $0x700, s11;
	[dreg:$0x1e] =	wrdreg s23  }
0x1e: {  	s20 =	sadd.s32 $0x600, s11;
	s22 =	sadd.s32 $0x400, s11;
	[smem:$0x7FB] =	sst s29  }
0x1f: {  	s6 =	simm.s32 $0x100;
	s8 =	simm.s32 $0x1;
	[dreg:$0x4] =	wrdreg s21  }
0x20: {  	s23 =	simm.s32 $0xB;
	[dreg:$0x14] =	wrdreg s7;
	s7 =	sshrl.u32 s30, $0x3  }
0x21: {  	s12 =	sadd.s32 $0x1000, s10;
	s2 =	sadd.s32 $0x800, s10;
	s21 =	sadd.s32 $0x500, s11  }
0x22: {  	[dreg:$0x1d] =	wrdreg s22;
	s30 =	sadd.s32 $0x40, s14;
	s11 =	simm.s32 $0x300  }
0x23: {  	s22 =	simm.s32 $0xA;
	s7 =	sadd.s32 s7, s4;
	[dreg:$0x18] =	wrdreg s12  }
0x24: {  	s4 =	sadd.s32 $0x1800, s10;
	s5 =	sadd.s32 s5, s31;
	[dreg:$0x19] =	wrdreg s2  }
0x25: {  	s2 =	sshrl.u32 s20, $0x3;
	[smem:$0x7FC] =	sst s30;
	s31 =	sadd.s32 $0x60, s14  }
0x26: {  	s10 =	simm.s32 $0x6400;
	s12 =	simm.s32 $0x280;
	[dreg:$0x16] =	wrdreg s7  }
0x27: {  	s20 =	simm.s32 $0x8;
	[dreg:$0x17] =	wrdreg s4;
	s5 =	sshrl.u32 s5, $0x3  }
0x28: {  	s2 =	sadd.s32 s2, s26;
	[smem:$0x7FD] =	sst s31;
	s7 =	simm.s32 $0x200  }
0x29: {  	s16 =	sadd.s32 s5, s0;
	s0 =	sadd.s32 s0, s15;
	[dreg:$0x1b] =	wrdreg s2  }
0x2a: {  	s5 =	sshrl.u32 s17, $0x3;
	[dreg:$0x5] =	wrdreg s16;
	s18 =	sadd.s32 $0x1800, s0  }
0x2b: {  	s17 =	simm.s32 $0x3;
	s19 =	sadd.s32 $0x1000, s0;
	[dreg:$0x6] =	wrdreg s18  }
0x2c: {  	s15 =	simm.s32 $0xA400;
	s0 =	sadd.s32 $0x800, s0;
	[dreg:$0x7] =	wrdreg s19  }
0x2d: {  	s2 =	simm.s32 $0xE400;
	s5 =	sadd.s32 s5, s26;
	[dreg:$0x8] =	wrdreg s0  }
0x2e: {  	[dreg:$0x1a] =	wrdreg s5;
	s0 =	sshrl.u32 s21, $0x3;
	s18 =	simm.s32 $0x6  }
0x2f: {  	s19 =	simm.s32 $0x7;
	s21 =	simm.s32 $0x9;
	s0 =	sadd.s32 s0, s26  }
0x30: {  	s5 =	simm.s32 $0x0;
	[dreg:$0x1c] =	wrdreg s0;
	s0 =	simm.s32 $0x5  }
.LBB2_1:
0x31: {  	[smem:$0x7F9] =	sst s5  }
0x32: {  	s4 =	rddreg [dreg:$0x9]  }
0x33: {  	s29 =	rddreg [dreg:$0x1e]  }
0x34: {  	[tilespmem:s1], [sflag:$0x1] =	stream.linear.gather [hbm4b:s4+s1], $0x100, $0x38;
	[tilespmem:$0x10400] =	vst v63  }
0x35: {  	s31 =	rddreg [dreg:$0x1f]  }
0x36: {  	[tilespmem:s6], [sflag:$0x2] =	stream.linear.gather [hbm4b:s29+s1], $0x100, $0x38;
	[tilespmem:$0x10400] =	vst v63  }
0x37: {  	s5 =	sld [smem:$0x7FA]  }
0x38: {  	[tilespmem:s7], [sflag:$0x3] =	stream.linear.gather [hbm4b:s31+s1], $0x100, $0x38;
	[tilespmem:$0x10400] =	vst v63  }
0x39: {  	_ = 	snop  }
0x3a: {  	[tilespmem:s11], [sflag:$0x4] =	stream.linear.gather [hbm4b:s5+s1], $0x100, $0x38;
	[tilespmem:$0x10400] =	vst v63  }
0x3b: {  	_ =	swait.ge [sflag:s8], $0x100  }
0x3c: {  	[sflag:s8] =	ssyncset.done $0x0  }
0x3d: {  	s14 =	simm.s32 $0x400;
	[sflag:s8] =	ssyncadd.s32 $0xFFFFFF00  }
0x3e: {  	[tilespmem:s14], [sflag:$0x5] =	stream.indirect.gather [hbm4b:s3+s9], $0x40, s1, s9, $0xb8;
	[tilespmem:$0x10400] =	vst v63  }
0x3f: {  	s30 =	smov.u32 s26;
	s26 =	simm.s32 $0x2400  }
0x40: {  	[tilespmem:s26], [sflag:$0x5] =	stream.indirect.gather [hbm4b:s3+s9], $0x40, s9, s9, $0xb8;
	[tilespmem:$0x10400] =	vst v63  }
0x41: {  	_ =	swait.ge [sflag:s13], $0x100  }
0x42: {  	[sflag:s13] =	ssyncset.done $0x0  }
0x43: {  	s5 =	simm.s32 $0x4400;
	[sflag:s13] =	ssyncadd.s32 $0xFFFFFF00  }
0x44: {  	[tilespmem:s5], [sflag:$0x6] =	stream.indirect.gather [hbm4b:s3+s9], $0x40, s6, s9, $0xb8;
	[tilespmem:$0x10400] =	vst v63  }
0x45: {  	s6 =	simm.s32 $0x180  }
0x46: {  	[tilespmem:s10], [sflag:$0x6] =	stream.indirect.gather [hbm4b:s3+s9], $0x40, s6, s9, $0xb8;
	[tilespmem:$0x10400] =	vst v63  }
0x47: {  	_ =	swait.ge [sflag:s17], $0x100  }
0x48: {  	[sflag:s17] =	ssyncset.done $0x0  }
0x49: {  	s29 =	simm.s32 $0x8400;
	[sflag:s17] =	ssyncadd.s32 $0xFFFFFF00  }
0x4a: {  	[tilespmem:s29], [sflag:$0x7] =	stream.indirect.gather [hbm4b:s3+s9], $0x40, s7, s9, $0xb8;
	[tilespmem:$0x10400] =	vst v63  }
0x4b: {  	_ = 	snop  }
0x4c: {  	[tilespmem:s15], [sflag:$0x7] =	stream.indirect.gather [hbm4b:s3+s9], $0x40, s12, s9, $0xb8;
	[tilespmem:$0x10400] =	vst v63  }
0x4d: {  	_ =	swait.ge [sflag:s28], $0x100  }
0x4e: {  	[sflag:s28] =	ssyncset.done $0x0  }
0x4f: {  	s31 =	simm.s32 $0xC400;
	[sflag:s28] =	ssyncadd.s32 $0xFFFFFF00  }
0x50: {  	[tilespmem:s31], [sflag:$0x8] =	stream.indirect.gather [hbm4b:s3+s9], $0x40, s11, s9, $0xb8;
	[tilespmem:$0x10400] =	vst v63  }
0x51: {  	s11 =	simm.s32 $0x380  }
0x52: {  	[tilespmem:s2], [sflag:$0x8] =	stream.indirect.gather [hbm4b:s3+s9], $0x40, s11, s9, $0xb8;
	[tilespmem:$0x10400] =	vst v63  }
0x53: {  	_ =	swait.ge [sflag:s0], $0x4000  }
0x54: {  	[sflag:s0] =	ssyncset.done $0x0  }
0x55: {  	s10 =	rddreg [dreg:$0x16];
	[sflag:s0] =	ssyncadd.s32 $0xFFFFC000  }
0x56: {  	[hbm4b:s10+s1] =	stream.linear.scatter [tilespmem:s14], [sflag:$0x9], $0x4000, $0x38;
	[tilespmem:$0x10400] =	vst v63  }
0x57: {  	_ =	swait.ge [sflag:s18], $0x4000  }
0x58: {  	[sflag:s18] =	ssyncset.done $0x0  }
0x59: {  	s15 =	rddreg [dreg:$0x19];
	[sflag:s18] =	ssyncadd.s32 $0xFFFFC000  }
0x5a: {  	[hbm4b:s15+s1] =	stream.linear.scatter [tilespmem:s5], [sflag:$0xA], $0x4000, $0x38;
	[tilespmem:$0x10400] =	vst v63  }
0x5b: {  	_ =	swait.ge [sflag:s19], $0x4000  }
0x5c: {  	[sflag:s19] =	ssyncset.done $0x0  }
0x5d: {  	s25 =	rddreg [dreg:$0x18];
	[sflag:s19] =	ssyncadd.s32 $0xFFFFC000  }
0x5e: {  	[hbm4b:s25+s1] =	stream.linear.scatter [tilespmem:s29], [sflag:$0xB], $0x4000, $0x38;
	[tilespmem:$0x10400] =	vst v63  }
0x5f: {  	_ =	swait.ge [sflag:s20], $0x4000  }
0x60: {  	[sflag:s20] =	ssyncset.done $0x0;
	s12 =	rddreg [dreg:$0x4]  }
0x61: {  	s16 =	rddreg [dreg:$0x17];
	[sflag:s20] =	ssyncadd.s32 $0xFFFFC000  }
0x62: {  	[hbm4b:s16+s1] =	stream.linear.scatter [tilespmem:s31], [sflag:$0xC], $0x4000, $0x38;
	[tilespmem:$0x10400] =	vst v63  }
0x63: {  	s4 =	sadd.s32 $0x0, s12  }
0x64: {  	[tilespmem:s1], [sflag:$0x1] =	stream.linear.gather [hbm4b:s4+s1], $0x100, $0x38;
	[tilespmem:$0x10400] =	vst v63  }
0x65: {  	s6 =	simm.s32 $0x100;
	s12 =	sadd.s32 $0x20, s4  }
0x66: {  	[tilespmem:s6], [sflag:$0x2] =	stream.linear.gather [hbm4b:s12+s1], $0x100, $0x38;
	[tilespmem:$0x10400] =	vst v63  }
0x67: {  	s7 =	simm.s32 $0x200;
	s12 =	sadd.s32 $0x40, s4  }
0x68: {  	[tilespmem:s7], [sflag:$0x3] =	stream.linear.gather [hbm4b:s12+s1], $0x100, $0x38;
	[tilespmem:$0x10400] =	vst v63  }
0x69: {  	s11 =	simm.s32 $0x300;
	s4 =	sadd.s32 $0x60, s4  }
0x6a: {  	[tilespmem:s11], [sflag:$0x4] =	stream.linear.gather [hbm4b:s4+s1], $0x100, $0x38;
	[tilespmem:$0x10400] =	vst v63  }
0x6b: {  	_ =	swait.ge [sflag:s8], $0x100  }
0x6c: {  	[sflag:s8] =	ssyncset.done $0x0  }
0x6d: {  	[sflag:s8] =	ssyncadd.s32 $0xFFFFFF00  }
0x6e: {  	_ =	swait.ge [sflag:s21], $0x4000  }
0x6f: {  	[sflag:s21] =	ssyncset.done $0x0  }
0x70: {  	[sflag:s21] =	ssyncadd.s32 $0xFFFFC000  }
0x71: {  	[tilespmem:s14], [sflag:$0x5] =	stream.indirect.gather [hbm4b:s3+s9], $0x40, s1, s9, $0xb8;
	[tilespmem:$0x10400] =	vst v63  }
0x72: {  	_ = 	snop  }
0x73: {  	[tilespmem:s26], [sflag:$0x5] =	stream.indirect.gather [hbm4b:s3+s9], $0x40, s9, s9, $0xb8;
	[tilespmem:$0x10400] =	vst v63  }
0x74: {  	_ =	swait.ge [sflag:s13], $0x100  }
0x75: {  	[sflag:s13] =	ssyncset.done $0x0  }
0x76: {  	[sflag:s13] =	ssyncadd.s32 $0xFFFFFF00  }
0x77: {  	_ =	swait.ge [sflag:s22], $0x4000  }
0x78: {  	[sflag:s22] =	ssyncset.done $0x0  }
0x79: {  	[sflag:s22] =	ssyncadd.s32 $0xFFFFC000  }
0x7a: {  	[tilespmem:s5], [sflag:$0x6] =	stream.indirect.gather [hbm4b:s3+s9], $0x40, s6, s9, $0xb8;
	[tilespmem:$0x10400] =	vst v63  }
0x7b: {  	s12 =	simm.s32 $0x180;
	s14 =	simm.s32 $0x6400  }
0x7c: {  	[tilespmem:s14], [sflag:$0x6] =	stream.indirect.gather [hbm4b:s3+s9], $0x40, s12, s9, $0xb8;
	[tilespmem:$0x10400] =	vst v63  }
0x7d: {  	_ =	swait.ge [sflag:s17], $0x100  }
0x7e: {  	[sflag:s17] =	ssyncset.done $0x0  }
0x7f: {  	[sflag:s17] =	ssyncadd.s32 $0xFFFFFF00  }
0x80: {  	_ =	swait.ge [sflag:s23], $0x4000  }
0x81: {  	[sflag:s23] =	ssyncset.done $0x0  }
0x82: {  	[sflag:s23] =	ssyncadd.s32 $0xFFFFC000  }
0x83: {  	[tilespmem:s29], [sflag:$0x7] =	stream.indirect.gather [hbm4b:s3+s9], $0x40, s7, s9, $0xb8;
	[tilespmem:$0x10400] =	vst v63  }
0x84: {  	s26 =	simm.s32 $0x280;
	s29 =	simm.s32 $0xA400  }
0x85: {  	[tilespmem:s29], [sflag:$0x7] =	stream.indirect.gather [hbm4b:s3+s9], $0x40, s26, s9, $0xb8;
	[tilespmem:$0x10400] =	vst v63  }
0x86: {  	_ =	swait.ge [sflag:s28], $0x100  }
0x87: {  	[sflag:s28] =	ssyncset.done $0x0  }
0x88: {  	[sflag:s28] =	ssyncadd.s32 $0xFFFFFF00  }
0x89: {  	s25 =	sadd.s32 $0x2000, s25;
	_ =	swait.ge [sflag:s24], $0x4000  }
0x8a: {  	s16 =	sadd.s32 $0x2000, s16;
	s4 =	simm.s32 $0x80;
	[sflag:s24] =	ssyncset.done $0x0  }
0x8b: {  	s12 =	sadd.s32 $0x2000, s15;
	s15 =	sadd.s32 $0x2000, s10;
	[sflag:s24] =	ssyncadd.s32 $0xFFFFC000  }
0x8c: {  	[tilespmem:s31], [sflag:$0x8] =	stream.indirect.gather [hbm4b:s3+s9], $0x40, s11, s9, $0xb8;
	[tilespmem:$0x10400] =	vst v63  }
.LBB2_2:
0x8d: {  	s5 =	simm.s32 $0x380  }
0x8e: {  	[tilespmem:s2], [sflag:$0x8] =	stream.indirect.gather [hbm4b:s3+s9], $0x40, s5, s9, $0xb8;
	[tilespmem:$0x10400] =	vst v63  }
0x8f: {  	_ =	swait.ge [sflag:s0], $0x4000  }
0x90: {  	[sflag:s0] =	ssyncset.done $0x0  }
0x91: {  	s14 =	simm.s32 $0x400;
	[sflag:s0] =	ssyncadd.s32 $0xFFFFC000  }
0x92: {  	[hbm4b:s15+s1] =	stream.linear.scatter [tilespmem:s14], [sflag:$0x9], $0x4000, $0x38;
	[tilespmem:$0x10400] =	vst v63  }
0x93: {  	_ =	swait.ge [sflag:s18], $0x4000  }
0x94: {  	[sflag:s18] =	ssyncset.done $0x0  }
0x95: {  	s5 =	simm.s32 $0x4400;
	[sflag:s18] =	ssyncadd.s32 $0xFFFFC000  }
0x96: {  	[hbm4b:s12+s1] =	stream.linear.scatter [tilespmem:s5], [sflag:$0xA], $0x4000, $0x38;
	[tilespmem:$0x10400] =	vst v63  }
0x97: {  	_ =	swait.ge [sflag:s19], $0x4000  }
0x98: {  	[sflag:s19] =	ssyncset.done $0x0  }
0x99: {  	s29 =	simm.s32 $0x8400;
	[sflag:s19] =	ssyncadd.s32 $0xFFFFC000  }
0x9a: {  	[hbm4b:s25+s1] =	stream.linear.scatter [tilespmem:s29], [sflag:$0xB], $0x4000, $0x38;
	[tilespmem:$0x10400] =	vst v63  }
0x9b: {  	_ =	swait.ge [sflag:s20], $0x4000  }
0x9c: {  	s10 =	smov.u32 s4;
	[sflag:s20] =	ssyncset.done $0x0  }
0x9d: {  	s31 =	simm.s32 $0xC400;
	s26 =	rddreg [dreg:$0x4];
	[sflag:s20] =	ssyncadd.s32 $0xFFFFC000  }
0x9e: {  	[hbm4b:s16+s1] =	stream.linear.scatter [tilespmem:s31], [sflag:$0xC], $0x4000, $0x38;
	[tilespmem:$0x10400] =	vst v63  }
0x9f: {  	s10 =	sadd.s32 s10, s26  }
0xa0: {  	[tilespmem:s1], [sflag:$0x1] =	stream.linear.gather [hbm4b:s10+s1], $0x100, $0x38;
	[tilespmem:$0x10400] =	vst v63  }
0xa1: {  	s26 =	sadd.s32 $0x20, s10  }
0xa2: {  	[tilespmem:s6], [sflag:$0x2] =	stream.linear.gather [hbm4b:s26+s1], $0x100, $0x38;
	[tilespmem:$0x10400] =	vst v63  }
0xa3: {  	s26 =	sadd.s32 $0x40, s10  }
0xa4: {  	[tilespmem:s7], [sflag:$0x3] =	stream.linear.gather [hbm4b:s26+s1], $0x100, $0x38;
	[tilespmem:$0x10400] =	vst v63  }
0xa5: {  	s10 =	sadd.s32 $0x60, s10  }
0xa6: {  	[tilespmem:s11], [sflag:$0x4] =	stream.linear.gather [hbm4b:s10+s1], $0x100, $0x38;
	[tilespmem:$0x10400] =	vst v63  }
0xa7: {  	_ =	swait.ge [sflag:s8], $0x100  }
0xa8: {  	[sflag:s8] =	ssyncset.done $0x0  }
0xa9: {  	[sflag:s8] =	ssyncadd.s32 $0xFFFFFF00  }
0xaa: {  	_ =	swait.ge [sflag:s21], $0x4000  }
0xab: {  	[sflag:s21] =	ssyncset.done $0x0  }
0xac: {  	[sflag:s21] =	ssyncadd.s32 $0xFFFFC000  }
0xad: {  	[tilespmem:s14], [sflag:$0x5] =	stream.indirect.gather [hbm4b:s3+s9], $0x40, s1, s9, $0xb8;
	[tilespmem:$0x10400] =	vst v63  }
0xae: {  	s14 =	simm.s32 $0x2400  }
0xaf: {  	[tilespmem:s14], [sflag:$0x5] =	stream.indirect.gather [hbm4b:s3+s9], $0x40, s9, s9, $0xb8;
	[tilespmem:$0x10400] =	vst v63  }
0xb0: {  	_ =	swait.ge [sflag:s13], $0x100  }
0xb1: {  	[sflag:s13] =	ssyncset.done $0x0  }
0xb2: {  	[sflag:s13] =	ssyncadd.s32 $0xFFFFFF00  }
0xb3: {  	_ =	swait.ge [sflag:s22], $0x4000  }
0xb4: {  	[sflag:s22] =	ssyncset.done $0x0  }
0xb5: {  	[sflag:s22] =	ssyncadd.s32 $0xFFFFC000  }
0xb6: {  	[tilespmem:s5], [sflag:$0x6] =	stream.indirect.gather [hbm4b:s3+s9], $0x40, s6, s9, $0xb8;
	[tilespmem:$0x10400] =	vst v63  }
0xb7: {  	s26 =	simm.s32 $0x180;
	s10 =	simm.s32 $0x6400  }
0xb8: {  	[tilespmem:s10], [sflag:$0x6] =	stream.indirect.gather [hbm4b:s3+s9], $0x40, s26, s9, $0xb8;
	[tilespmem:$0x10400] =	vst v63  }
0xb9: {  	_ =	swait.ge [sflag:s17], $0x100  }
0xba: {  	[sflag:s17] =	ssyncset.done $0x0  }
0xbb: {  	[sflag:s17] =	ssyncadd.s32 $0xFFFFFF00  }
0xbc: {  	_ =	swait.ge [sflag:s23], $0x4000  }
0xbd: {  	[sflag:s23] =	ssyncset.done $0x0  }
0xbe: {  	[sflag:s23] =	ssyncadd.s32 $0xFFFFC000  }
0xbf: {  	[tilespmem:s29], [sflag:$0x7] =	stream.indirect.gather [hbm4b:s3+s9], $0x40, s7, s9, $0xb8;
	[tilespmem:$0x10400] =	vst v63  }
0xc0: {  	s14 =	simm.s32 $0x280;
	s29 =	simm.s32 $0xA400  }
0xc1: {  	[tilespmem:s29], [sflag:$0x7] =	stream.indirect.gather [hbm4b:s3+s9], $0x40, s14, s9, $0xb8;
	[tilespmem:$0x10400] =	vst v63  }
0xc2: {  	_ =	swait.ge [sflag:s28], $0x100  }
0xc3: {  	p0 =	sne.s32 s4, $0x1F00;
	[sflag:s28] =	ssyncset.done $0x0  }
.Ltmp0:
0xc4: {  	[sflag:s28] =	ssyncadd.s32 $0xFFFFFF00;
	(pc) =	sbr.rel @p0 .LBB2_2-.Ltmp0, $4  }
0xc5: {  	s4 =	sadd.s32 $0x80, s4;
	_ =	swait.ge [sflag:s24], $0x4000  }
0xc6: {  	s15 =	sadd.s32 $0x2000, s15;
	s12 =	sadd.s32 $0x2000, s12;
	[sflag:s24] =	ssyncset.done $0x0  }
0xc7: {  	s25 =	sadd.s32 $0x2000, s25;
	s16 =	sadd.s32 $0x2000, s16;
	[sflag:s24] =	ssyncadd.s32 $0xFFFFC000  }
0xc8: {  	[tilespmem:s31], [sflag:$0x8] =	stream.indirect.gather [hbm4b:s3+s9], $0x40, s11, s9, $0xb8;
	[tilespmem:$0x10400] =	vst v63  }
0xc9: {  	s12 =	simm.s32 $0x380;
	s15 =	simm.s32 $0xE400  }
0xca: {  	[tilespmem:s15], [sflag:$0x8] =	stream.indirect.gather [hbm4b:s3+s9], $0x40, s12, s9, $0xb8;
	[tilespmem:$0x10400] =	vst v63  }
0xcb: {  	_ =	swait.ge [sflag:s0], $0x4000  }
0xcc: {  	s4 =	simm.s32 $0x0;
	[sflag:s0] =	ssyncset.done $0x0  }
0xcd: {  	s25 =	simm.s32 $0x400;
	s10 =	rddreg [dreg:$0xa];
	[sflag:s0] =	ssyncadd.s32 $0xFFFFC000  }
0xce: {  	[hbm4b:s10+s4] =	stream.linear.scatter [tilespmem:s25], [sflag:$0x9], $0x4000, $0x38;
	[tilespmem:$0x10400] =	vst v63  }
0xcf: {  	_ =	swait.ge [sflag:s18], $0x4000  }
0xd0: {  	[sflag:s18] =	ssyncset.done $0x0  }
0xd1: {  	s14 =	simm.s32 $0x4400;
	s16 =	rddreg [dreg:$0xb];
	[sflag:s18] =	ssyncadd.s32 $0xFFFFC000  }
0xd2: {  	[hbm4b:s16+s4] =	stream.linear.scatter [tilespmem:s14], [sflag:$0xA], $0x4000, $0x38;
	[tilespmem:$0x10400] =	vst v63  }
0xd3: {  	_ =	swait.ge [sflag:s19], $0x4000  }
0xd4: {  	[sflag:s19] =	ssyncset.done $0x0  }
0xd5: {  	s5 =	simm.s32 $0x8400;
	s29 =	rddreg [dreg:$0xc];
	[sflag:s19] =	ssyncadd.s32 $0xFFFFC000  }
0xd6: {  	[hbm4b:s29+s4] =	stream.linear.scatter [tilespmem:s5], [sflag:$0xB], $0x4000, $0x38;
	[tilespmem:$0x10400] =	vst v63  }
0xd7: {  	_ =	swait.ge [sflag:s20], $0x4000  }
0xd8: {  	[sflag:s20] =	ssyncset.done $0x0  }
0xd9: {  	s29 =	simm.s32 $0xC400;
	s31 =	rddreg [dreg:$0xd];
	[sflag:s20] =	ssyncadd.s32 $0xFFFFC000  }
0xda: {  	[hbm4b:s31+s4] =	stream.linear.scatter [tilespmem:s29], [sflag:$0xC], $0x4000, $0x38;
	[tilespmem:$0x10400] =	vst v63  }
0xdb: {  	_ =	swait.ge [sflag:s21], $0x4000  }
0xdc: {  	[sflag:s21] =	ssyncset.done $0x0  }
0xdd: {  	[sflag:s21] =	ssyncadd.s32 $0xFFFFC000  }
0xde: {  	_ =	swait.ge [sflag:s22], $0x4000  }
0xdf: {  	[sflag:s22] =	ssyncset.done $0x0  }
0xe0: {  	[sflag:s22] =	ssyncadd.s32 $0xFFFFC000  }
0xe1: {  	_ =	swait.ge [sflag:s23], $0x4000  }
0xe2: {  	[sflag:s23] =	ssyncset.done $0x0  }
0xe3: {  	[sflag:s23] =	ssyncadd.s32 $0xFFFFC000  }
0xe4: {  	_ =	swait.ge [sflag:s24], $0x4000  }
0xe5: {  	[sflag:s24] =	ssyncset.done $0x0;
	s2 =	rddreg [dreg:$0xe]  }
0xe6: {  	s16 =	sld [smem:$0x7FB];
	[sflag:s24] =	ssyncadd.s32 $0xFFFFC000  }
0xe7: {  	[tilespmem:s4], [sflag:$0x1] =	stream.linear.gather [hbm4b:s2+s4], $0x100, $0x38;
	[tilespmem:$0x10400] =	vst v63  }
0xe8: {  	s31 =	sld [smem:$0x7FC]  }
0xe9: {  	[tilespmem:s6], [sflag:$0x2] =	stream.linear.gather [hbm4b:s16+s4], $0x100, $0x38;
	[tilespmem:$0x10400] =	vst v63  }
0xea: {  	s2 =	sld [smem:$0x7FD]  }
0xeb: {  	[tilespmem:s7], [sflag:$0x3] =	stream.linear.gather [hbm4b:s31+s4], $0x100, $0x38;
	[tilespmem:$0x10400] =	vst v63  }
0xec: {  	_ = 	snop  }
0xed: {  	[tilespmem:s11], [sflag:$0x4] =	stream.linear.gather [hbm4b:s2+s4], $0x100, $0x38;
	[tilespmem:$0x10400] =	vst v63  }
0xee: {  	_ =	swait.ge [sflag:s8], $0x100  }
0xef: {  	[sflag:s8] =	ssyncset.done $0x0  }
0xf0: {  	[sflag:s8] =	ssyncadd.s32 $0xFFFFFF00  }
0xf1: {  	[tilespmem:s25], [sflag:$0x5] =	stream.indirect.gather [hbm4b:s3+s9], $0x40, s4, s9, $0xb8;
	[tilespmem:$0x10400] =	vst v63  }
0xf2: {  	s31 =	simm.s32 $0x2400  }
0xf3: {  	[tilespmem:s31], [sflag:$0x5] =	stream.indirect.gather [hbm4b:s3+s9], $0x40, s9, s9, $0xb8;
	[tilespmem:$0x10400] =	vst v63  }
0xf4: {  	_ =	swait.ge [sflag:s13], $0x100  }
0xf5: {  	[sflag:s13] =	ssyncset.done $0x0  }
0xf6: {  	[sflag:s13] =	ssyncadd.s32 $0xFFFFFF00  }
0xf7: {  	[tilespmem:s14], [sflag:$0x6] =	stream.indirect.gather [hbm4b:s3+s9], $0x40, s6, s9, $0xb8;
	[tilespmem:$0x10400] =	vst v63  }
0xf8: {  	s2 =	simm.s32 $0x6400  }
0xf9: {  	[tilespmem:s2], [sflag:$0x6] =	stream.indirect.gather [hbm4b:s3+s9], $0x40, s26, s9, $0xb8;
	[tilespmem:$0x10400] =	vst v63  }
0xfa: {  	_ =	swait.ge [sflag:s17], $0x100  }
0xfb: {  	[sflag:s17] =	ssyncset.done $0x0  }
0xfc: {  	[sflag:s17] =	ssyncadd.s32 $0xFFFFFF00  }
0xfd: {  	[tilespmem:s5], [sflag:$0x7] =	stream.indirect.gather [hbm4b:s3+s9], $0x40, s7, s9, $0xb8;
	[tilespmem:$0x10400] =	vst v63  }
0xfe: {  	s10 =	simm.s32 $0xA400;
	s4 =	simm.s32 $0x280  }
0xff: {  	[tilespmem:s10], [sflag:$0x7] =	stream.indirect.gather [hbm4b:s3+s9], $0x40, s4, s9, $0xb8;
	[tilespmem:$0x10400] =	vst v63  }
0x100: {  	_ =	swait.ge [sflag:s28], $0x100  }
0x101: {  	[sflag:s28] =	ssyncset.done $0x0  }
0x102: {  	[sflag:s28] =	ssyncadd.s32 $0xFFFFFF00  }
0x103: {  	[tilespmem:s29], [sflag:$0x8] =	stream.indirect.gather [hbm4b:s3+s9], $0x40, s11, s9, $0xb8;
	[tilespmem:$0x10400] =	vst v63  }
0x104: {  	_ = 	snop  }
0x105: {  	[tilespmem:s15], [sflag:$0x8] =	stream.indirect.gather [hbm4b:s3+s9], $0x40, s12, s9, $0xb8;
	[tilespmem:$0x10400] =	vst v63  }
0x106: {  	_ =	swait.ge [sflag:s0], $0x4000  }
0x107: {  	s15 =	rddreg [dreg:$0x5];
	[sflag:s0] =	ssyncset.done $0x0  }
0x108: {  	[sflag:s0] =	ssyncadd.s32 $0xFFFFC000;
	s4 =	sadd.s32 $0x0, s15  }
0x109: {  	[hbm4b:s4+s1] =	stream.linear.scatter [tilespmem:s25], [sflag:$0x9], $0x4000, $0x38;
	[tilespmem:$0x10400] =	vst v63  }
0x10a: {  	_ =	swait.ge [sflag:s18], $0x4000  }
0x10b: {  	s16 =	rddreg [dreg:$0x8];
	[sflag:s18] =	ssyncset.done $0x0  }
0x10c: {  	[sflag:s18] =	ssyncadd.s32 $0xFFFFC000;
	s4 =	sadd.s32 $0x0, s16  }
0x10d: {  	[hbm4b:s4+s1] =	stream.linear.scatter [tilespmem:s14], [sflag:$0xA], $0x4000, $0x38;
	[tilespmem:$0x10400] =	vst v63  }
0x10e: {  	_ =	swait.ge [sflag:s19], $0x4000  }
0x10f: {  	s10 =	rddreg [dreg:$0x7];
	[sflag:s19] =	ssyncset.done $0x0  }
0x110: {  	[sflag:s19] =	ssyncadd.s32 $0xFFFFC000;
	s4 =	sadd.s32 $0x0, s10  }
0x111: {  	[hbm4b:s4+s1] =	stream.linear.scatter [tilespmem:s5], [sflag:$0xB], $0x4000, $0x38;
	[tilespmem:$0x10400] =	vst v63  }
0x112: {  	_ =	swait.ge [sflag:s20], $0x4000  }
0x113: {  	s12 =	rddreg [dreg:$0x6]  }
0x114: {  	[sflag:s20] =	ssyncset.done $0x0;
	s4 =	sadd.s32 $0x0, s12;
	s12 =	rddreg [dreg:$0x1d]  }
0x115: {  	[sflag:s20] =	ssyncadd.s32 $0xFFFFC000;
	s15 =	sshrl.u32 s12, $0x3  }
0x116: {  	[hbm4b:s4+s1] =	stream.linear.scatter [tilespmem:s29], [sflag:$0xC], $0x4000, $0x38;
	[tilespmem:$0x10400] =	vst v63  }
0x117: {  	s16 =	sadd.s32 s30, s15  }
0x118: {  	[tilespmem:s1], [sflag:$0x1] =	stream.linear.gather [hbm4b:s16+s1], $0x100, $0x38;
	[tilespmem:$0x10400] =	vst v63  }
0x119: {  	s16 =	rddreg [dreg:$0x1c]  }
0x11a: {  	[tilespmem:s6], [sflag:$0x2] =	stream.linear.gather [hbm4b:s16+s1], $0x100, $0x38;
	[tilespmem:$0x10400] =	vst v63  }
0x11b: {  	s15 =	rddreg [dreg:$0x1b]  }
0x11c: {  	[tilespmem:s7], [sflag:$0x3] =	stream.linear.gather [hbm4b:s15+s1], $0x100, $0x38;
	[tilespmem:$0x10400] =	vst v63  }
0x11d: {  	s10 =	rddreg [dreg:$0x1a]  }
0x11e: {  	[tilespmem:s11], [sflag:$0x4] =	stream.linear.gather [hbm4b:s10+s1], $0x100, $0x38;
	[tilespmem:$0x10400] =	vst v63  }
0x11f: {  	_ =	swait.ge [sflag:s8], $0x100  }
0x120: {  	[sflag:s8] =	ssyncset.done $0x0  }
0x121: {  	[sflag:s8] =	ssyncadd.s32 $0xFFFFFF00  }
0x122: {  	_ =	swait.ge [sflag:s21], $0x4000  }
0x123: {  	[sflag:s21] =	ssyncset.done $0x0  }
0x124: {  	[sflag:s21] =	ssyncadd.s32 $0xFFFFC000  }
0x125: {  	[tilespmem:s25], [sflag:$0x5] =	stream.indirect.gather [hbm4b:s3+s9], $0x40, s1, s9, $0xb8;
	[tilespmem:$0x10400] =	vst v63  }
0x126: {  	_ = 	snop  }
0x127: {  	[tilespmem:s31], [sflag:$0x5] =	stream.indirect.gather [hbm4b:s3+s9], $0x40, s9, s9, $0xb8;
	[tilespmem:$0x10400] =	vst v63  }
0x128: {  	_ =	swait.ge [sflag:s13], $0x100  }
0x129: {  	[sflag:s13] =	ssyncset.done $0x0  }
0x12a: {  	[sflag:s13] =	ssyncadd.s32 $0xFFFFFF00  }
0x12b: {  	_ =	swait.ge [sflag:s22], $0x4000  }
0x12c: {  	[sflag:s22] =	ssyncset.done $0x0  }
0x12d: {  	[sflag:s22] =	ssyncadd.s32 $0xFFFFC000  }
0x12e: {  	[tilespmem:s14], [sflag:$0x6] =	stream.indirect.gather [hbm4b:s3+s9], $0x40, s6, s9, $0xb8;
	[tilespmem:$0x10400] =	vst v63  }
0x12f: {  	s25 =	simm.s32 $0x6400  }
0x130: {  	[tilespmem:s25], [sflag:$0x6] =	stream.indirect.gather [hbm4b:s3+s9], $0x40, s26, s9, $0xb8;
	[tilespmem:$0x10400] =	vst v63  }
0x131: {  	_ =	swait.ge [sflag:s17], $0x100  }
0x132: {  	[sflag:s17] =	ssyncset.done $0x0  }
0x133: {  	[sflag:s17] =	ssyncadd.s32 $0xFFFFFF00  }
0x134: {  	_ =	swait.ge [sflag:s23], $0x4000  }
0x135: {  	[sflag:s23] =	ssyncset.done $0x0  }
0x136: {  	[sflag:s23] =	ssyncadd.s32 $0xFFFFC000  }
0x137: {  	[tilespmem:s5], [sflag:$0x7] =	stream.indirect.gather [hbm4b:s3+s9], $0x40, s7, s9, $0xb8;
	[tilespmem:$0x10400] =	vst v63  }
0x138: {  	s31 =	simm.s32 $0x280;
	s26 =	simm.s32 $0xA400  }
0x139: {  	[tilespmem:s26], [sflag:$0x7] =	stream.indirect.gather [hbm4b:s3+s9], $0x40, s31, s9, $0xb8;
	[tilespmem:$0x10400] =	vst v63  }
0x13a: {  	_ =	swait.ge [sflag:s28], $0x100  }
0x13b: {  	[sflag:s28] =	ssyncset.done $0x0  }
0x13c: {  	[sflag:s28] =	ssyncadd.s32 $0xFFFFFF00  }
0x13d: {  	s2 =	simm.s32 $0xE400;
	s4 =	sadd.s32 $0x400, s12;
	_ =	swait.ge [sflag:s24], $0x4000  }
0x13e: {  	s12 =	sadd.s32 $0x80, s10;
	s16 =	sadd.s32 $0x80, s16;
	[sflag:s24] =	ssyncset.done $0x0  }
0x13f: {  	s15 =	sadd.s32 $0x80, s15;
	s25 =	simm.s32 $0x2000;
	[sflag:s24] =	ssyncadd.s32 $0xFFFFC000  }
0x140: {  	[tilespmem:s29], [sflag:$0x8] =	stream.indirect.gather [hbm4b:s3+s9], $0x40, s11, s9, $0xb8;
	[tilespmem:$0x10400] =	vst v63  }
.LBB2_4:
0x141: {  	s5 =	simm.s32 $0x380  }
0x142: {  	[tilespmem:s2], [sflag:$0x8] =	stream.indirect.gather [hbm4b:s3+s9], $0x40, s5, s9, $0xb8;
	[tilespmem:$0x10400] =	vst v63  }
0x143: {  	_ =	swait.ge [sflag:s0], $0x4000  }
0x144: {  	s10 =	smov.u32 s25;
	s26 =	rddreg [dreg:$0x5];
	[sflag:s0] =	ssyncset.done $0x0  }
0x145: {  	s14 =	simm.s32 $0x400;
	[sflag:s0] =	ssyncadd.s32 $0xFFFFC000;
	s26 =	sadd.s32 s10, s26  }
0x146: {  	[hbm4b:s26+s1] =	stream.linear.scatter [tilespmem:s14], [sflag:$0x9], $0x4000, $0x38;
	[tilespmem:$0x10400] =	vst v63  }
0x147: {  	_ =	swait.ge [sflag:s18], $0x4000  }
0x148: {  	s5 =	rddreg [dreg:$0x8];
	[sflag:s18] =	ssyncset.done $0x0  }
0x149: {  	[sflag:s18] =	ssyncadd.s32 $0xFFFFC000;
	s26 =	sadd.s32 s10, s5;
	s5 =	simm.s32 $0x4400  }
0x14a: {  	[hbm4b:s26+s1] =	stream.linear.scatter [tilespmem:s5], [sflag:$0xA], $0x4000, $0x38;
	[tilespmem:$0x10400] =	vst v63  }
0x14b: {  	_ =	swait.ge [sflag:s19], $0x4000  }
0x14c: {  	s29 =	rddreg [dreg:$0x7];
	[sflag:s19] =	ssyncset.done $0x0  }
0x14d: {  	[sflag:s19] =	ssyncadd.s32 $0xFFFFC000;
	s26 =	sadd.s32 s10, s29;
	s29 =	simm.s32 $0x8400  }
0x14e: {  	[hbm4b:s26+s1] =	stream.linear.scatter [tilespmem:s29], [sflag:$0xB], $0x4000, $0x38;
	[tilespmem:$0x10400] =	vst v63  }
0x14f: {  	_ =	swait.ge [sflag:s20], $0x4000  }
0x150: {  	s26 =	sshrl.u32 s4, $0x3;
	s31 =	rddreg [dreg:$0x6];
	[sflag:s20] =	ssyncset.done $0x0  }
0x151: {  	[sflag:s20] =	ssyncadd.s32 $0xFFFFC000;
	s10 =	sadd.s32 s10, s31;
	s31 =	simm.s32 $0xC400  }
0x152: {  	[hbm4b:s10+s1] =	stream.linear.scatter [tilespmem:s31], [sflag:$0xC], $0x4000, $0x38;
	[tilespmem:$0x10400] =	vst v63  }
0x153: {  	s26 =	sadd.s32 s30, s26  }
0x154: {  	[tilespmem:s1], [sflag:$0x1] =	stream.linear.gather [hbm4b:s26+s1], $0x100, $0x38;
	[tilespmem:$0x10400] =	vst v63  }
0x155: {  	_ = 	snop  }
0x156: {  	[tilespmem:s6], [sflag:$0x2] =	stream.linear.gather [hbm4b:s16+s1], $0x100, $0x38;
	[tilespmem:$0x10400] =	vst v63  }
0x157: {  	_ = 	snop  }
0x158: {  	[tilespmem:s7], [sflag:$0x3] =	stream.linear.gather [hbm4b:s15+s1], $0x100, $0x38;
	[tilespmem:$0x10400] =	vst v63  }
0x159: {  	_ = 	snop  }
0x15a: {  	[tilespmem:s11], [sflag:$0x4] =	stream.linear.gather [hbm4b:s12+s1], $0x100, $0x38;
	[tilespmem:$0x10400] =	vst v63  }
0x15b: {  	_ =	swait.ge [sflag:s8], $0x100  }
0x15c: {  	[sflag:s8] =	ssyncset.done $0x0  }
0x15d: {  	[sflag:s8] =	ssyncadd.s32 $0xFFFFFF00  }
0x15e: {  	_ =	swait.ge [sflag:s21], $0x4000  }
0x15f: {  	[sflag:s21] =	ssyncset.done $0x0  }
0x160: {  	[sflag:s21] =	ssyncadd.s32 $0xFFFFC000  }
0x161: {  	[tilespmem:s14], [sflag:$0x5] =	stream.indirect.gather [hbm4b:s3+s9], $0x40, s1, s9, $0xb8;
	[tilespmem:$0x10400] =	vst v63  }
0x162: {  	s26 =	simm.s32 $0x2400  }
0x163: {  	[tilespmem:s26], [sflag:$0x5] =	stream.indirect.gather [hbm4b:s3+s9], $0x40, s9, s9, $0xb8;
	[tilespmem:$0x10400] =	vst v63  }
0x164: {  	_ =	swait.ge [sflag:s13], $0x100  }
0x165: {  	[sflag:s13] =	ssyncset.done $0x0  }
0x166: {  	[sflag:s13] =	ssyncadd.s32 $0xFFFFFF00  }
0x167: {  	_ =	swait.ge [sflag:s22], $0x4000  }
0x168: {  	[sflag:s22] =	ssyncset.done $0x0  }
0x169: {  	[sflag:s22] =	ssyncadd.s32 $0xFFFFC000  }
0x16a: {  	[tilespmem:s5], [sflag:$0x6] =	stream.indirect.gather [hbm4b:s3+s9], $0x40, s6, s9, $0xb8;
	[tilespmem:$0x10400] =	vst v63  }
0x16b: {  	s14 =	simm.s32 $0x6400;
	s26 =	simm.s32 $0x180  }
0x16c: {  	[tilespmem:s14], [sflag:$0x6] =	stream.indirect.gather [hbm4b:s3+s9], $0x40, s26, s9, $0xb8;
	[tilespmem:$0x10400] =	vst v63  }
0x16d: {  	_ =	swait.ge [sflag:s17], $0x100  }
0x16e: {  	[sflag:s17] =	ssyncset.done $0x0  }
0x16f: {  	[sflag:s17] =	ssyncadd.s32 $0xFFFFFF00  }
0x170: {  	_ =	swait.ge [sflag:s23], $0x4000  }
0x171: {  	[sflag:s23] =	ssyncset.done $0x0  }
0x172: {  	[sflag:s23] =	ssyncadd.s32 $0xFFFFC000  }
0x173: {  	[tilespmem:s29], [sflag:$0x7] =	stream.indirect.gather [hbm4b:s3+s9], $0x40, s7, s9, $0xb8;
	[tilespmem:$0x10400] =	vst v63  }
0x174: {  	s14 =	simm.s32 $0x280;
	s26 =	simm.s32 $0xA400  }
0x175: {  	[tilespmem:s26], [sflag:$0x7] =	stream.indirect.gather [hbm4b:s3+s9], $0x40, s14, s9, $0xb8;
	[tilespmem:$0x10400] =	vst v63  }
0x176: {  	_ =	swait.ge [sflag:s28], $0x100  }
0x177: {  	p0 =	sne.s32 s25, $0x8000;
	s25 =	sadd.s32 $0x2000, s25;
	[sflag:s28] =	ssyncset.done $0x0  }
.Ltmp1:
0x178: {  	s4 =	sadd.s32 $0x400, s4;
	[sflag:s28] =	ssyncadd.s32 $0xFFFFFF00;
	(pc) =	sbr.rel @p0 .LBB2_4-.Ltmp1, $4  }
0x179: {  	s10 =	simm.s32 $0x4400;
	s16 =	sadd.s32 $0x80, s16;
	_ =	swait.ge [sflag:s24], $0x4000  }
0x17a: {  	s15 =	sadd.s32 $0x80, s15;
	s12 =	sadd.s32 $0x80, s12;
	[sflag:s24] =	ssyncset.done $0x0  }
0x17b: {  	s5 =	simm.s32 $0x8400;
	s14 =	simm.s32 $0xC400;
	[sflag:s24] =	ssyncadd.s32 $0xFFFFC000  }
0x17c: {  	[tilespmem:s31], [sflag:$0x8] =	stream.indirect.gather [hbm4b:s3+s9], $0x40, s11, s9, $0xb8;
	[tilespmem:$0x10400] =	vst v63  }
0x17d: {  	s4 =	simm.s32 $0x380  }
0x17e: {  	[tilespmem:s2], [sflag:$0x8] =	stream.indirect.gather [hbm4b:s3+s9], $0x40, s4, s9, $0xb8;
	[tilespmem:$0x10400] =	vst v63  }
0x17f: {  	_ =	swait.ge [sflag:s0], $0x4000  }
0x180: {  	[sflag:s0] =	ssyncset.done $0x0  }
0x181: {  	s6 =	simm.s32 $0x400;
	s7 =	rddreg [dreg:$0xf];
	[sflag:s0] =	ssyncadd.s32 $0xFFFFC000  }
0x182: {  	[hbm4b:s7+s1] =	stream.linear.scatter [tilespmem:s6], [sflag:$0x9], $0x4000, $0x38;
	[tilespmem:$0x10400] =	vst v63  }
0x183: {  	_ =	swait.ge [sflag:s18], $0x4000  }
0x184: {  	[sflag:s18] =	ssyncset.done $0x0  }
0x185: {  	s11 =	rddreg [dreg:$0x10];
	[sflag:s18] =	ssyncadd.s32 $0xFFFFC000  }
0x186: {  	[hbm4b:s11+s1] =	stream.linear.scatter [tilespmem:s10], [sflag:$0xA], $0x4000, $0x38;
	[tilespmem:$0x10400] =	vst v63  }
0x187: {  	_ =	swait.ge [sflag:s19], $0x4000  }
0x188: {  	[sflag:s19] =	ssyncset.done $0x0  }
0x189: {  	s12 =	rddreg [dreg:$0x11];
	[sflag:s19] =	ssyncadd.s32 $0xFFFFC000  }
0x18a: {  	[hbm4b:s12+s1] =	stream.linear.scatter [tilespmem:s5], [sflag:$0xB], $0x4000, $0x38;
	[tilespmem:$0x10400] =	vst v63  }
0x18b: {  	_ =	swait.ge [sflag:s20], $0x4000  }
0x18c: {  	[sflag:s20] =	ssyncset.done $0x0  }
0x18d: {  	s15 =	rddreg [dreg:$0x12];
	[sflag:s20] =	ssyncadd.s32 $0xFFFFC000  }
0x18e: {  	[hbm4b:s15+s1] =	stream.linear.scatter [tilespmem:s14], [sflag:$0xC], $0x4000, $0x38;
	[tilespmem:$0x10400] =	vst v63  }
0x18f: {  	_ =	swait.ge [sflag:s21], $0x4000  }
0x190: {  	[sflag:s21] =	ssyncset.done $0x0  }
0x191: {  	[sflag:s21] =	ssyncadd.s32 $0xFFFFC000  }
0x192: {  	_ =	swait.ge [sflag:s22], $0x4000  }
0x193: {  	[sflag:s22] =	ssyncset.done $0x0  }
0x194: {  	[sflag:s22] =	ssyncadd.s32 $0xFFFFC000  }
0x195: {  	_ =	swait.ge [sflag:s23], $0x4000  }
0x196: {  	[sflag:s23] =	ssyncset.done $0x0  }
0x197: {  	[sflag:s23] =	ssyncadd.s32 $0xFFFFC000  }
0x198: {  	_ =	swait.ge [sflag:s24], $0x4000  }
0x199: {  	[sflag:s24] =	ssyncset.done $0x0  }
0x19a: {  	s16 =	rddreg [dreg:$0x13];
	[sflag:s24] =	ssyncadd.s32 $0xFFFFC000  }
0x19b: {  	[tilespmem:s1], [sflag:$0x1] =	stream.linear.gather [hbm4b:s16+s1], $0x100, $0x38;
	[tilespmem:$0x10400] =	vst v63  }
0x19c: {  	_ =	swait.ge [sflag:s8], $0x100  }
0x19d: {  	[sflag:s8] =	ssyncset.done $0x0  }
0x19e: {  	[sflag:s8] =	ssyncadd.s32 $0xFFFFFF00  }
0x19f: {  	[tilespmem:s6], [sflag:$0x5] =	stream.indirect.gather [hbm4b:s3+s9], $0x40, s1, s9, $0xb8;
	[tilespmem:$0x10400] =	vst v63  }
0x1a0: {  	s25 =	simm.s32 $0x2400  }
0x1a1: {  	[tilespmem:s25], [sflag:$0x5] =	stream.indirect.gather [hbm4b:s3+s9], $0x40, s9, s9, $0xb8;
	[tilespmem:$0x10400] =	vst v63  }
0x1a2: {  	_ =	swait.ge [sflag:s0], $0x4000  }
0x1a3: {  	[sflag:s0] =	ssyncset.done $0x0  }
0x1a4: {  	s29 =	rddreg [dreg:$0x14];
	[sflag:s0] =	ssyncadd.s32 $0xFFFFC000  }
0x1a5: {  	[hbm4b:s29+s1] =	stream.linear.scatter [tilespmem:s6], [sflag:$0x9], $0x4000, $0x38;
	[tilespmem:$0x10400] =	vst v63  }
0x1a6: {  	_ =	swait.ge [sflag:s21], $0x4000  }
0x1a7: {  	s26 =	smov.u32 s30;
	s30 =	sld [smem:$0x7F9];
	_ =	sdelay $0x2  }
0x1a8: {  	s31 =	rddreg [dreg:$0x15];
	s5 =	sadd.s32 $0x1, s30  }
0x1a9: {  	p0 =	sne.s32 s5, s31  }
.Ltmp2:
0x1aa: {  	_ = 	snop;
	(pc) =	sbr.rel @p0 .LBB2_1-.Ltmp2, $4  }
0x1ab: {  	_ = 	snop  }
0x1ac: {  	s7 =	simm.s32 $0x200;
	s10 =	simm.s32 $0x6400  }
0x1ad: {  	s11 =	simm.s32 $0x300;
	s12 =	simm.s32 $0x280;
	[sflag:s21] =	ssyncset.done $0x0  }
0x1ae: {  	s15 =	simm.s32 $0xA400;
	s6 =	simm.s32 $0x100;
	[sflag:s21] =	ssyncadd.s32 $0xFFFFC000  }
0x1af: {  	_ =	sfence.sel $0x180000  }
0x1b0: {  	[bflag:$0x0] =	sbarrier.arrive $0xFFFF  }
0x1b1: {  	_ =	strace $0x90000047  }
0x1b2: {  	s0 =	stileid.u32;
	[bflag:$0x2] =	sbarrier.arrive $0xFFFF  }
0x1b3: {  	p0 =	sne.s32 s0, $0x0;
	s0 =	rddreg [dreg:$0x3]  }
0x1b4: {  	s0 =	sadd.s32 @!p0 $0x100000, s0  }
0x1b5: {  	[sflag:s0] =	ssyncadd.tile.s32 @!p0 $0x1;
	_ =	shalt  }
.Lfunc_end2:
_tile_overlayer_lowered:
.L_overlay_start_2:
0x1b6: {  	(tag) =	ssettag $0x2  }
0x1b7: {  	s0 =	rddreg [dreg:$0x0];
	s2 =	stileid.u32  }
0x1b8: {  	s1 =	rddreg [dreg:$0x1];
	p0 =	sne.s32 s2, $0x0  }
0x1b9: {  	s3 =	rddreg [dreg:$0x2];
	[bflag:$0x3] =	sbarrier.arrive $0xFFFF;
	s2 =	simm.s32 @!p0 $0x1C0D  }
0x1ba: {  	[timem:s3], [sflag:s2] =	dma.local @!p0 [hbm:s0], s1  }
0x1bb: {  	s0 =	simm.s32 @!p0 $0xD  }
0x1bc: {  	_ =	swait.ge @!p0 [sflag:s0], s1  }
0x1bd: {  	s1 =	ssub.s32 @!p0 $0x0, s1;
	[sflag:s0] =	ssyncset.done @!p0 $0x0  }
0x1be: {  	[sflag:s0] =	ssyncadd.s32 @!p0 s1  }
0x1bf: {  	[bflag:$0x3] =	sbarrier.arrive $0xFFFF  }
0x1c0: {  	_ =	shalt  }

// kernel: sparse-core-data-format-call.cloned.1.call-start
scs
called_computation_lowered:
.L_overlay_start_0:
0x0: {  	s2 =	sld [smem:$0x3FD9]  }
0x1: {  	s3 =	sld [smem:$0x3FFE];
	_ =	sdelay $0x1  }
0x2: {  	s1 =	srdreg.scid  }
0x3: {  	s0 =	sand.u32 $0x1, s1  }
0x4: {  	s15 =	sshll.u32 s0, $0xA;
	s2 =	sadd.s32 s3, s2  }
0x5: {  	s2 =	sadd.s32 s2, s15  }
0x6: {  	[smem:$0x3FC2] =	sst s2  }
0x7: {  	_ = 	snop  }
0x8: {  	s2 =	sld [smem:$0x3FD0];
	_ =	sdelay $0x2  }
0x9: {  	s16 =	simm.s32 $0xA;
	s4 =	simm.s32 $0x10  }
0xa: {  	[smem:s4], [sflag:s16] =	dma.local [hbm:s2], $0x1  }
0xb: {  	_ =	swait.eq [sflag:s16], $0x1  }
0xc: {  	[sflag:s16] =	ssyncset.done $0x0  }
0xd: {  	[sflag:s16] =	ssyncadd.s32 $0xFFFFFFFF  }
0xe: {  	s17 =	sld [smem:$0x10];
	(tm) =	ssettm $0x1  }
0xf: {  	s18 =	sld [smem:$0x3FFB];
	_ =	sdelay $0x3  }
0x10: {  	_ =	strace s18  }
0x11: {  	s3 =	sld [smem:$0x3FFC];
	_ =	sdelay $0x3  }
0x12: {  	_ =	strace s3  }
0x13: {  	s3 =	sld [smem:$0x3FFD];
	_ =	sdelay $0x3  }
0x14: {  	_ =	strace s3  }
0x15: {  	_ =	strace $0x8FFFFFFF  }
0x16: {  	s19 =	sld [smem:$0x3FDB];
	_ =	sdelay $0x1  }
0x17: {  	s20 =	simm.s32 $_scs_section_size  }
0x18: {  	s5 =	simm.s32 $_size__tile_overlayer_lowered;
	s6 =	simm.s32 $_tile_overlayer_lowered  }
0x19: {  	s23 =	simm.s32 $0x1BFF;
	s22 =	sshll.u32 s6, $0x1;
	s3 =	sadd.s32 s20, s19  }
0x1a: {  	s7 =	simm.s32 $0x0;
	s21 =	sshll.u32 s5, $0x1;
	s5 =	sadd.s32 s22, s3  }
0x1b: {  	[timem:s7], [sflag:s23] =	dma.local [hbm:s5], s21  }
0x1c: {  	_ =	swait.ge [sflag:s23], s21  }
0x1d: {  	s4 =	ssub.s32 $0x0, s21;
	[sflag:s23] =	ssyncset.done $0x0  }
0x1e: {  	[sflag:s23] =	ssyncadd.s32 s4;
	_ =	sdelay $0x1  }
0x1f: {  	s24 =	simm.s32 $0x1B8B  }
0x20: {  	_ =	swait.ge [sflag:s24], $0x1  }
0x21: {  	[sflag:s24] =	ssyncset.done $0x0  }
0x22: {  	s26 =	simm.s32 $0x1B8E;
	s25 =	sld [smem:$0x3FFE];
	[sflag:s24] =	ssyncadd.s32 $0xFFFFFFFF  }
0x23: {  	s27 =	simm.s32 $execute0_lowered;
	[smem:$0x3FD2] =	sst s26  }
0x24: {  	s5 =	sshll.u32 s27, $0x1;
	_ =	strace $0x80000049;
	[dreg:$0x1] =	wrdreg $0xFFFFFFFF  }
0x25: {  	s28 =	simm.s32 $_size_execute0_lowered;
	s3 =	sadd.s32 s3, s5;
	[dreg:$0x0] =	wrdreg $0x0  }
0x26: {  	s5 =	sshll.u32 s28, $0x1;
	[dreg:$0x2] =	wrdreg s3  }
0x27: {  	[dreg:$0x3] =	wrdreg s5  }
0x28: {  	[dreg:$0x4] =	wrdreg $0xC0  }
0x29: {  	_ =	task [dreg:s7], $0x5FFFF  }
0x2a: {  	[dreg:$0x1] =	wrdreg $0xFFFFFFFF  }
0x2b: {  	[dreg:$0x0] =	wrdreg $0x60  }
0x2c: {  	[dreg:$0x2] =	wrdreg s25  }
0x2d: {  	[dreg:$0x3] =	wrdreg s17  }
0x2e: {  	[dreg:$0x4] =	wrdreg $0x9  }
0x2f: {  	_ =	task.clear_ibuf [dreg:s7], $0x5FFFF;
	_ =	strace $0x90000049  }
0x30: {  	s29 =	simm.s32 $0x9;
	_ =	strace $0x8000004B  }
0x31: {  	_ =	swait.ge [sflag:s29], $0x1  }
0x32: {  	[sflag:s29] =	ssyncadd.s32 $0xFFFFFFFF  }
0x33: {  	_ =	strace $0x9000004B  }
0x34: {  	_ =	sfence  }
0x35: {  	s30 =	sld [smem:$0x0];
	_ =	sdelay $0x2  }
0x36: {  	s31 =	sshll.u32 s1, $0xD;
	s1 =	sshrl.u32 s1, $0x2  }
0x37: {  	s3 =	sand.u32 $0x4000, s31;
	s1 =	sadd.s32 s1, s30  }
0x38: {  	s0 =	sor.u32 s3, s0;
	s1 =	sshll.u32 s1, $0x11  }
0x39: {  	s0 =	sor.u32 s1, s0  }
0x3a: {  	s0 =	sadd.s32 $0x8F2B, s0  }
0x3b: {  	[sflag:s0] =	ssyncadd.remote.s32 $0x1  }
0x3c: {  	_ =	sfence.sel $0xFFFF  }
0x3d: {  	[dreg:$0x0] =	wrdreg $0xFFFFFFFF;
	(pc) =	sbr.abs _section_cstart, $3  }
0x3e: {  	[dreg:$0x1] =	wrdreg $0xFFFFFFFF  }
0x3f: {  	_ =	task.clear_ibuf [dreg:s7], $0x2FFFF;
	_ =	strace $0x9FFFFFFF  }
0x40: {  	(tm) =	ssettm $0x7FFFFFFF  }
0x41: {  	_ =	shalt  }
tec
execute0_lowered:
.L_overlay_start_1:
0x0: {  	(tag) =	ssettag $0x1  }
0x1: {  	s0 =	srdreg.scid  }
0x2: {  	s7 =	rddreg [dreg:$0x0];
	s1 =	sshll.u32 s0, $0x4  }
0x3: {  	s3 =	rddreg [dreg:$0x1];
	s0 =	stileid.u32;
	s1 =	sand.u32 $0x10, s1  }
0x4: {  	s6 =	simm.s32 $0x1;
	s31 =	simm.s32 $0x2;
	s1 =	sor.u32 s0, s1  }
0x5: {  	s13 =	simm.s32 $0x0;
	s9 =	simm.s32 $0x4000;
	s2 =	sshll.u32 s1, $0x1  }
0x6: {  	s14 =	simm.s32 $0x0;
	s10 =	simm.s32 $0x0;
	s4 =	ssub.s32 $0x400, s2  }
0x7: {  	s12 =	simm.s32 $0x0;
	s1 =	rddreg [dreg:$0x2];
	s5 =	sand.u32 $0x3E, s4  }
.Ltmp0:
0x8: {  	_ =	strace $0x8000004A;
	p0 =	sne.s32 s5, $0x0;
	(pc) =	sbr.rel .LBB1_1-.Ltmp0, $4  }
0x9: {  	s11 =	smov.u32 s2;
	s8 =	sshrl.u32 s4, $0x6;
	s6 =	simm.s32 @!p0 $0x0  }
0xa: {  	s4 =	sadd.s32 $0x1000, s7;
	s5 =	simm.s32 $0x1;
	s6 =	sadd.s32 s6, s8  }
0xb: {  	s7 =	sadd.s32 $0x9000, s7;
	[sflag:s5] =	ssyncpa.u1 $0x0;
	s6 =	sshll.u32 s6, $0x4  }
0xc: {  	p0 =	por $0x0, $0x0;
	[sflag:s31] =	ssyncpa.u1 $0x0;
	s8 =	sor.u32 $0x1, s6  }
.LBB1_7:
0xd: {  	s15 =	sadd.s32 $0x80, s10  }
0xe: {  	s13 =	sadd.s32 $0x40, s11;
	s17 =	smov.u32 s11;
	p2 =	sgt.s32 s15, $0x7FF  }
0xf: {  	s17 =	smov.u32 @p2 s13  }
0x10: {  	s15 =	simm.s32 @p2 $0x0;
	p2 =	sgt.s32 s17, $0x3FF  }
0x11: {  	s17 =	smov.u32 @p2 s2;
	p2 =	sne.s32 s12, s8  }
.Ltmp1:
0x12: {  	p1 =	slt.u32 s12, $0x2;
	(pc) =	sbr.rel @!p2 .LBB1_8-.Ltmp1, $4  }
0x13: {  	s16 =	simm.s32 @!p1 $0x2  }
0x14: {  	s14 =	smov.u32 s11;
	p0 =	por !p0, !p0;
	_ =	swait.ge @!p1 [sflag:s16], $0x4000  }
0x15: {  	s13 =	smov.u32 s10;
	[sflag:s16] =	ssyncset.done @!p1 $0x0;
	s10 =	smov.u32 s15  }
0x16: {  	s12 =	sadd.s32 $0x1, s12;
	[sflag:s16] =	ssyncadd.s32 @!p1 $0xFFFFC000;
	s11 =	smov.u32 s17  }
.LBB1_1:
0x17: {  	p1 =	sge.u32 s12, s6  }
0x18: {  	s15 =	sxor.u32 @!p1 $0xFFFFFFFF, s12;
	s16 =	sshll.u32 @!p1 s11, $0xF  }
0x19: {  	s17 =	sshll.u32 @!p1 s10, $0x4;
	s19 =	simm.s32 @!p1 $0x40;
	s20 =	simm.s32 @!p1 $0x80  }
0x1a: {  	s15 =	sshll.u32 @!p1 s15, $0xE;
	s17 =	sand.u32 @!p1 $0x7FF0, s17;
	s18 =	sadd.s32 @!p1 s4, s16  }
0x1b: {  	s16 =	sadd.s32 @!p1 s16, s7;
	s15 =	sand.u32 @!p1 $0x4000, s15;
	s18 =	sadd.s32 @!p1 s17, s18  }
0x1c: {  	[tilespmem:s15], [sflag:$0x1] =	stream.strided.gather @!p1 [hbm4b:s18+s19], $0x2000, s20, s19, $0x38;
	[tilespmem:$0x10100] =	vst v63  }
0x1d: {  	s31 =	sadd.s32 $0xFFFFFFFF, s12;
	s16 =	sadd.s32 @!p1 s17, s16;
	s15 =	sor.u32 @!p1 $0x2000, s15  }
0x1e: {  	[tilespmem:s15], [sflag:$0x1] =	stream.strided.gather @!p1 [hbm4b:s16+s19], $0x2000, s20, s19, $0x38;
	[tilespmem:$0x10100] =	vst v63  }
0x1f: {  	p1 =	sge.u32 s31, s6  }
.Ltmp2:
0x20: {  	_ = 	snop;
	(pc) =	sbr.rel @p1 .LBB1_7-.Ltmp2, $1  }
0x21: {  	_ =	sdelay $0x3  }
0x22: {  	s15 =	simm.s32 $0x1;
	s17 =	sand.u32 $0x1, s12  }
0x23: {  	_ =	swait.ge [sflag:s5], $0x4000;
	s15 =	simm.s32 @!p0 $0x0;
	s17 =	smul.u32 $0x10200, s17  }
0x24: {  	p2 =	por $0x1, $0x1;
	[sflag:s5] =	ssyncset.done $0x0;
	s16 =	smul.u32 $0x10200, s15  }
0x25: {  	s18 =	sshll.u32 s15, $0x10;
	[sflag:s5] =	ssyncadd.s32 $0xFFFFC000;
	s30 =	sshrl.u32 s17, $0x2  }
0x26: {  	s31 =	sshrl.u32 s18, $0x2;
	s18 =	simm.s32 $0x0;
	s16 =	sshrl.u32 s16, $0x2  }
0x27: {  	s15 =	sor.u32 $0x8000, s30;
	s17 =	sadd.s32 $0x20, s31;
	s16 =	sor.u32 $0x8000, s16  }
.LBB1_3:
0x28: {  	s19 =	sshll.u32 s18, $0xD  }
0x29: {  	s19 =	sand.u32 $0x3FFFE000, s19  }
0x2a: {  	s21 =	sadd.s32 s19, s17  }
0x2b: {  	s31 =	smul.u32 $0x8100, s18;
	v3 =	vld [tilespmem:s21+$0x10]  }
0x2c: {  	v1 =	vld [tilespmem:s21+$0xFFFFFFF0]  }
0x2d: {  	s18 =	sshra.s32 s31, $0x2;
	v0 =	vld [tilespmem:s21+$0x0]  }
0x2e: {  	s18 =	sadd.s32 s18, s16;
	v2 =	vld [tilespmem:s21+$0xFFFFFFE0]  }
0x2f: {  	s19 =	sadd.s32 $0x0, s18  }
0x30: {  	p1 =	por p2, p2;
	s20 =	simm.s32 $0x4;
	s21 =	sadd.s32 $0x40, s21;
	[tilespmem:s19+$0x1830 ss:$0x81] =	vst.msk $0xffff, v3  }
.LBB1_4:
0x31: {  	v3 =	vld [tilespmem:s21+$0x10];
	p2 =	sne.s32 s20, $0x1FC;
	[tilespmem:s19+$0x810 ss:$0x81] =	vst.msk $0xffff, v1;
	s22 =	smov.u32 s20;
	s20 =	sadd.s32 $0x4, s20  }
.Ltmp3:
0x32: {  	v1 =	vld [tilespmem:s21+$0xFFFFFFF0];
	[tilespmem:s19+$0x1020 ss:$0x81] =	vst.msk $0xffff, v0;
	(pc) =	sbr.rel @p2 .LBB1_4-.Ltmp3, $4  }
0x33: {  	v0 =	vld [tilespmem:s21+$0x0];
	[tilespmem:s19+$0x0 ss:$0x81] =	vst.msk $0xffff, v2  }
0x34: {  	s19 =	sshra.s32 s22, $0x2;
	v2 =	vld [tilespmem:s21+$0xFFFFFFE0]  }
0x35: {  	s19 =	sadd.s32 s19, s18  }
0x36: {  	s21 =	sadd.s32 $0x40, s21;
	[tilespmem:s19+$0x1830 ss:$0x81] =	vst.msk $0xffff, v3  }
.Ltmp4:
0x37: {  	(pc) =	sbr.rel @p1 .LBB1_3-.Ltmp4, $4  }
0x38: {  	_ = 	snop  }
0x39: {  	[tilespmem:s19+$0x810 ss:$0x81] =	vst.msk $0xffff, v1  }
0x3a: {  	[tilespmem:s19+$0x1020 ss:$0x81] =	vst.msk $0xffff, v0  }
0x3b: {  	s18 =	simm.s32 $0x1;
	p2 =	por $0x0, $0x0;
	[tilespmem:s19+$0x0 ss:$0x81] =	vst.msk $0xffff, v2  }
0x3c: {  	s16 =	sshll.u32 s13, $0x3;
	s17 =	sand.u32 $0x78, s13;
	s14 =	sshll.u32 s14, $0xE  }
.Ltmp5:
0x3d: {  	s30 =	sand.u32 $0x3F00, s13;
	s16 =	sand.u32 $0x400, s16;
	(pc) =	sbr.rel .LBB1_7-.Ltmp5, $4  }
0x3e: {  	s31 =	sand.u32 $0x7, s13;
	s14 =	sadd.s32 s3, s14;
	s16 =	sor.u32 s17, s16  }
0x3f: {  	s13 =	sshll.u32 s31, $0x12;
	s14 =	sadd.s32 s30, s14;
	s16 =	sshrl.u32 s16, $0x3  }
0x40: {  	s13 =	sor.u32 $0x400, s13;
	s14 =	sadd.s32 s16, s14  }
0x41: {  	[hbm4b:s14+s13] =	stream.strided.scatter [tilespmem:s15], [sflag:$0x2], $0x4000, s9, s13, $0x20;
	[tilespmem:$0x10100] =	vst v63  }
.LBB1_8:
0x42: {  	_ =	sfence.sel $0x180000  }
0x43: {  	s2 =	simm.s32 $0x1;
	[bflag:$0x0] =	sbarrier.arrive $0xFFFF  }
0x44: {  	s31 =	simm.s32 $0x2;
	[sflag:s2] =	ssyncpa.u1 $0x1  }
0x45: {  	[sflag:s31] =	ssyncpa.u1 $0x1  }
0x46: {  	p0 =	sne.s32 s0, $0x0;
	_ =	strace $0x9000004A  }
0x47: {  	s0 =	sadd.s32 @!p0 $0x100000, s1;
	[bflag:$0x2] =	sbarrier.arrive $0xFFFF  }
0x48: {  	[sflag:s0] =	ssyncadd.tile.s32 @!p0 $0x1;
	_ =	shalt  }
.Lfunc_end1:
_tile_overlayer_lowered:
.L_overlay_start_2:
0x49: {  	(tag) =	ssettag $0x2  }
0x4a: {  	s0 =	rddreg [dreg:$0x0];
	s2 =	stileid.u32  }
0x4b: {  	s1 =	rddreg [dreg:$0x1];
	p0 =	sne.s32 s2, $0x0  }
0x4c: {  	s3 =	rddreg [dreg:$0x2];
	[bflag:$0x3] =	sbarrier.arrive $0xFFFF;
	s2 =	simm.s32 @!p0 $0x1C01  }
0x4d: {  	[timem:s3], [sflag:s2] =	dma.local @!p0 [hbm:s0], s1  }
0x4e: {  	s0 =	simm.s32 @!p0 $0x1  }
0x4f: {  	_ =	swait.ge @!p0 [sflag:s0], s1  }
0x50: {  	s1 =	ssub.s32 @!p0 $0x0, s1;
	[sflag:s0] =	ssyncset.done @!p0 $0x0  }
0x51: {  	[sflag:s0] =	ssyncadd.s32 @!p0 s1  }
0x52: {  	[bflag:$0x3] =	sbarrier.arrive $0xFFFF  }
0x53: {  	_ =	shalt  }

</sc_bundles>
